<compile_context>
chip_gen: v7x
topology: tpu7x:2x2x1
jax: 0.10.2.dev20260603
libtpu: 0.0.44.dev20260713+nightly
codegen_flags: <defaults>
</compile_context>

<pallas_src>
import functools

import jax
import jax.numpy as jnp
from jax import lax
from jax.experimental import pallas as pl
from jax.experimental.pallas import tpu as pltpu
from jax.experimental.pallas import tpu_sc as plsc

L = 2
E = 8
K = 2
D = 1024
F = 704
FS = 1408
T = 2048

TBG = 512
NB = T * K // TBG + E - 1
NSLOT = NB * TBG
STB = 256
CH = 256

NW = 32
BPW = T // NW



def _sc_mesh():
    return plsc.VectorSubcoreMesh(core_axis_name="c", subcore_axis_name="s")


def _embed_gather(embed_table, input_ids):

    @functools.partial(
        pl.kernel,
        mesh=_sc_mesh(),
        out_type=jax.ShapeDtypeStruct((T, D), jnp.float32),
        scratch_types=[
            pltpu.VMEM((BPW,), jnp.int32),
            pltpu.VMEM((BPW, D), jnp.float32),
            pltpu.SemaphoreType.DMA,
        ],
    )
    def k(table_hbm, idx_hbm, out_hbm, idx_v, rows_v, sem):
        wid = lax.axis_index("s") * 2 + lax.axis_index("c")
        base = wid * BPW
        pltpu.sync_copy(idx_hbm.at[pl.ds(base, BPW)], idx_v)
        pltpu.async_copy(table_hbm.at[idx_v], rows_v, sem).wait()
        pltpu.sync_copy(rows_v, out_hbm.at[pl.ds(base, BPW)])

    return k(embed_table, input_ids)


def _dispatch(h, pos0, pos1):

    @functools.partial(
        pl.kernel,
        mesh=_sc_mesh(),
        out_type=jax.ShapeDtypeStruct((NSLOT, D), jnp.float32),
        scratch_types=[
            pltpu.VMEM((BPW,), jnp.int32),
            pltpu.VMEM((BPW,), jnp.int32),
            pltpu.VMEM((BPW, D), jnp.float32),
            pltpu.SemaphoreType.DMA,
        ],
    )
    def k(h_hbm, p0_hbm, p1_hbm, xs_hbm, i0_v, i1_v, rows_v, sem):
        wid = lax.axis_index("s") * 2 + lax.axis_index("c")
        base = wid * BPW
        pltpu.sync_copy(p0_hbm.at[pl.ds(base, BPW)], i0_v)
        pltpu.sync_copy(p1_hbm.at[pl.ds(base, BPW)], i1_v)
        pltpu.sync_copy(h_hbm.at[pl.ds(base, BPW)], rows_v)
        c0 = pltpu.async_copy(rows_v, xs_hbm.at[i0_v], sem)
        c1 = pltpu.async_copy(rows_v, xs_hbm.at[i1_v], sem)
        c0.wait()
        c1.wait()

    return k(h, pos0, pos1)


def _unsort(y_sorted, pos0, pos1):

    @functools.partial(
        pl.kernel,
        mesh=_sc_mesh(),
        out_type=(
            jax.ShapeDtypeStruct((T, D), jnp.float32),
            jax.ShapeDtypeStruct((T, D), jnp.float32),
        ),
        scratch_types=[
            pltpu.VMEM((BPW,), jnp.int32),
            pltpu.VMEM((BPW, D), jnp.float32),
            pltpu.SemaphoreType.DMA,
        ],
    )
    def k(ys_hbm, p0_hbm, p1_hbm, y0_hbm, y1_hbm, i_v, rows_v, sem):
        wid = lax.axis_index("s") * 2 + lax.axis_index("c")
        base = wid * BPW
        pltpu.sync_copy(p0_hbm.at[pl.ds(base, BPW)], i_v)
        pltpu.async_copy(ys_hbm.at[i_v], rows_v, sem).wait()
        pltpu.sync_copy(rows_v, y0_hbm.at[pl.ds(base, BPW)])
        pltpu.sync_copy(p1_hbm.at[pl.ds(base, BPW)], i_v)
        pltpu.async_copy(ys_hbm.at[i_v], rows_v, sem).wait()
        pltpu.sync_copy(rows_v, y1_hbm.at[pl.ds(base, BPW)])

    return k(y_sorted, pos0, pos1)



def _router_body(h_ref, rw_ref, pos0_ref, pos1_ref, w01_ref, spinfo_ref):
    h = h_ref[...]
    logits = jnp.dot(h, rw_ref[0], preferred_element_type=jnp.float32)

    m = jnp.max(logits, axis=-1, keepdims=True)
    ex = jnp.exp(logits - m)
    probs = ex / jnp.sum(ex, axis=-1, keepdims=True)
    lane = lax.broadcasted_iota(jnp.int32, probs.shape, 1)
    v1 = jnp.max(probs, axis=-1, keepdims=True)
    i1 = jnp.min(jnp.where(probs == v1, lane, E), axis=-1, keepdims=True)
    pm = jnp.where(lane == i1, -jnp.inf, probs)
    v2 = jnp.max(pm, axis=-1, keepdims=True)
    i2 = jnp.min(jnp.where(pm == v2, lane, E), axis=-1, keepdims=True)
    w01_ref[...] = jnp.concatenate([v1, v2], axis=1)

    cnt = jnp.where(lane == i1, 1.0, 0.0) + jnp.where(lane == i2, 1.0, 0.0)

    r = lax.broadcasted_iota(jnp.int32, (CH, CH), 0)
    c = lax.broadcasted_iota(jnp.int32, (CH, CH), 1)
    tri = jnp.where(r > c, 1.0, 0.0)
    run = jnp.zeros((1, E), jnp.float32)
    chunks = []
    for j in range(T // CH):
        cc = cnt[j * CH:(j + 1) * CH]
        chunks.append(jnp.dot(tri, cc, preferred_element_type=jnp.float32) + run)
        run = run + jnp.sum(cc, axis=0, keepdims=True)
    cprefix = jnp.concatenate(chunks, axis=0)
    n = run

    pn = jnp.ceil(n / TBG) * TBG
    r8 = lax.broadcasted_iota(jnp.int32, (E, E), 0)
    c8 = lax.broadcasted_iota(jnp.int32, (E, E), 1)
    ustrict = jnp.where(r8 < c8, 1.0, 0.0)
    off = jnp.dot(pn, ustrict, preferred_element_type=jnp.float32)
    cum = off + pn
    ptotal = jnp.sum(pn)

    def sel(arr, key):
        return jnp.sum(jnp.where(lane == key, arr, 0.0), axis=1, keepdims=True)

    pos0 = sel(off, i1) + sel(cprefix, i1)
    pos1 = sel(off, i2) + sel(cprefix, i2)
    pos0_ref[...] = pos0.astype(jnp.int32)
    pos1_ref[...] = pos1.astype(jnp.int32)

    bs = (lax.broadcasted_iota(jnp.int32, (1, NB), 1) * TBG).astype(jnp.float32)
    bs = jnp.minimum(bs, ptotal - 1.0)
    be = jnp.zeros((1, NB), jnp.float32)
    for e in range(E):
        be = be + jnp.where(bs >= cum[0, e], 1.0, 0.0)
    spinfo = jnp.concatenate(
        [be, jnp.full((1, 1), ptotal, jnp.float32)], axis=1)
    spinfo_ref[...] = spinfo.astype(jnp.int32)


def _router(h, router_w, l):
    return pl.pallas_call(
        _router_body,
        grid=(1,),
        in_specs=[
            pl.BlockSpec((T, D), lambda i: (0, 0)),
            pl.BlockSpec((1, D, E), lambda i: (l, 0, 0)),
        ],
        out_specs=[
            pl.BlockSpec((T, 1), lambda i: (0, 0)),
            pl.BlockSpec((T, 1), lambda i: (0, 0)),
            pl.BlockSpec((T, K), lambda i: (0, 0)),
            pl.BlockSpec((1, NB + 1), lambda i: (0, 0)),
        ],
        out_shape=[
            jax.ShapeDtypeStruct((T, 1), jnp.int32),
            jax.ShapeDtypeStruct((T, 1), jnp.int32),
            jax.ShapeDtypeStruct((T, K), jnp.float32),
            jax.ShapeDtypeStruct((1, NB + 1), jnp.int32),
        ],
    )(h, router_w)



def _grouped_body(sp_ref, x_ref, wg_ref, wu_ref, wd_ref, y_ref):
    b = pl.program_id(0)

    @pl.when(b * TBG < sp_ref[NB])
    def _():
        nt = (((1,), (1,)), ((), ()))
        x = x_ref[...].astype(jnp.bfloat16)
        g = lax.dot_general(x, wg_ref[0, 0].astype(jnp.bfloat16), nt,
                            preferred_element_type=jnp.float32)
        u = lax.dot_general(x, wu_ref[0, 0].astype(jnp.bfloat16), nt,
                            preferred_element_type=jnp.float32)
        a = (jax.nn.silu(g) * u).astype(jnp.bfloat16)
        y_ref[...] = jnp.dot(a, wd_ref[0, 0].astype(jnp.bfloat16),
                             preferred_element_type=jnp.float32)


def _grouped_ffn(spinfo, x_sorted, w_gate, w_up, w_down, l):
    grid_spec = pltpu.PrefetchScalarGridSpec(
        num_scalar_prefetch=1,
        grid=(NB,),
        in_specs=[
            pl.BlockSpec((TBG, D), lambda b, sp: (b, 0)),
            pl.BlockSpec((1, 1, F, D), lambda b, sp: (l, sp[b], 0, 0)),
            pl.BlockSpec((1, 1, F, D), lambda b, sp: (l, sp[b], 0, 0)),
            pl.BlockSpec((1, 1, F, D), lambda b, sp: (l, sp[b], 0, 0)),
        ],
        out_specs=pl.BlockSpec((TBG, D), lambda b, sp: (b, 0)),
    )
    return pl.pallas_call(
        _grouped_body,
        grid_spec=grid_spec,
        out_shape=jax.ShapeDtypeStruct((NSLOT, D), jnp.float32),
        compiler_params=pltpu.CompilerParams(
            dimension_semantics=("parallel",)),
    )(spinfo, x_sorted, w_gate, w_up, w_down)



def _shared_body(h_ref, s1_ref, s3_ref, s2_ref, sg_ref, out_ref):
    h = h_ref[...]
    hb = h.astype(jnp.bfloat16)
    a = jax.nn.silu(jnp.dot(hb, s1_ref[0].astype(jnp.bfloat16),
                            preferred_element_type=jnp.float32))
    b = jnp.dot(hb, s3_ref[0].astype(jnp.bfloat16),
                preferred_element_type=jnp.float32)
    sh = jnp.dot((a * b).astype(jnp.bfloat16), s2_ref[0].astype(jnp.bfloat16),
                 preferred_element_type=jnp.float32)
    gate = jax.nn.sigmoid(jnp.dot(h, sg_ref[0],
                                  preferred_element_type=jnp.float32))
    out_ref[...] = gate * sh


def _shared(h, sh_w1, sh_w3, sh_w2, sh_gate, l):
    return pl.pallas_call(
        _shared_body,
        grid=(T // STB,),
        in_specs=[
            pl.BlockSpec((STB, D), lambda t: (t, 0)),
            pl.BlockSpec((1, D, FS), lambda t: (l, 0, 0)),
            pl.BlockSpec((1, D, FS), lambda t: (l, 0, 0)),
            pl.BlockSpec((1, FS, D), lambda t: (l, 0, 0)),
            pl.BlockSpec((1, D, 1), lambda t: (l, 0, 0)),
        ],
        out_specs=pl.BlockSpec((STB, D), lambda t: (t, 0)),
        out_shape=jax.ShapeDtypeStruct((T, D), jnp.float32),
        compiler_params=pltpu.CompilerParams(
            dimension_semantics=("parallel",)),
    )(h, sh_w1, sh_w3, sh_w2, sh_gate)



def _combine_body(y0_ref, y1_ref, w01_ref, sh_ref, out_ref):
    w01 = w01_ref[...]
    out_ref[...] = (w01[:, 0:1] * y0_ref[...] + w01[:, 1:2] * y1_ref[...]
                    + sh_ref[...])


def _combine(y0, y1, w01, sh):
    return pl.pallas_call(
        _combine_body,
        grid=(T // STB,),
        in_specs=[
            pl.BlockSpec((STB, D), lambda t: (t, 0)),
            pl.BlockSpec((STB, D), lambda t: (t, 0)),
            pl.BlockSpec((STB, K), lambda t: (t, 0)),
            pl.BlockSpec((STB, D), lambda t: (t, 0)),
        ],
        out_specs=pl.BlockSpec((STB, D), lambda t: (t, 0)),
        out_shape=jax.ShapeDtypeStruct((T, D), jnp.float32),
        compiler_params=pltpu.CompilerParams(
            dimension_semantics=("parallel",)),
    )(y0, y1, w01, sh)


@jax.jit
def kernel(input_ids, positions, embed_table, router_w, w_gate, w_up, w_down, sh_w1, sh_w3, sh_w2, sh_gate):
    del positions
    h = _embed_gather(embed_table, input_ids.astype(jnp.int32))
    for l in range(L):
        pos0, pos1, w01, spinfo = _router(h, router_w, l)
        p0 = jnp.reshape(pos0, (T,))
        p1 = jnp.reshape(pos1, (T,))
        x_sorted = _dispatch(h, p0, p1)
        sh = _shared(h, sh_w1, sh_w3, sh_w2, sh_gate, l)
        y_sorted = _grouped_ffn(jnp.reshape(spinfo, (NB + 1,)), x_sorted,
                                jnp.swapaxes(w_gate, 2, 3),
                                jnp.swapaxes(w_up, 2, 3), w_down, l)
        y0, y1 = _unsort(y_sorted, p0, p1)
        h = _combine(y0, y1, w01, sh)
    return h

# --- scband reference (transcript-rebuilt; emitter-appended) ---
"""Pipeline reference for scband-qwen2-moe-only-model-8366596293049 (READ-ONLY COPY).

The authoritative reference and input builder live on the scoring server;
editing this copy changes nothing except your own understanding.
"""

import jax, jax.numpy as jnp
import numpy as np

L = 2      # num_hidden_layers
E = 8      # num_experts
K = 2      # top_k (num_experts_per_tok)
D = 1024   # hidden_size
F = 704    # moe_intermediate_size
FS = 1408  # shared_expert_intermediate_size
V = 100000 # vocab_size
T = 2048   # total tokens (batch=1 * seq_len=2048)


def setup_inputs(seed: int = 0) -> dict:
    key = jax.random.key(seed)
    ks = jax.random.split(key, 12)
    s = 0.02
    inp = {}
    inp["input_ids"] = jax.random.randint(ks[0], (T,), 0, V)
    inp["positions"] = jnp.arange(T)
    inp["embed_table"] = jax.random.normal(ks[1], (V, D), jnp.float32) * s
    inp["router_w"] = jax.random.normal(ks[2], (L, D, E), jnp.float32) * s
    inp["w_gate"] = jax.random.normal(ks[3], (L, E, D, F), jnp.float32) * s
    inp["w_up"] = jax.random.normal(ks[4], (L, E, D, F), jnp.float32) * s
    inp["w_down"] = jax.random.normal(ks[5], (L, E, F, D), jnp.float32) * s
    inp["sh_w1"] = jax.random.normal(ks[6], (L, D, FS), jnp.float32) * s
    inp["sh_w3"] = jax.random.normal(ks[7], (L, D, FS), jnp.float32) * s
    inp["sh_w2"] = jax.random.normal(ks[8], (L, FS, D), jnp.float32) * s
    inp["sh_gate"] = jax.random.normal(ks[9], (L, D, 1), jnp.float32) * s
    return inp


def _moe_block(h, rw, wg, wu, wd, s1, s3, s2, sg):
    # Qwen2MoeSparseMoeBlock: softmax router -> top-k dispatch (norm_topk_prob=False)
    logits = h @ rw                                   # [T, E]
    probs = jax.nn.softmax(logits, axis=-1)
    topk_w, topk_i = jax.lax.top_k(probs, K)          # [T, K]
    oh = jax.nn.one_hot(topk_i, E, dtype=h.dtype)     # [T, K, E]
    cw = jnp.einsum('tke,tk->te', oh, topk_w)         # dense combine weights
    # Experts: down( silu(gate_proj(x)) * up_proj(x) ), computed densely, masked by cw
    g = jnp.einsum('td,edf->etf', h, wg)
    u = jnp.einsum('td,edf->etf', h, wu)
    eo = jnp.einsum('etf,efd->etd', jax.nn.silu(g) * u, wd)
    moe_out = jnp.einsum('te,etd->td', cw, eo)
    # Shared expert with sigmoid gate
    sh = (jax.nn.silu(h @ s1) * (h @ s3)) @ s2
    sh = jax.nn.sigmoid(h @ sg) * sh
    return moe_out + sh


def reference(input_ids, positions, embed_table, router_w, w_gate, w_up, w_down, sh_w1, sh_w3, sh_w2, sh_gate):
    # embed_tokens -> stack of MoE-only decoder layers (layer.forward only calls self.mlp)
    h = jnp.take(embed_table, input_ids, axis=0)
    for l in range(L):
        h = _moe_block(h, router_w[l], w_gate[l], w_up[l], w_down[l], sh_w1[l], sh_w3[l], sh_w2[l], sh_gate[l])
    return h

if __name__ == "__main__":
    import jax
    _d = setup_inputs()
    print(jax.jit(kernel)(*tuple(_d.values())))

</pallas_src>

<mosaic_0001>
#map = affine_map<(d0, d1) -> (0, 0)>
#map1 = affine_map<(d0, d1) -> (0)>
module attributes {stable_mosaic.version = 14 : i64} {
  func.func @k(%arg0: i32, %arg1: i32, %arg2: memref<7680x1024xf32, #tpu.memory_space<hbm>>, %arg3: memref<2048xi32, #tpu.memory_space<hbm>>, %arg4: memref<2048xi32, #tpu.memory_space<hbm>>, %arg5: memref<2048x1024xf32, #tpu.memory_space<hbm>>, %arg6: memref<2048x1024xf32, #tpu.memory_space<hbm>>, %arg7: memref<64xi32, #tpu.memory_space<vmem>>, %arg8: memref<64x1024xf32, #tpu.memory_space<vmem>>, %arg9: memref<!tpu.dma_semaphore, #tpu.memory_space<semaphore_mem>>) attributes {dimension_semantics = [#tpu.dimension_semantics<core_parallel>, #tpu.dimension_semantics<subcore_parallel>], iteration_bounds = array<i64: 2, 16>, scalar_prefetch = 0 : i64, scratch_operands = 3 : i64, tpu.core_type = #tpu.core_type<sc_vector_subcore>, window_params = [{transform_indices = #map}, {transform_indices = #map1}, {transform_indices = #map1}, {transform_indices = #map}, {transform_indices = #map}]} {
    %mul3A = arith.constant 2 : i32
    %mul3A_0 = arith.muli %arg1, %mul3A : i32
    %add3A = arith.addi %mul3A_0, %arg0 : i32
    %mul3A_1 = arith.constant 64 : i32
    %mul3A_2 = arith.muli %add3A, %mul3A_1 : i32
    "tpu.region"() ({
      %run_scoped3A = tpu.sem_alloc : memref<!tpu.dma_semaphore, #tpu.memory_space<semaphore_mem>>
      %dma_start3A_13 = tpu.memref_slice %arg3[%mul3A_2] : memref<2048xi32, #tpu.memory_space<hbm>> -> memref<64xi32, #tpu.memory_space<hbm>>
      %dma_start3A_14 = tpu.memref_slice %arg3[%mul3A_2] : memref<2048xi32, #tpu.memory_space<hbm>> -> memref<64xi32, #tpu.memory_space<hbm>>
      tpu.enqueue_dma source(%dma_start3A_14 : memref<64xi32, #tpu.memory_space<hbm>>) target(%arg7 : memref<64xi32, #tpu.memory_space<vmem>>) target_semaphore(%run_scoped3A : memref<!tpu.dma_semaphore, #tpu.memory_space<semaphore_mem>>)
      %dma_wait3A_15 = tpu.memref_slice %arg3[%mul3A_2] : memref<2048xi32, #tpu.memory_space<hbm>> -> memref<64xi32, #tpu.memory_space<hbm>>
      %dma_wait3A_16 = tpu.memref_slice %arg3[%mul3A_2] : memref<2048xi32, #tpu.memory_space<hbm>> -> memref<64xi32, #tpu.memory_space<hbm>>
      tpu.wait_dma2 semaphore(%run_scoped3A : memref<!tpu.dma_semaphore, #tpu.memory_space<semaphore_mem>>) src(%dma_wait3A_16 : memref<64xi32, #tpu.memory_space<hbm>>) dst(%arg7 : memref<64xi32, #tpu.memory_space<vmem>>)
      tpu.yield
    }) : () -> ()
    %dma_start3A = arith.constant 0 : i32
    %dma_start3A_3 = arith.constant 0 : i32
    %dma_start3A_4 = tpu.memref_slice %arg2[%dma_start3A, %dma_start3A_3] : memref<7680x1024xf32, #tpu.memory_space<hbm>> -> memref<7680x1024xf32, #tpu.memory_space<hbm>>
    tpu.enqueue_indirect_dma source(%dma_start3A_4 : memref<7680x1024xf32, #tpu.memory_space<hbm>>) target(%arg8 : memref<64x1024xf32, #tpu.memory_space<vmem>>) offsets(%arg7 : memref<64xi32, #tpu.memory_space<vmem>>) semaphore(%arg9 : memref<!tpu.dma_semaphore, #tpu.memory_space<semaphore_mem>>)
    %dma_wait3A = arith.constant 0 : i32
    %dma_wait3A_5 = arith.constant 0 : i32
    %dma_wait3A_6 = tpu.memref_slice %arg2[%dma_wait3A, %dma_wait3A_5] : memref<7680x1024xf32, #tpu.memory_space<hbm>> -> memref<7680x1024xf32, #tpu.memory_space<hbm>>
    tpu.wait_indirect_dma semaphore(%arg9 : memref<!tpu.dma_semaphore, #tpu.memory_space<semaphore_mem>>) src(%dma_wait3A_6 : memref<7680x1024xf32, #tpu.memory_space<hbm>>) dst(%arg8 : memref<64x1024xf32, #tpu.memory_space<vmem>>)
    "tpu.region"() ({
      %run_scoped3A = tpu.sem_alloc : memref<!tpu.dma_semaphore, #tpu.memory_space<semaphore_mem>>
      %dma_start3A_13 = arith.constant 0 : i32
      %dma_start3A_14 = tpu.memref_slice %arg5[%mul3A_2, %dma_start3A_13] : memref<2048x1024xf32, #tpu.memory_space<hbm>> -> memref<64x1024xf32, #tpu.memory_space<hbm>>
      %dma_start3A_15 = arith.constant 0 : i32
      %dma_start3A_16 = tpu.memref_slice %arg5[%mul3A_2, %dma_start3A_15] : memref<2048x1024xf32, #tpu.memory_space<hbm>> -> memref<64x1024xf32, #tpu.memory_space<hbm>>
      tpu.enqueue_dma source(%arg8 : memref<64x1024xf32, #tpu.memory_space<vmem>>) target(%dma_start3A_16 : memref<64x1024xf32, #tpu.memory_space<hbm>>) target_semaphore(%run_scoped3A : memref<!tpu.dma_semaphore, #tpu.memory_space<semaphore_mem>>)
      %dma_wait3A_17 = arith.constant 0 : i32
      %dma_wait3A_18 = tpu.memref_slice %arg5[%mul3A_2, %dma_wait3A_17] : memref<2048x1024xf32, #tpu.memory_space<hbm>> -> memref<64x1024xf32, #tpu.memory_space<hbm>>
      %dma_wait3A_19 = arith.constant 0 : i32
      %dma_wait3A_20 = tpu.memref_slice %arg5[%mul3A_2, %dma_wait3A_19] : memref<2048x1024xf32, #tpu.memory_space<hbm>> -> memref<64x1024xf32, #tpu.memory_space<hbm>>
      tpu.wait_dma2 semaphore(%run_scoped3A : memref<!tpu.dma_semaphore, #tpu.memory_space<semaphore_mem>>) src(%arg8 : memref<64x1024xf32, #tpu.memory_space<vmem>>) dst(%dma_wait3A_20 : memref<64x1024xf32, #tpu.memory_space<hbm>>)
      tpu.yield
    }) : () -> ()
    "tpu.region"() ({
      %run_scoped3A = tpu.sem_alloc : memref<!tpu.dma_semaphore, #tpu.memory_space<semaphore_mem>>
      %dma_start3A_13 = tpu.memref_slice %arg4[%mul3A_2] : memref<2048xi32, #tpu.memory_space<hbm>> -> memref<64xi32, #tpu.memory_space<hbm>>
      %dma_start3A_14 = tpu.memref_slice %arg4[%mul3A_2] : memref<2048xi32, #tpu.memory_space<hbm>> -> memref<64xi32, #tpu.memory_space<hbm>>
      tpu.enqueue_dma source(%dma_start3A_14 : memref<64xi32, #tpu.memory_space<hbm>>) target(%arg7 : memref<64xi32, #tpu.memory_space<vmem>>) target_semaphore(%run_scoped3A : memref<!tpu.dma_semaphore, #tpu.memory_space<semaphore_mem>>)
      %dma_wait3A_15 = tpu.memref_slice %arg4[%mul3A_2] : memref<2048xi32, #tpu.memory_space<hbm>> -> memref<64xi32, #tpu.memory_space<hbm>>
      %dma_wait3A_16 = tpu.memref_slice %arg4[%mul3A_2] : memref<2048xi32, #tpu.memory_space<hbm>> -> memref<64xi32, #tpu.memory_space<hbm>>
      tpu.wait_dma2 semaphore(%run_scoped3A : memref<!tpu.dma_semaphore, #tpu.memory_space<semaphore_mem>>) src(%dma_wait3A_16 : memref<64xi32, #tpu.memory_space<hbm>>) dst(%arg7 : memref<64xi32, #tpu.memory_space<vmem>>)
      tpu.yield
    }) : () -> ()
    %dma_start3A_7 = arith.constant 0 : i32
    %dma_start3A_8 = arith.constant 0 : i32
    %dma_start3A_9 = tpu.memref_slice %arg2[%dma_start3A_7, %dma_start3A_8] : memref<7680x1024xf32, #tpu.memory_space<hbm>> -> memref<7680x1024xf32, #tpu.memory_space<hbm>>
    tpu.enqueue_indirect_dma source(%dma_start3A_9 : memref<7680x1024xf32, #tpu.memory_space<hbm>>) target(%arg8 : memref<64x1024xf32, #tpu.memory_space<vmem>>) offsets(%arg7 : memref<64xi32, #tpu.memory_space<vmem>>) semaphore(%arg9 : memref<!tpu.dma_semaphore, #tpu.memory_space<semaphore_mem>>)
    %dma_wait3A_10 = arith.constant 0 : i32
    %dma_wait3A_11 = arith.constant 0 : i32
    %dma_wait3A_12 = tpu.memref_slice %arg2[%dma_wait3A_10, %dma_wait3A_11] : memref<7680x1024xf32, #tpu.memory_space<hbm>> -> memref<7680x1024xf32, #tpu.memory_space<hbm>>
    tpu.wait_indirect_dma semaphore(%arg9 : memref<!tpu.dma_semaphore, #tpu.memory_space<semaphore_mem>>) src(%dma_wait3A_12 : memref<7680x1024xf32, #tpu.memory_space<hbm>>) dst(%arg8 : memref<64x1024xf32, #tpu.memory_space<vmem>>)
    "tpu.region"() ({
      %run_scoped3A = tpu.sem_alloc : memref<!tpu.dma_semaphore, #tpu.memory_space<semaphore_mem>>
      %dma_start3A_13 = arith.constant 0 : i32
      %dma_start3A_14 = tpu.memref_slice %arg6[%mul3A_2, %dma_start3A_13] : memref<2048x1024xf32, #tpu.memory_space<hbm>> -> memref<64x1024xf32, #tpu.memory_space<hbm>>
      %dma_start3A_15 = arith.constant 0 : i32
      %dma_start3A_16 = tpu.memref_slice %arg6[%mul3A_2, %dma_start3A_15] : memref<2048x1024xf32, #tpu.memory_space<hbm>> -> memref<64x1024xf32, #tpu.memory_space<hbm>>
      tpu.enqueue_dma source(%arg8 : memref<64x1024xf32, #tpu.memory_space<vmem>>) target(%dma_start3A_16 : memref<64x1024xf32, #tpu.memory_space<hbm>>) target_semaphore(%run_scoped3A : memref<!tpu.dma_semaphore, #tpu.memory_space<semaphore_mem>>)
      %dma_wait3A_17 = arith.constant 0 : i32
      %dma_wait3A_18 = tpu.memref_slice %arg6[%mul3A_2, %dma_wait3A_17] : memref<2048x1024xf32, #tpu.memory_space<hbm>> -> memref<64x1024xf32, #tpu.memory_space<hbm>>
      %dma_wait3A_19 = arith.constant 0 : i32
      %dma_wait3A_20 = tpu.memref_slice %arg6[%mul3A_2, %dma_wait3A_19] : memref<2048x1024xf32, #tpu.memory_space<hbm>> -> memref<64x1024xf32, #tpu.memory_space<hbm>>
      tpu.wait_dma2 semaphore(%run_scoped3A : memref<!tpu.dma_semaphore, #tpu.memory_space<semaphore_mem>>) src(%arg8 : memref<64x1024xf32, #tpu.memory_space<vmem>>) dst(%dma_wait3A_20 : memref<64x1024xf32, #tpu.memory_space<hbm>>)
      tpu.yield
    }) : () -> ()
    return
  }
}

#map = affine_map<(d0, d1) -> (0, 0)>
#map1 = affine_map<(d0, d1) -> (0)>
module attributes {stable_mosaic.version = 14 : i64} {
  func.func @k(%arg0: i32, %arg1: i32, %arg2: memref<2048x1024xf32, #tpu.memory_space<hbm>>, %arg3: memref<2048xi32, #tpu.memory_space<hbm>>, %arg4: memref<2048xi32, #tpu.memory_space<hbm>>, %arg5: memref<7680x1024xf32, #tpu.memory_space<hbm>>, %arg6: memref<64xi32, #tpu.memory_space<vmem>>, %arg7: memref<64xi32, #tpu.memory_space<vmem>>, %arg8: memref<64x1024xf32, #tpu.memory_space<vmem>>, %arg9: memref<!tpu.dma_semaphore, #tpu.memory_space<semaphore_mem>>) attributes {dimension_semantics = [#tpu.dimension_semantics<core_parallel>, #tpu.dimension_semantics<subcore_parallel>], iteration_bounds = array<i64: 2, 16>, scalar_prefetch = 0 : i64, scratch_operands = 4 : i64, tpu.core_type = #tpu.core_type<sc_vector_subcore>, window_params = [{transform_indices = #map}, {transform_indices = #map1}, {transform_indices = #map1}, {transform_indices = #map}]} {
    %mul3A = arith.constant 2 : i32
    %mul3A_0 = arith.muli %arg1, %mul3A : i32
    %add3A = arith.addi %mul3A_0, %arg0 : i32
    %mul3A_1 = arith.constant 64 : i32
    %mul3A_2 = arith.muli %add3A, %mul3A_1 : i32
    "tpu.region"() ({
      %run_scoped3A = tpu.sem_alloc : memref<!tpu.dma_semaphore, #tpu.memory_space<semaphore_mem>>
      %dma_start3A_13 = tpu.memref_slice %arg3[%mul3A_2] : memref<2048xi32, #tpu.memory_space<hbm>> -> memref<64xi32, #tpu.memory_space<hbm>>
      %dma_start3A_14 = tpu.memref_slice %arg3[%mul3A_2] : memref<2048xi32, #tpu.memory_space<hbm>> -> memref<64xi32, #tpu.memory_space<hbm>>
      tpu.enqueue_dma source(%dma_start3A_14 : memref<64xi32, #tpu.memory_space<hbm>>) target(%arg6 : memref<64xi32, #tpu.memory_space<vmem>>) target_semaphore(%run_scoped3A : memref<!tpu.dma_semaphore, #tpu.memory_space<semaphore_mem>>)
      %dma_wait3A_15 = tpu.memref_slice %arg3[%mul3A_2] : memref<2048xi32, #tpu.memory_space<hbm>> -> memref<64xi32, #tpu.memory_space<hbm>>
      %dma_wait3A_16 = tpu.memref_slice %arg3[%mul3A_2] : memref<2048xi32, #tpu.memory_space<hbm>> -> memref<64xi32, #tpu.memory_space<hbm>>
      tpu.wait_dma2 semaphore(%run_scoped3A : memref<!tpu.dma_semaphore, #tpu.memory_space<semaphore_mem>>) src(%dma_wait3A_16 : memref<64xi32, #tpu.memory_space<hbm>>) dst(%arg6 : memref<64xi32, #tpu.memory_space<vmem>>)
      tpu.yield
    }) : () -> ()
    "tpu.region"() ({
      %run_scoped3A = tpu.sem_alloc : memref<!tpu.dma_semaphore, #tpu.memory_space<semaphore_mem>>
      %dma_start3A_13 = tpu.memref_slice %arg4[%mul3A_2] : memref<2048xi32, #tpu.memory_space<hbm>> -> memref<64xi32, #tpu.memory_space<hbm>>
      %dma_start3A_14 = tpu.memref_slice %arg4[%mul3A_2] : memref<2048xi32, #tpu.memory_space<hbm>> -> memref<64xi32, #tpu.memory_space<hbm>>
      tpu.enqueue_dma source(%dma_start3A_14 : memref<64xi32, #tpu.memory_space<hbm>>) target(%arg7 : memref<64xi32, #tpu.memory_space<vmem>>) target_semaphore(%run_scoped3A : memref<!tpu.dma_semaphore, #tpu.memory_space<semaphore_mem>>)
      %dma_wait3A_15 = tpu.memref_slice %arg4[%mul3A_2] : memref<2048xi32, #tpu.memory_space<hbm>> -> memref<64xi32, #tpu.memory_space<hbm>>
      %dma_wait3A_16 = tpu.memref_slice %arg4[%mul3A_2] : memref<2048xi32, #tpu.memory_space<hbm>> -> memref<64xi32, #tpu.memory_space<hbm>>
      tpu.wait_dma2 semaphore(%run_scoped3A : memref<!tpu.dma_semaphore, #tpu.memory_space<semaphore_mem>>) src(%dma_wait3A_16 : memref<64xi32, #tpu.memory_space<hbm>>) dst(%arg7 : memref<64xi32, #tpu.memory_space<vmem>>)
      tpu.yield
    }) : () -> ()
    "tpu.region"() ({
      %run_scoped3A = tpu.sem_alloc : memref<!tpu.dma_semaphore, #tpu.memory_space<semaphore_mem>>
      %dma_start3A_13 = arith.constant 0 : i32
      %dma_start3A_14 = tpu.memref_slice %arg2[%mul3A_2, %dma_start3A_13] : memref<2048x1024xf32, #tpu.memory_space<hbm>> -> memref<64x1024xf32, #tpu.memory_space<hbm>>
      %dma_start3A_15 = arith.constant 0 : i32
      %dma_start3A_16 = tpu.memref_slice %arg2[%mul3A_2, %dma_start3A_15] : memref<2048x1024xf32, #tpu.memory_space<hbm>> -> memref<64x1024xf32, #tpu.memory_space<hbm>>
      tpu.enqueue_dma source(%dma_start3A_16 : memref<64x1024xf32, #tpu.memory_space<hbm>>) target(%arg8 : memref<64x1024xf32, #tpu.memory_space<vmem>>) target_semaphore(%run_scoped3A : memref<!tpu.dma_semaphore, #tpu.memory_space<semaphore_mem>>)
      %dma_wait3A_17 = arith.constant 0 : i32
      %dma_wait3A_18 = tpu.memref_slice %arg2[%mul3A_2, %dma_wait3A_17] : memref<2048x1024xf32, #tpu.memory_space<hbm>> -> memref<64x1024xf32, #tpu.memory_space<hbm>>
      %dma_wait3A_19 = arith.constant 0 : i32
      %dma_wait3A_20 = tpu.memref_slice %arg2[%mul3A_2, %dma_wait3A_19] : memref<2048x1024xf32, #tpu.memory_space<hbm>> -> memref<64x1024xf32, #tpu.memory_space<hbm>>
      tpu.wait_dma2 semaphore(%run_scoped3A : memref<!tpu.dma_semaphore, #tpu.memory_space<semaphore_mem>>) src(%dma_wait3A_20 : memref<64x1024xf32, #tpu.memory_space<hbm>>) dst(%arg8 : memref<64x1024xf32, #tpu.memory_space<vmem>>)
      tpu.yield
    }) : () -> ()
    %dma_start3A = arith.constant 0 : i32
    %dma_start3A_3 = arith.constant 0 : i32
    %dma_start3A_4 = tpu.memref_slice %arg5[%dma_start3A, %dma_start3A_3] : memref<7680x1024xf32, #tpu.memory_space<hbm>> -> memref<7680x1024xf32, #tpu.memory_space<hbm>>
    tpu.enqueue_indirect_dma source(%arg8 : memref<64x1024xf32, #tpu.memory_space<vmem>>) target(%dma_start3A_4 : memref<7680x1024xf32, #tpu.memory_space<hbm>>) offsets(%arg6 : memref<64xi32, #tpu.memory_space<vmem>>) semaphore(%arg9 : memref<!tpu.dma_semaphore, #tpu.memory_space<semaphore_mem>>)
    %dma_start3A_5 = arith.constant 0 : i32
    %dma_start3A_6 = arith.constant 0 : i32
    %dma_start3A_7 = tpu.memref_slice %arg5[%dma_start3A_5, %dma_start3A_6] : memref<7680x1024xf32, #tpu.memory_space<hbm>> -> memref<7680x1024xf32, #tpu.memory_space<hbm>>
    tpu.enqueue_indirect_dma source(%arg8 : memref<64x1024xf32, #tpu.memory_space<vmem>>) target(%dma_start3A_7 : memref<7680x1024xf32, #tpu.memory_space<hbm>>) offsets(%arg7 : memref<64xi32, #tpu.memory_space<vmem>>) semaphore(%arg9 : memref<!tpu.dma_semaphore, #tpu.memory_space<semaphore_mem>>)
    %dma_wait3A = arith.constant 0 : i32
    %dma_wait3A_8 = arith.constant 0 : i32
    %dma_wait3A_9 = tpu.memref_slice %arg5[%dma_wait3A, %dma_wait3A_8] : memref<7680x1024xf32, #tpu.memory_space<hbm>> -> memref<7680x1024xf32, #tpu.memory_space<hbm>>
    tpu.wait_indirect_dma semaphore(%arg9 : memref<!tpu.dma_semaphore, #tpu.memory_space<semaphore_mem>>) src(%arg8 : memref<64x1024xf32, #tpu.memory_space<vmem>>) dst(%dma_wait3A_9 : memref<7680x1024xf32, #tpu.memory_space<hbm>>)
    %dma_wait3A_10 = arith.constant 0 : i32
    %dma_wait3A_11 = arith.constant 0 : i32
    %dma_wait3A_12 = tpu.memref_slice %arg5[%dma_wait3A_10, %dma_wait3A_11] : memref<7680x1024xf32, #tpu.memory_space<hbm>> -> memref<7680x1024xf32, #tpu.memory_space<hbm>>
    tpu.wait_indirect_dma semaphore(%arg9 : memref<!tpu.dma_semaphore, #tpu.memory_space<semaphore_mem>>) src(%arg8 : memref<64x1024xf32, #tpu.memory_space<vmem>>) dst(%dma_wait3A_12 : memref<7680x1024xf32, #tpu.memory_space<hbm>>)
    return
  }
}

#map = affine_map<(d0, d1) -> (0, 0)>
#map1 = affine_map<(d0, d1) -> (0)>
module attributes {stable_mosaic.version = 14 : i64} {
  func.func @k(%arg0: i32, %arg1: i32, %arg2: memref<2048x1024xf32, #tpu.memory_space<hbm>>, %arg3: memref<2048xi32, #tpu.memory_space<hbm>>, %arg4: memref<2048xi32, #tpu.memory_space<hbm>>, %arg5: memref<7680x1024xf32, #tpu.memory_space<hbm>>, %arg6: memref<64xi32, #tpu.memory_space<vmem>>, %arg7: memref<64xi32, #tpu.memory_space<vmem>>, %arg8: memref<64x1024xf32, #tpu.memory_space<vmem>>, %arg9: memref<!tpu.dma_semaphore, #tpu.memory_space<semaphore_mem>>) attributes {dimension_semantics = [#tpu.dimension_semantics<core_parallel>, #tpu.dimension_semantics<subcore_parallel>], iteration_bounds = array<i64: 2, 16>, scalar_prefetch = 0 : i64, scratch_operands = 4 : i64, tpu.core_type = #tpu.core_type<sc_vector_subcore>, window_params = [{transform_indices = #map}, {transform_indices = #map1}, {transform_indices = #map1}, {transform_indices = #map}]} {
    %mul3A = arith.constant 2 : i32
    %mul3A_0 = arith.muli %arg1, %mul3A : i32
    %add3A = arith.addi %mul3A_0, %arg0 : i32
    %mul3A_1 = arith.constant 64 : i32
    %mul3A_2 = arith.muli %add3A, %mul3A_1 : i32
    "tpu.region"() ({
      %run_scoped3A = tpu.sem_alloc : memref<!tpu.dma_semaphore, #tpu.memory_space<semaphore_mem>>
      %dma_start3A_13 = tpu.memref_slice %arg3[%mul3A_2] : memref<2048xi32, #tpu.memory_space<hbm>> -> memref<64xi32, #tpu.memory_space<hbm>>
      %dma_start3A_14 = tpu.memref_slice %arg3[%mul3A_2] : memref<2048xi32, #tpu.memory_space<hbm>> -> memref<64xi32, #tpu.memory_space<hbm>>
      tpu.enqueue_dma source(%dma_start3A_14 : memref<64xi32, #tpu.memory_space<hbm>>) target(%arg6 : memref<64xi32, #tpu.memory_space<vmem>>) target_semaphore(%run_scoped3A : memref<!tpu.dma_semaphore, #tpu.memory_space<semaphore_mem>>)
      %dma_wait3A_15 = tpu.memref_slice %arg3[%mul3A_2] : memref<2048xi32, #tpu.memory_space<hbm>> -> memref<64xi32, #tpu.memory_space<hbm>>
      %dma_wait3A_16 = tpu.memref_slice %arg3[%mul3A_2] : memref<2048xi32, #tpu.memory_space<hbm>> -> memref<64xi32, #tpu.memory_space<hbm>>
      tpu.wait_dma2 semaphore(%run_scoped3A : memref<!tpu.dma_semaphore, #tpu.memory_space<semaphore_mem>>) src(%dma_wait3A_16 : memref<64xi32, #tpu.memory_space<hbm>>) dst(%arg6 : memref<64xi32, #tpu.memory_space<vmem>>)
      tpu.yield
    }) : () -> ()
    "tpu.region"() ({
      %run_scoped3A = tpu.sem_alloc : memref<!tpu.dma_semaphore, #tpu.memory_space<semaphore_mem>>
      %dma_start3A_13 = tpu.memref_slice %arg4[%mul3A_2] : memref<2048xi32, #tpu.memory_space<hbm>> -> memref<64xi32, #tpu.memory_space<hbm>>
      %dma_start3A_14 = tpu.memref_slice %arg4[%mul3A_2] : memref<2048xi32, #tpu.memory_space<hbm>> -> memref<64xi32, #tpu.memory_space<hbm>>
      tpu.enqueue_dma source(%dma_start3A_14 : memref<64xi32, #tpu.memory_space<hbm>>) target(%arg7 : memref<64xi32, #tpu.memory_space<vmem>>) target_semaphore(%run_scoped3A : memref<!tpu.dma_semaphore, #tpu.memory_space<semaphore_mem>>)
      %dma_wait3A_15 = tpu.memref_slice %arg4[%mul3A_2] : memref<2048xi32, #tpu.memory_space<hbm>> -> memref<64xi32, #tpu.memory_space<hbm>>
      %dma_wait3A_16 = tpu.memref_slice %arg4[%mul3A_2] : memref<2048xi32, #tpu.memory_space<hbm>> -> memref<64xi32, #tpu.memory_space<hbm>>
      tpu.wait_dma2 semaphore(%run_scoped3A : memref<!tpu.dma_semaphore, #tpu.memory_space<semaphore_mem>>) src(%dma_wait3A_16 : memref<64xi32, #tpu.memory_space<hbm>>) dst(%arg7 : memref<64xi32, #tpu.memory_space<vmem>>)
      tpu.yield
    }) : () -> ()
    "tpu.region"() ({
      %run_scoped3A = tpu.sem_alloc : memref<!tpu.dma_semaphore, #tpu.memory_space<semaphore_mem>>
      %dma_start3A_13 = arith.constant 0 : i32
      %dma_start3A_14 = tpu.memref_slice %arg2[%mul3A_2, %dma_start3A_13] : memref<2048x1024xf32, #tpu.memory_space<hbm>> -> memref<64x1024xf32, #tpu.memory_space<hbm>>
      %dma_start3A_15 = arith.constant 0 : i32
      %dma_start3A_16 = tpu.memref_slice %arg2[%mul3A_2, %dma_start3A_15] : memref<2048x1024xf32, #tpu.memory_space<hbm>> -> memref<64x1024xf32, #tpu.memory_space<hbm>>
      tpu.enqueue_dma source(%dma_start3A_16 : memref<64x1024xf32, #tpu.memory_space<hbm>>) target(%arg8 : memref<64x1024xf32, #tpu.memory_space<vmem>>) target_semaphore(%run_scoped3A : memref<!tpu.dma_semaphore, #tpu.memory_space<semaphore_mem>>)
      %dma_wait3A_17 = arith.constant 0 : i32
      %dma_wait3A_18 = tpu.memref_slice %arg2[%mul3A_2, %dma_wait3A_17] : memref<2048x1024xf32, #tpu.memory_space<hbm>> -> memref<64x1024xf32, #tpu.memory_space<hbm>>
      %dma_wait3A_19 = arith.constant 0 : i32
      %dma_wait3A_20 = tpu.memref_slice %arg2[%mul3A_2, %dma_wait3A_19] : memref<2048x1024xf32, #tpu.memory_space<hbm>> -> memref<64x1024xf32, #tpu.memory_space<hbm>>
      tpu.wait_dma2 semaphore(%run_scoped3A : memref<!tpu.dma_semaphore, #tpu.memory_space<semaphore_mem>>) src(%dma_wait3A_20 : memref<64x1024xf32, #tpu.memory_space<hbm>>) dst(%arg8 : memref<64x1024xf32, #tpu.memory_space<vmem>>)
      tpu.yield
    }) : () -> ()
    %dma_start3A = arith.constant 0 : i32
    %dma_start3A_3 = arith.constant 0 : i32
    %dma_start3A_4 = tpu.memref_slice %arg5[%dma_start3A, %dma_start3A_3] : memref<7680x1024xf32, #tpu.memory_space<hbm>> -> memref<7680x1024xf32, #tpu.memory_space<hbm>>
    tpu.enqueue_indirect_dma source(%arg8 : memref<64x1024xf32, #tpu.memory_space<vmem>>) target(%dma_start3A_4 : memref<7680x1024xf32, #tpu.memory_space<hbm>>) offsets(%arg6 : memref<64xi32, #tpu.memory_space<vmem>>) semaphore(%arg9 : memref<!tpu.dma_semaphore, #tpu.memory_space<semaphore_mem>>)
    %dma_start3A_5 = arith.constant 0 : i32
    %dma_start3A_6 = arith.constant 0 : i32
    %dma_start3A_7 = tpu.memref_slice %arg5[%dma_start3A_5, %dma_start3A_6] : memref<7680x1024xf32, #tpu.memory_space<hbm>> -> memref<7680x1024xf32, #tpu.memory_space<hbm>>
    tpu.enqueue_indirect_dma source(%arg8 : memref<64x1024xf32, #tpu.memory_space<vmem>>) target(%dma_start3A_7 : memref<7680x1024xf32, #tpu.memory_space<hbm>>) offsets(%arg7 : memref<64xi32, #tpu.memory_space<vmem>>) semaphore(%arg9 : memref<!tpu.dma_semaphore, #tpu.memory_space<semaphore_mem>>)
    %dma_wait3A = arith.constant 0 : i32
    %dma_wait3A_8 = arith.constant 0 : i32
    %dma_wait3A_9 = tpu.memref_slice %arg5[%dma_wait3A, %dma_wait3A_8] : memref<7680x1024xf32, #tpu.memory_space<hbm>> -> memref<7680x1024xf32, #tpu.memory_space<hbm>>
    tpu.wait_indirect_dma semaphore(%arg9 : memref<!tpu.dma_semaphore, #tpu.memory_space<semaphore_mem>>) src(%arg8 : memref<64x1024xf32, #tpu.memory_space<vmem>>) dst(%dma_wait3A_9 : memref<7680x1024xf32, #tpu.memory_space<hbm>>)
    %dma_wait3A_10 = arith.constant 0 : i32
    %dma_wait3A_11 = arith.constant 0 : i32
    %dma_wait3A_12 = tpu.memref_slice %arg5[%dma_wait3A_10, %dma_wait3A_11] : memref<7680x1024xf32, #tpu.memory_space<hbm>> -> memref<7680x1024xf32, #tpu.memory_space<hbm>>
    tpu.wait_indirect_dma semaphore(%arg9 : memref<!tpu.dma_semaphore, #tpu.memory_space<semaphore_mem>>) src(%arg8 : memref<64x1024xf32, #tpu.memory_space<vmem>>) dst(%dma_wait3A_12 : memref<7680x1024xf32, #tpu.memory_space<hbm>>)
    return
  }
}

#map = affine_map<(d0, d1) -> (0, 0)>
#map1 = affine_map<(d0, d1) -> (0)>
module attributes {stable_mosaic.version = 14 : i64} {
  func.func @k(%arg0: i32, %arg1: i32, %arg2: memref<100000x1024xf32, #tpu.memory_space<hbm>>, %arg3: memref<2048xi32, #tpu.memory_space<hbm>>, %arg4: memref<2048x1024xf32, #tpu.memory_space<hbm>>, %arg5: memref<64xi32, #tpu.memory_space<vmem>>, %arg6: memref<64x1024xf32, #tpu.memory_space<vmem>>, %arg7: memref<!tpu.dma_semaphore, #tpu.memory_space<semaphore_mem>>) attributes {dimension_semantics = [#tpu.dimension_semantics<core_parallel>, #tpu.dimension_semantics<subcore_parallel>], iteration_bounds = array<i64: 2, 16>, scalar_prefetch = 0 : i64, scratch_operands = 3 : i64, tpu.core_type = #tpu.core_type<sc_vector_subcore>, window_params = [{transform_indices = #map}, {transform_indices = #map1}, {transform_indices = #map}]} {
    %mul3A = arith.constant 2 : i32
    %mul3A_0 = arith.muli %arg1, %mul3A : i32
    %add3A = arith.addi %mul3A_0, %arg0 : i32
    %mul3A_1 = arith.constant 64 : i32
    %mul3A_2 = arith.muli %add3A, %mul3A_1 : i32
    "tpu.region"() ({
      %run_scoped3A = tpu.sem_alloc : memref<!tpu.dma_semaphore, #tpu.memory_space<semaphore_mem>>
      %dma_start3A_7 = tpu.memref_slice %arg3[%mul3A_2] : memref<2048xi32, #tpu.memory_space<hbm>> -> memref<64xi32, #tpu.memory_space<hbm>>
      %dma_start3A_8 = tpu.memref_slice %arg3[%mul3A_2] : memref<2048xi32, #tpu.memory_space<hbm>> -> memref<64xi32, #tpu.memory_space<hbm>>
      tpu.enqueue_dma source(%dma_start3A_8 : memref<64xi32, #tpu.memory_space<hbm>>) target(%arg5 : memref<64xi32, #tpu.memory_space<vmem>>) target_semaphore(%run_scoped3A : memref<!tpu.dma_semaphore, #tpu.memory_space<semaphore_mem>>)
      %dma_wait3A_9 = tpu.memref_slice %arg3[%mul3A_2] : memref<2048xi32, #tpu.memory_space<hbm>> -> memref<64xi32, #tpu.memory_space<hbm>>
      %dma_wait3A_10 = tpu.memref_slice %arg3[%mul3A_2] : memref<2048xi32, #tpu.memory_space<hbm>> -> memref<64xi32, #tpu.memory_space<hbm>>
      tpu.wait_dma2 semaphore(%run_scoped3A : memref<!tpu.dma_semaphore, #tpu.memory_space<semaphore_mem>>) src(%dma_wait3A_10 : memref<64xi32, #tpu.memory_space<hbm>>) dst(%arg5 : memref<64xi32, #tpu.memory_space<vmem>>)
      tpu.yield
    }) : () -> ()
    %dma_start3A = arith.constant 0 : i32
    %dma_start3A_3 = arith.constant 0 : i32
    %dma_start3A_4 = tpu.memref_slice %arg2[%dma_start3A, %dma_start3A_3] : memref<100000x1024xf32, #tpu.memory_space<hbm>> -> memref<100000x1024xf32, #tpu.memory_space<hbm>>
    tpu.enqueue_indirect_dma source(%dma_start3A_4 : memref<100000x1024xf32, #tpu.memory_space<hbm>>) target(%arg6 : memref<64x1024xf32, #tpu.memory_space<vmem>>) offsets(%arg5 : memref<64xi32, #tpu.memory_space<vmem>>) semaphore(%arg7 : memref<!tpu.dma_semaphore, #tpu.memory_space<semaphore_mem>>)
    %dma_wait3A = arith.constant 0 : i32
    %dma_wait3A_5 = arith.constant 0 : i32
    %dma_wait3A_6 = tpu.memref_slice %arg2[%dma_wait3A, %dma_wait3A_5] : memref<100000x1024xf32, #tpu.memory_space<hbm>> -> memref<100000x1024xf32, #tpu.memory_space<hbm>>
    tpu.wait_indirect_dma semaphore(%arg7 : memref<!tpu.dma_semaphore, #tpu.memory_space<semaphore_mem>>) src(%dma_wait3A_6 : memref<100000x1024xf32, #tpu.memory_space<hbm>>) dst(%arg6 : memref<64x1024xf32, #tpu.memory_space<vmem>>)
    "tpu.region"() ({
      %run_scoped3A = tpu.sem_alloc : memref<!tpu.dma_semaphore, #tpu.memory_space<semaphore_mem>>
      %dma_start3A_7 = arith.constant 0 : i32
      %dma_start3A_8 = tpu.memref_slice %arg4[%mul3A_2, %dma_start3A_7] : memref<2048x1024xf32, #tpu.memory_space<hbm>> -> memref<64x1024xf32, #tpu.memory_space<hbm>>
      %dma_start3A_9 = arith.constant 0 : i32
      %dma_start3A_10 = tpu.memref_slice %arg4[%mul3A_2, %dma_start3A_9] : memref<2048x1024xf32, #tpu.memory_space<hbm>> -> memref<64x1024xf32, #tpu.memory_space<hbm>>
      tpu.enqueue_dma source(%arg6 : memref<64x1024xf32, #tpu.memory_space<vmem>>) target(%dma_start3A_10 : memref<64x1024xf32, #tpu.memory_space<hbm>>) target_semaphore(%run_scoped3A : memref<!tpu.dma_semaphore, #tpu.memory_space<semaphore_mem>>)
      %dma_wait3A_11 = arith.constant 0 : i32
      %dma_wait3A_12 = tpu.memref_slice %arg4[%mul3A_2, %dma_wait3A_11] : memref<2048x1024xf32, #tpu.memory_space<hbm>> -> memref<64x1024xf32, #tpu.memory_space<hbm>>
      %dma_wait3A_13 = arith.constant 0 : i32
      %dma_wait3A_14 = tpu.memref_slice %arg4[%mul3A_2, %dma_wait3A_13] : memref<2048x1024xf32, #tpu.memory_space<hbm>> -> memref<64x1024xf32, #tpu.memory_space<hbm>>
      tpu.wait_dma2 semaphore(%run_scoped3A : memref<!tpu.dma_semaphore, #tpu.memory_space<semaphore_mem>>) src(%arg6 : memref<64x1024xf32, #tpu.memory_space<vmem>>) dst(%dma_wait3A_14 : memref<64x1024xf32, #tpu.memory_space<hbm>>)
      tpu.yield
    }) : () -> ()
    return
  }
}

#map = affine_map<(d0, d1) -> (0, 0)>
#map1 = affine_map<(d0, d1) -> (0)>
module attributes {stable_mosaic.version = 14 : i64} {
  func.func @k(%arg0: i32, %arg1: i32, %arg2: memref<7680x1024xf32, #tpu.memory_space<hbm>>, %arg3: memref<2048xi32, #tpu.memory_space<hbm>>, %arg4: memref<2048xi32, #tpu.memory_space<hbm>>, %arg5: memref<2048x1024xf32, #tpu.memory_space<hbm>>, %arg6: memref<2048x1024xf32, #tpu.memory_space<hbm>>, %arg7: memref<64xi32, #tpu.memory_space<vmem>>, %arg8: memref<64x1024xf32, #tpu.memory_space<vmem>>, %arg9: memref<!tpu.dma_semaphore, #tpu.memory_space<semaphore_mem>>) attributes {dimension_semantics = [#tpu.dimension_semantics<core_parallel>, #tpu.dimension_semantics<subcore_parallel>], iteration_bounds = array<i64: 2, 16>, scalar_prefetch = 0 : i64, scratch_operands = 3 : i64, tpu.core_type = #tpu.core_type<sc_vector_subcore>, window_params = [{transform_indices = #map}, {transform_indices = #map1}, {transform_indices = #map1}, {transform_indices = #map}, {transform_indices = #map}]} {
    %mul3A = arith.constant 2 : i32
    %mul3A_0 = arith.muli %arg1, %mul3A : i32
    %add3A = arith.addi %mul3A_0, %arg0 : i32
    %mul3A_1 = arith.constant 64 : i32
    %mul3A_2 = arith.muli %add3A, %mul3A_1 : i32
    "tpu.region"() ({
      %run_scoped3A = tpu.sem_alloc : memref<!tpu.dma_semaphore, #tpu.memory_space<semaphore_mem>>
      %dma_start3A_13 = tpu.memref_slice %arg3[%mul3A_2] : memref<2048xi32, #tpu.memory_space<hbm>> -> memref<64xi32, #tpu.memory_space<hbm>>
      %dma_start3A_14 = tpu.memref_slice %arg3[%mul3A_2] : memref<2048xi32, #tpu.memory_space<hbm>> -> memref<64xi32, #tpu.memory_space<hbm>>
      tpu.enqueue_dma source(%dma_start3A_14 : memref<64xi32, #tpu.memory_space<hbm>>) target(%arg7 : memref<64xi32, #tpu.memory_space<vmem>>) target_semaphore(%run_scoped3A : memref<!tpu.dma_semaphore, #tpu.memory_space<semaphore_mem>>)
      %dma_wait3A_15 = tpu.memref_slice %arg3[%mul3A_2] : memref<2048xi32, #tpu.memory_space<hbm>> -> memref<64xi32, #tpu.memory_space<hbm>>
      %dma_wait3A_16 = tpu.memref_slice %arg3[%mul3A_2] : memref<2048xi32, #tpu.memory_space<hbm>> -> memref<64xi32, #tpu.memory_space<hbm>>
      tpu.wait_dma2 semaphore(%run_scoped3A : memref<!tpu.dma_semaphore, #tpu.memory_space<semaphore_mem>>) src(%dma_wait3A_16 : memref<64xi32, #tpu.memory_space<hbm>>) dst(%arg7 : memref<64xi32, #tpu.memory_space<vmem>>)
      tpu.yield
    }) : () -> ()
    %dma_start3A = arith.constant 0 : i32
    %dma_start3A_3 = arith.constant 0 : i32
    %dma_start3A_4 = tpu.memref_slice %arg2[%dma_start3A, %dma_start3A_3] : memref<7680x1024xf32, #tpu.memory_space<hbm>> -> memref<7680x1024xf32, #tpu.memory_space<hbm>>
    tpu.enqueue_indirect_dma source(%dma_start3A_4 : memref<7680x1024xf32, #tpu.memory_space<hbm>>) target(%arg8 : memref<64x1024xf32, #tpu.memory_space<vmem>>) offsets(%arg7 : memref<64xi32, #tpu.memory_space<vmem>>) semaphore(%arg9 : memref<!tpu.dma_semaphore, #tpu.memory_space<semaphore_mem>>)
    %dma_wait3A = arith.constant 0 : i32
    %dma_wait3A_5 = arith.constant 0 : i32
    %dma_wait3A_6 = tpu.memref_slice %arg2[%dma_wait3A, %dma_wait3A_5] : memref<7680x1024xf32, #tpu.memory_space<hbm>> -> memref<7680x1024xf32, #tpu.memory_space<hbm>>
    tpu.wait_indirect_dma semaphore(%arg9 : memref<!tpu.dma_semaphore, #tpu.memory_space<semaphore_mem>>) src(%dma_wait3A_6 : memref<7680x1024xf32, #tpu.memory_space<hbm>>) dst(%arg8 : memref<64x1024xf32, #tpu.memory_space<vmem>>)
    "tpu.region"() ({
      %run_scoped3A = tpu.sem_alloc : memref<!tpu.dma_semaphore, #tpu.memory_space<semaphore_mem>>
      %dma_start3A_13 = arith.constant 0 : i32
      %dma_start3A_14 = tpu.memref_slice %arg5[%mul3A_2, %dma_start3A_13] : memref<2048x1024xf32, #tpu.memory_space<hbm>> -> memref<64x1024xf32, #tpu.memory_space<hbm>>
      %dma_start3A_15 = arith.constant 0 : i32
      %dma_start3A_16 = tpu.memref_slice %arg5[%mul3A_2, %dma_start3A_15] : memref<2048x1024xf32, #tpu.memory_space<hbm>> -> memref<64x1024xf32, #tpu.memory_space<hbm>>
      tpu.enqueue_dma source(%arg8 : memref<64x1024xf32, #tpu.memory_space<vmem>>) target(%dma_start3A_16 : memref<64x1024xf32, #tpu.memory_space<hbm>>) target_semaphore(%run_scoped3A : memref<!tpu.dma_semaphore, #tpu.memory_space<semaphore_mem>>)
      %dma_wait3A_17 = arith.constant 0 : i32
      %dma_wait3A_18 = tpu.memref_slice %arg5[%mul3A_2, %dma_wait3A_17] : memref<2048x1024xf32, #tpu.memory_space<hbm>> -> memref<64x1024xf32, #tpu.memory_space<hbm>>
      %dma_wait3A_19 = arith.constant 0 : i32
      %dma_wait3A_20 = tpu.memref_slice %arg5[%mul3A_2, %dma_wait3A_19] : memref<2048x1024xf32, #tpu.memory_space<hbm>> -> memref<64x1024xf32, #tpu.memory_space<hbm>>
      tpu.wait_dma2 semaphore(%run_scoped3A : memref<!tpu.dma_semaphore, #tpu.memory_space<semaphore_mem>>) src(%arg8 : memref<64x1024xf32, #tpu.memory_space<vmem>>) dst(%dma_wait3A_20 : memref<64x1024xf32, #tpu.memory_space<hbm>>)
      tpu.yield
    }) : () -> ()
    "tpu.region"() ({
      %run_scoped3A = tpu.sem_alloc : memref<!tpu.dma_semaphore, #tpu.memory_space<semaphore_mem>>
      %dma_start3A_13 = tpu.memref_slice %arg4[%mul3A_2] : memref<2048xi32, #tpu.memory_space<hbm>> -> memref<64xi32, #tpu.memory_space<hbm>>
      %dma_start3A_14 = tpu.memref_slice %arg4[%mul3A_2] : memref<2048xi32, #tpu.memory_space<hbm>> -> memref<64xi32, #tpu.memory_space<hbm>>
      tpu.enqueue_dma source(%dma_start3A_14 : memref<64xi32, #tpu.memory_space<hbm>>) target(%arg7 : memref<64xi32, #tpu.memory_space<vmem>>) target_semaphore(%run_scoped3A : memref<!tpu.dma_semaphore, #tpu.memory_space<semaphore_mem>>)
      %dma_wait3A_15 = tpu.memref_slice %arg4[%mul3A_2] : memref<2048xi32, #tpu.memory_space<hbm>> -> memref<64xi32, #tpu.memory_space<hbm>>
      %dma_wait3A_16 = tpu.memref_slice %arg4[%mul3A_2] : memref<2048xi32, #tpu.memory_space<hbm>> -> memref<64xi32, #tpu.memory_space<hbm>>
      tpu.wait_dma2 semaphore(%run_scoped3A : memref<!tpu.dma_semaphore, #tpu.memory_space<semaphore_mem>>) src(%dma_wait3A_16 : memref<64xi32, #tpu.memory_space<hbm>>) dst(%arg7 : memref<64xi32, #tpu.memory_space<vmem>>)
      tpu.yield
    }) : () -> ()
    %dma_start3A_7 = arith.constant 0 : i32
    %dma_start3A_8 = arith.constant 0 : i32
    %dma_start3A_9 = tpu.memref_slice %arg2[%dma_start3A_7, %dma_start3A_8] : memref<7680x1024xf32, #tpu.memory_space<hbm>> -> memref<7680x1024xf32, #tpu.memory_space<hbm>>
    tpu.enqueue_indirect_dma source(%dma_start3A_9 : memref<7680x1024xf32, #tpu.memory_space<hbm>>) target(%arg8 : memref<64x1024xf32, #tpu.memory_space<vmem>>) offsets(%arg7 : memref<64xi32, #tpu.memory_space<vmem>>) semaphore(%arg9 : memref<!tpu.dma_semaphore, #tpu.memory_space<semaphore_mem>>)
    %dma_wait3A_10 = arith.constant 0 : i32
    %dma_wait3A_11 = arith.constant 0 : i32
    %dma_wait3A_12 = tpu.memref_slice %arg2[%dma_wait3A_10, %dma_wait3A_11] : memref<7680x1024xf32, #tpu.memory_space<hbm>> -> memref<7680x1024xf32, #tpu.memory_space<hbm>>
    tpu.wait_indirect_dma semaphore(%arg9 : memref<!tpu.dma_semaphore, #tpu.memory_space<semaphore_mem>>) src(%dma_wait3A_12 : memref<7680x1024xf32, #tpu.memory_space<hbm>>) dst(%arg8 : memref<64x1024xf32, #tpu.memory_space<vmem>>)
    "tpu.region"() ({
      %run_scoped3A = tpu.sem_alloc : memref<!tpu.dma_semaphore, #tpu.memory_space<semaphore_mem>>
      %dma_start3A_13 = arith.constant 0 : i32
      %dma_start3A_14 = tpu.memref_slice %arg6[%mul3A_2, %dma_start3A_13] : memref<2048x1024xf32, #tpu.memory_space<hbm>> -> memref<64x1024xf32, #tpu.memory_space<hbm>>
      %dma_start3A_15 = arith.constant 0 : i32
      %dma_start3A_16 = tpu.memref_slice %arg6[%mul3A_2, %dma_start3A_15] : memref<2048x1024xf32, #tpu.memory_space<hbm>> -> memref<64x1024xf32, #tpu.memory_space<hbm>>
      tpu.enqueue_dma source(%arg8 : memref<64x1024xf32, #tpu.memory_space<vmem>>) target(%dma_start3A_16 : memref<64x1024xf32, #tpu.memory_space<hbm>>) target_semaphore(%run_scoped3A : memref<!tpu.dma_semaphore, #tpu.memory_space<semaphore_mem>>)
      %dma_wait3A_17 = arith.constant 0 : i32
      %dma_wait3A_18 = tpu.memref_slice %arg6[%mul3A_2, %dma_wait3A_17] : memref<2048x1024xf32, #tpu.memory_space<hbm>> -> memref<64x1024xf32, #tpu.memory_space<hbm>>
      %dma_wait3A_19 = arith.constant 0 : i32
      %dma_wait3A_20 = tpu.memref_slice %arg6[%mul3A_2, %dma_wait3A_19] : memref<2048x1024xf32, #tpu.memory_space<hbm>> -> memref<64x1024xf32, #tpu.memory_space<hbm>>
      tpu.wait_dma2 semaphore(%run_scoped3A : memref<!tpu.dma_semaphore, #tpu.memory_space<semaphore_mem>>) src(%arg8 : memref<64x1024xf32, #tpu.memory_space<vmem>>) dst(%dma_wait3A_20 : memref<64x1024xf32, #tpu.memory_space<hbm>>)
      tpu.yield
    }) : () -> ()
    return
  }
}

module attributes {stable_mosaic.version = 14 : i64} {
  func.func @_grouped_body(%arg0: i32, %arg1: memref<16xi32, #tpu.memory_space<smem>>, %arg2: memref<512x1024xf32, #tpu.memory_space<vmem>>, %arg3: memref<1x1x704x1024xf32, #tpu.memory_space<vmem>>, %arg4: memref<1x1x704x1024xf32, #tpu.memory_space<vmem>>, %arg5: memref<1x1x704x1024xf32, #tpu.memory_space<vmem>>, %arg6: memref<512x1024xf32, #tpu.memory_space<vmem>>) attributes {dimension_semantics = [#tpu.dimension_semantics<parallel>], iteration_bounds = array<i64: 15>, scalar_prefetch = 1 : i64, scratch_operands = 0 : i64, tpu.core_type = #tpu.core_type<tc>, window_params = [{transform_indices = @transform_0, window_bounds = array<i64: 512, 1024>}, {transform_indices = @transform_1, window_bounds = array<i64: 1, 1, 704, 1024>}, {transform_indices = @transform_2, window_bounds = array<i64: 1, 1, 704, 1024>}, {transform_indices = @transform_3, window_bounds = array<i64: 1, 1, 704, 1024>}, {transform_indices = @transform_4, window_bounds = array<i64: 512, 1024>}]} {
    %mul3A = arith.constant 512 : i32
    %mul3A_0 = arith.muli %arg0, %mul3A : i32
    %get3A = arith.constant 15 : index
    %get3A_1 = memref.load %arg1[%get3A] : memref<16xi32, #tpu.memory_space<smem>>
    %lt3A = arith.cmpi slt, %mul3A_0, %get3A_1 : i32
    %convert_element_type3A = arith.extui %lt3A : i1 to i32
    %cond3A = arith.constant 0 : i32
    %cond3A_2 = arith.cmpi ne, %convert_element_type3A, %cond3A : i32
    scf.if %cond3A_2 {
      %get3A_3 = arith.constant 0 : index
      %get3A_4 = arith.constant 0 : index
      %get3A_5 = vector.load %arg2[%get3A_3, %get3A_4] : memref<512x1024xf32, #tpu.memory_space<vmem>>, vector<512x1024xf32>
      %convert_element_type3A_6 = arith.truncf %get3A_5 : vector<512x1024xf32> to vector<512x1024xbf16>
      %get3A_7 = arith.constant 0 : index
      %get3A_8 = arith.constant 0 : index
      %get3A_9 = arith.constant 0 : index
      %get3A_10 = arith.constant 0 : index
      %get3A_11 = vector.load %arg3[%get3A_7, %get3A_8, %get3A_9, %get3A_10] : memref<1x1x704x1024xf32, #tpu.memory_space<vmem>>, vector<1x1x704x1024xf32>
      %get3A_12 = vector.shape_cast %get3A_11 : vector<1x1x704x1024xf32> to vector<704x1024xf32>
      %convert_element_type3A_13 = arith.truncf %get3A_12 : vector<704x1024xf32> to vector<704x1024xbf16>
      %dot_general3A = arith.constant dense<0.000000e+00> : vector<512x704xf32>
      %dot_general3A_14 = tpu.matmul %convert_element_type3A_6, %convert_element_type3A_13, %dot_general3A {dimension_numbers = #tpu.dot_dimension_numbers<[1], [1], [0], [0], [0, 0, 1, 0], [], []>, transpose_lhs_hint = false} : vector<512x1024xbf16>, vector<704x1024xbf16>, vector<512x704xf32> -> vector<512x704xf32>
      %get3A_15 = arith.constant 0 : index
      %get3A_16 = arith.constant 0 : index
      %get3A_17 = arith.constant 0 : index
      %get3A_18 = arith.constant 0 : index
      %get3A_19 = vector.load %arg4[%get3A_15, %get3A_16, %get3A_17, %get3A_18] : memref<1x1x704x1024xf32, #tpu.memory_space<vmem>>, vector<1x1x704x1024xf32>
      %get3A_20 = vector.shape_cast %get3A_19 : vector<1x1x704x1024xf32> to vector<704x1024xf32>
      %convert_element_type3A_21 = arith.truncf %get3A_20 : vector<704x1024xf32> to vector<704x1024xbf16>
      %dot_general3A_22 = arith.constant dense<0.000000e+00> : vector<512x704xf32>
      %dot_general3A_23 = tpu.matmul %convert_element_type3A_6, %convert_element_type3A_21, %dot_general3A_22 {dimension_numbers = #tpu.dot_dimension_numbers<[1], [1], [0], [0], [0, 0, 1, 0], [], []>, transpose_lhs_hint = false} : vector<512x1024xbf16>, vector<704x1024xbf16>, vector<512x704xf32> -> vector<512x704xf32>
      %logistic3A = arith.negf %dot_general3A_14 : vector<512x704xf32>
      %logistic3A_24 = math.exp %logistic3A : vector<512x704xf32>
      %logistic3A_25 = arith.constant 1.000000e+00 : f32
      %logistic3A_26 = vector.broadcast %logistic3A_25 : f32 to vector<512x704xf32>
      %logistic3A_27 = arith.addf %logistic3A_26, %logistic3A_24 : vector<512x704xf32>
      %logistic3A_28 = arith.divf %logistic3A_26, %logistic3A_27 : vector<512x704xf32>
      %mul3A_29 = arith.mulf %dot_general3A_14, %logistic3A_28 : vector<512x704xf32>
      %mul3A_30 = arith.mulf %mul3A_29, %dot_general3A_23 : vector<512x704xf32>
      %convert_element_type3A_31 = arith.truncf %mul3A_30 : vector<512x704xf32> to vector<512x704xbf16>
      %get3A_32 = arith.constant 0 : index
      %get3A_33 = arith.constant 0 : index
      %get3A_34 = arith.constant 0 : index
      %get3A_35 = arith.constant 0 : index
      %get3A_36 = vector.load %arg5[%get3A_32, %get3A_33, %get3A_34, %get3A_35] : memref<1x1x704x1024xf32, #tpu.memory_space<vmem>>, vector<1x1x704x1024xf32>
      %get3A_37 = vector.shape_cast %get3A_36 : vector<1x1x704x1024xf32> to vector<704x1024xf32>
      %convert_element_type3A_38 = arith.truncf %get3A_37 : vector<704x1024xf32> to vector<704x1024xbf16>
      %dot_general3A_39 = arith.constant dense<0.000000e+00> : vector<512x1024xf32>
      %dot_general3A_40 = tpu.matmul %convert_element_type3A_31, %convert_element_type3A_38, %dot_general3A_39 {dimension_numbers = #tpu.dot_dimension_numbers<[1], [0], [0], [1], [0, 0, 1, 1], [], []>, transpose_lhs_hint = false} : vector<512x704xbf16>, vector<704x1024xbf16>, vector<512x1024xf32> -> vector<512x1024xf32>
      %swap3A = arith.constant 0 : index
      %swap3A_41 = arith.constant 0 : index
      %swap3A_42 = vector.load %arg6[%swap3A, %swap3A_41] : memref<512x1024xf32, #tpu.memory_space<vmem>>, vector<512x1024xf32>
      tpu.vector_store %arg6[%swap3A, %swap3A_41], %dot_general3A_40 {strides = array<i32>} : memref<512x1024xf32, #tpu.memory_space<vmem>>, vector<512x1024xf32>,
    } else {
    }
    return
  }
  func.func @transform_0(%arg0: i32, %arg1: memref<16xi32, #tpu.memory_space<smem>>) -> (i32, i32) {
    %c0_i32 = arith.constant 0 : i32
    %c0_i32_0 = arith.constant 0 : i32
    return %arg0, %c0_i32 : i32, i32
  }
  func.func @transform_1(%arg0: i32, %arg1: memref<16xi32, #tpu.memory_space<smem>>) -> (i32, i32, i32, i32) {
    %get3A = arith.index_cast %arg0 : i32 to index
    %get3A_0 = memref.load %arg1[%get3A] : memref<16xi32, #tpu.memory_space<smem>>
    %c0_i32 = arith.constant 0 : i32
    %c0_i32_1 = arith.constant 0 : i32
    %c0_i32_2 = arith.constant 0 : i32
    %c0_i32_3 = arith.constant 0 : i32
    return %c0_i32, %get3A_0, %c0_i32_1, %c0_i32_2 : i32, i32, i32, i32
  }
  func.func @transform_2(%arg0: i32, %arg1: memref<16xi32, #tpu.memory_space<smem>>) -> (i32, i32, i32, i32) {
    %get3A = arith.index_cast %arg0 : i32 to index
    %get3A_0 = memref.load %arg1[%get3A] : memref<16xi32, #tpu.memory_space<smem>>
    %c0_i32 = arith.constant 0 : i32
    %c0_i32_1 = arith.constant 0 : i32
    %c0_i32_2 = arith.constant 0 : i32
    %c0_i32_3 = arith.constant 0 : i32
    return %c0_i32, %get3A_0, %c0_i32_1, %c0_i32_2 : i32, i32, i32, i32
  }
  func.func @transform_3(%arg0: i32, %arg1: memref<16xi32, #tpu.memory_space<smem>>) -> (i32, i32, i32, i32) {
    %get3A = arith.index_cast %arg0 : i32 to index
    %get3A_0 = memref.load %arg1[%get3A] : memref<16xi32, #tpu.memory_space<smem>>
    %c0_i32 = arith.constant 0 : i32
    %c0_i32_1 = arith.constant 0 : i32
    %c0_i32_2 = arith.constant 0 : i32
    %c0_i32_3 = arith.constant 0 : i32
    return %c0_i32, %get3A_0, %c0_i32_1, %c0_i32_2 : i32, i32, i32, i32
  }
  func.func @transform_4(%arg0: i32, %arg1: memref<16xi32, #tpu.memory_space<smem>>) -> (i32, i32) {
    %c0_i32 = arith.constant 0 : i32
    %c0_i32_0 = arith.constant 0 : i32
    return %arg0, %c0_i32 : i32, i32
  }
}

module attributes {stable_mosaic.version = 14 : i64} {
  func.func @_router_body(%arg0: i32, %arg1: memref<2048x1024xf32, #tpu.memory_space<vmem>>, %arg2: memref<1x1024x8xf32, #tpu.memory_space<vmem>>, %arg3: memref<2048x1xi32, #tpu.memory_space<vmem>>, %arg4: memref<2048x1xi32, #tpu.memory_space<vmem>>, %arg5: memref<2048x2xf32, #tpu.memory_space<vmem>>, %arg6: memref<1x16xi32, #tpu.memory_space<vmem>>) attributes {dimension_semantics = [#tpu.dimension_semantics<arbitrary>], iteration_bounds = array<i64: 1>, scalar_prefetch = 0 : i64, scratch_operands = 0 : i64, tpu.core_type = #tpu.core_type<tc>, window_params = [{pipeline_mode = #tpu.pipeline_mode<synchronous>, transform_indices = @transform_0, window_bounds = array<i64: 2048, 1024>}, {transform_indices = @transform_1, window_bounds = array<i64: 1, 1024, 8>}, {pipeline_mode = #tpu.pipeline_mode<synchronous>, transform_indices = @transform_2, window_bounds = array<i64: 2048, 1>}, {pipeline_mode = #tpu.pipeline_mode<synchronous>, transform_indices = @transform_3, window_bounds = array<i64: 2048, 1>}, {pipeline_mode = #tpu.pipeline_mode<synchronous>, transform_indices = @transform_4, window_bounds = array<i64: 2048, 2>}, {pipeline_mode = #tpu.pipeline_mode<synchronous>, transform_indices = @transform_5, window_bounds = array<i64: 1, 16>}]} {
    %get3A = arith.constant 0 : index
    %get3A_0 = arith.constant 0 : index
    %get3A_1 = vector.load %arg1[%get3A, %get3A_0] : memref<2048x1024xf32, #tpu.memory_space<vmem>>, vector<2048x1024xf32>
    %get3A_2 = arith.constant 0 : index
    %get3A_3 = arith.constant 0 : index
    %get3A_4 = arith.constant 0 : index
    %get3A_5 = vector.load %arg2[%get3A_2, %get3A_3, %get3A_4] : memref<1x1024x8xf32, #tpu.memory_space<vmem>>, vector<1x1024x8xf32>
    %get3A_6 = vector.shape_cast %get3A_5 : vector<1x1024x8xf32> to vector<1024x8xf32>
    %dot_general3A = arith.constant dense<0.000000e+00> : vector<2048x8xf32>
    %dot_general3A_7 = tpu.matmul %get3A_1, %get3A_6, %dot_general3A {dimension_numbers = #tpu.dot_dimension_numbers<[1], [0], [0], [1], [0, 0, 1, 1], [], []>, transpose_lhs_hint = false} : vector<2048x1024xf32>, vector<1024x8xf32>, vector<2048x8xf32> -> vector<2048x8xf32>
    %reduce_max3A = arith.constant dense<0xFF800000> : vector<2048xf32>
    %reduce_max3A_8 = vector.multi_reduction <maximumf>, %dot_general3A_7, %reduce_max3A [1] : vector<2048x8xf32> to vector<2048xf32>
    %broadcast_in_dim3A = vector.shape_cast %reduce_max3A_8 : vector<2048xf32> to vector<2048x1xf32>
    %sub3A = vector.broadcast %broadcast_in_dim3A : vector<2048x1xf32> to vector<2048x8xf32>
    %sub3A_9 = arith.subf %dot_general3A_7, %sub3A : vector<2048x8xf32>
    %exp3A = math.exp %sub3A_9 : vector<2048x8xf32>
    %reduce_sum3A = arith.constant dense<0.000000e+00> : vector<2048xf32>
    %reduce_sum3A_10 = vector.multi_reduction <add>, %exp3A, %reduce_sum3A [1] : vector<2048x8xf32> to vector<2048xf32>
    %broadcast_in_dim3A_11 = vector.shape_cast %reduce_sum3A_10 : vector<2048xf32> to vector<2048x1xf32>
    %div3A = vector.broadcast %broadcast_in_dim3A_11 : vector<2048x1xf32> to vector<2048x8xf32>
    %div3A_12 = arith.divf %exp3A, %div3A : vector<2048x8xf32>
    %iota3A = tpu.iota {dimensions = array<i32: 1>} : vector<2048x8xi32>
    %reduce_max3A_13 = arith.constant dense<0xFF800000> : vector<2048xf32>
    %reduce_max3A_14 = vector.multi_reduction <maximumf>, %div3A_12, %reduce_max3A_13 [1] : vector<2048x8xf32> to vector<2048xf32>
    %broadcast_in_dim3A_15 = vector.shape_cast %reduce_max3A_14 : vector<2048xf32> to vector<2048x1xf32>
    %eq3A = vector.broadcast %broadcast_in_dim3A_15 : vector<2048x1xf32> to vector<2048x8xf32>
    %eq3A_16 = arith.cmpf oeq, %div3A_12, %eq3A : vector<2048x8xf32>
    %jit3A = arith.constant 8 : i32
    %broadcast_in_dim3A_17 = vector.broadcast %jit3A : i32 to vector<2048x8xi32>
    %select_n3A = arith.select %eq3A_16, %iota3A, %broadcast_in_dim3A_17 : vector<2048x8xi1>, vector<2048x8xi32>
    %reduce_min3A = arith.constant dense<2147483647> : vector<2048xi32>
    %reduce_min3A_18 = vector.multi_reduction <minsi>, %select_n3A, %reduce_min3A [1] : vector<2048x8xi32> to vector<2048xi32>
    %broadcast_in_dim3A_19 = vector.shape_cast %reduce_min3A_18 : vector<2048xi32> to vector<2048x1xi32>
    %eq3A_20 = vector.broadcast %broadcast_in_dim3A_19 : vector<2048x1xi32> to vector<2048x8xi32>
    %eq3A_21 = arith.cmpi eq, %iota3A, %eq3A_20 : vector<2048x8xi32>
    %jit3A_22 = arith.constant 0xFF800000 : f32
    %broadcast_in_dim3A_23 = vector.broadcast %jit3A_22 : f32 to vector<2048x8xf32>
    %select_n3A_24 = arith.select %eq3A_21, %broadcast_in_dim3A_23, %div3A_12 : vector<2048x8xi1>, vector<2048x8xf32>
    %reduce_max3A_25 = arith.constant dense<0xFF800000> : vector<2048xf32>
    %reduce_max3A_26 = vector.multi_reduction <maximumf>, %select_n3A_24, %reduce_max3A_25 [1] : vector<2048x8xf32> to vector<2048xf32>
    %broadcast_in_dim3A_27 = vector.shape_cast %reduce_max3A_26 : vector<2048xf32> to vector<2048x1xf32>
    %eq3A_28 = vector.broadcast %broadcast_in_dim3A_27 : vector<2048x1xf32> to vector<2048x8xf32>
    %eq3A_29 = arith.cmpf oeq, %select_n3A_24, %eq3A_28 : vector<2048x8xf32>
    %jit3A_30 = arith.constant 8 : i32
    %broadcast_in_dim3A_31 = vector.broadcast %jit3A_30 : i32 to vector<2048x8xi32>
    %select_n3A_32 = arith.select %eq3A_29, %iota3A, %broadcast_in_dim3A_31 : vector<2048x8xi1>, vector<2048x8xi32>
    %reduce_min3A_33 = arith.constant dense<2147483647> : vector<2048xi32>
    %reduce_min3A_34 = vector.multi_reduction <minsi>, %select_n3A_32, %reduce_min3A_33 [1] : vector<2048x8xi32> to vector<2048xi32>
    %broadcast_in_dim3A_35 = vector.shape_cast %reduce_min3A_34 : vector<2048xi32> to vector<2048x1xi32>
    %concatenate3A = tpu.concatenate %broadcast_in_dim3A_15, %broadcast_in_dim3A_27 in 1 : vector<2048x1xf32>, vector<2048x1xf32> -> vector<2048x2xf32>
    %swap3A = arith.constant 0 : index
    %swap3A_36 = arith.constant 0 : index
    %swap3A_37 = vector.load %arg5[%swap3A, %swap3A_36] : memref<2048x2xf32, #tpu.memory_space<vmem>>, vector<2048x2xf32>
    tpu.vector_store %arg5[%swap3A, %swap3A_36], %concatenate3A {strides = array<i32>} : memref<2048x2xf32, #tpu.memory_space<vmem>>, vector<2048x2xf32>,
    %eq3A_38 = vector.broadcast %broadcast_in_dim3A_19 : vector<2048x1xi32> to vector<2048x8xi32>
    %eq3A_39 = arith.cmpi eq, %iota3A, %eq3A_38 : vector<2048x8xi32>
    %jit3A_40 = arith.constant 1.000000e+00 : f32
    %jit3A_41 = arith.constant 0.000000e+00 : f32
    %broadcast_in_dim3A_42 = vector.broadcast %jit3A_40 : f32 to vector<2048x8xf32>
    %broadcast_in_dim3A_43 = vector.broadcast %jit3A_41 : f32 to vector<2048x8xf32>
    %select_n3A_44 = arith.select %eq3A_39, %broadcast_in_dim3A_42, %broadcast_in_dim3A_43 : vector<2048x8xi1>, vector<2048x8xf32>
    %eq3A_45 = vector.broadcast %broadcast_in_dim3A_35 : vector<2048x1xi32> to vector<2048x8xi32>
    %eq3A_46 = arith.cmpi eq, %iota3A, %eq3A_45 : vector<2048x8xi32>
    %jit3A_47 = arith.constant 1.000000e+00 : f32
    %jit3A_48 = arith.constant 0.000000e+00 : f32
    %broadcast_in_dim3A_49 = vector.broadcast %jit3A_47 : f32 to vector<2048x8xf32>
    %broadcast_in_dim3A_50 = vector.broadcast %jit3A_48 : f32 to vector<2048x8xf32>
    %select_n3A_51 = arith.select %eq3A_46, %broadcast_in_dim3A_49, %broadcast_in_dim3A_50 : vector<2048x8xi1>, vector<2048x8xf32>
    %add3A = arith.addf %select_n3A_44, %select_n3A_51 : vector<2048x8xf32>
    %iota3A_52 = tpu.iota {dimensions = array<i32: 0>} : vector<256x256xi32>
    %iota3A_53 = tpu.iota {dimensions = array<i32: 1>} : vector<256x256xi32>
    %gt3A = arith.cmpi sgt, %iota3A_52, %iota3A_53 : vector<256x256xi32>
    %jit3A_54 = arith.constant 1.000000e+00 : f32
    %jit3A_55 = arith.constant 0.000000e+00 : f32
    %broadcast_in_dim3A_56 = vector.broadcast %jit3A_54 : f32 to vector<256x256xf32>
    %broadcast_in_dim3A_57 = vector.broadcast %jit3A_55 : f32 to vector<256x256xf32>
    %select_n3A_58 = arith.select %gt3A, %broadcast_in_dim3A_56, %broadcast_in_dim3A_57 : vector<256x256xi1>, vector<256x256xf32>
    %broadcast_in_dim3A_59 = arith.constant 0.000000e+00 : f32
    %broadcast_in_dim3A_60 = vector.broadcast %broadcast_in_dim3A_59 : f32 to vector<1x8xf32>
    %slice3A = vector.extract_strided_slice %add3A {offsets = [0, 0], sizes = [256, 8], strides = [1, 1]} : vector<2048x8xf32> to vector<256x8xf32>
    %dot_general3A_61 = arith.constant dense<0.000000e+00> : vector<256x8xf32>
    %dot_general3A_62 = tpu.matmul %select_n3A_58, %slice3A, %dot_general3A_61 {dimension_numbers = #tpu.dot_dimension_numbers<[1], [0], [0], [1], [0, 0, 1, 1], [], []>, transpose_lhs_hint = false} : vector<256x256xf32>, vector<256x8xf32>, vector<256x8xf32> -> vector<256x8xf32>
    %add3A_63 = vector.broadcast %broadcast_in_dim3A_60 : vector<1x8xf32> to vector<256x8xf32>
    %add3A_64 = arith.addf %dot_general3A_62, %add3A_63 : vector<256x8xf32>
    %reduce_sum3A_65 = arith.constant dense<0.000000e+00> : vector<8xf32>
    %reduce_sum3A_66 = vector.multi_reduction <add>, %slice3A, %reduce_sum3A_65 [0] : vector<256x8xf32> to vector<8xf32>
    %broadcast_in_dim3A_67 = vector.shape_cast %reduce_sum3A_66 : vector<8xf32> to vector<1x8xf32>
    %add3A_68 = arith.addf %broadcast_in_dim3A_60, %broadcast_in_dim3A_67 : vector<1x8xf32>
    %slice3A_69 = vector.extract_strided_slice %add3A {offsets = [256, 0], sizes = [256, 8], strides = [1, 1]} : vector<2048x8xf32> to vector<256x8xf32>
    %dot_general3A_70 = arith.constant dense<0.000000e+00> : vector<256x8xf32>
    %dot_general3A_71 = tpu.matmul %select_n3A_58, %slice3A_69, %dot_general3A_70 {dimension_numbers = #tpu.dot_dimension_numbers<[1], [0], [0], [1], [0, 0, 1, 1], [], []>, transpose_lhs_hint = false} : vector<256x256xf32>, vector<256x8xf32>, vector<256x8xf32> -> vector<256x8xf32>
    %add3A_72 = vector.broadcast %add3A_68 : vector<1x8xf32> to vector<256x8xf32>
    %add3A_73 = arith.addf %dot_general3A_71, %add3A_72 : vector<256x8xf32>
    %reduce_sum3A_74 = arith.constant dense<0.000000e+00> : vector<8xf32>
    %reduce_sum3A_75 = vector.multi_reduction <add>, %slice3A_69, %reduce_sum3A_74 [0] : vector<256x8xf32> to vector<8xf32>
    %broadcast_in_dim3A_76 = vector.shape_cast %reduce_sum3A_75 : vector<8xf32> to vector<1x8xf32>
    %add3A_77 = arith.addf %add3A_68, %broadcast_in_dim3A_76 : vector<1x8xf32>
    %slice3A_78 = vector.extract_strided_slice %add3A {offsets = [512, 0], sizes = [256, 8], strides = [1, 1]} : vector<2048x8xf32> to vector<256x8xf32>
    %dot_general3A_79 = arith.constant dense<0.000000e+00> : vector<256x8xf32>
    %dot_general3A_80 = tpu.matmul %select_n3A_58, %slice3A_78, %dot_general3A_79 {dimension_numbers = #tpu.dot_dimension_numbers<[1], [0], [0], [1], [0, 0, 1, 1], [], []>, transpose_lhs_hint = false} : vector<256x256xf32>, vector<256x8xf32>, vector<256x8xf32> -> vector<256x8xf32>
    %add3A_81 = vector.broadcast %add3A_77 : vector<1x8xf32> to vector<256x8xf32>
    %add3A_82 = arith.addf %dot_general3A_80, %add3A_81 : vector<256x8xf32>
    %reduce_sum3A_83 = arith.constant dense<0.000000e+00> : vector<8xf32>
    %reduce_sum3A_84 = vector.multi_reduction <add>, %slice3A_78, %reduce_sum3A_83 [0] : vector<256x8xf32> to vector<8xf32>
    %broadcast_in_dim3A_85 = vector.shape_cast %reduce_sum3A_84 : vector<8xf32> to vector<1x8xf32>
    %add3A_86 = arith.addf %add3A_77, %broadcast_in_dim3A_85 : vector<1x8xf32>
    %slice3A_87 = vector.extract_strided_slice %add3A {offsets = [768, 0], sizes = [256, 8], strides = [1, 1]} : vector<2048x8xf32> to vector<256x8xf32>
    %dot_general3A_88 = arith.constant dense<0.000000e+00> : vector<256x8xf32>
    %dot_general3A_89 = tpu.matmul %select_n3A_58, %slice3A_87, %dot_general3A_88 {dimension_numbers = #tpu.dot_dimension_numbers<[1], [0], [0], [1], [0, 0, 1, 1], [], []>, transpose_lhs_hint = false} : vector<256x256xf32>, vector<256x8xf32>, vector<256x8xf32> -> vector<256x8xf32>
    %add3A_90 = vector.broadcast %add3A_86 : vector<1x8xf32> to vector<256x8xf32>
    %add3A_91 = arith.addf %dot_general3A_89, %add3A_90 : vector<256x8xf32>
    %reduce_sum3A_92 = arith.constant dense<0.000000e+00> : vector<8xf32>
    %reduce_sum3A_93 = vector.multi_reduction <add>, %slice3A_87, %reduce_sum3A_92 [0] : vector<256x8xf32> to vector<8xf32>
    %broadcast_in_dim3A_94 = vector.shape_cast %reduce_sum3A_93 : vector<8xf32> to vector<1x8xf32>
    %add3A_95 = arith.addf %add3A_86, %broadcast_in_dim3A_94 : vector<1x8xf32>
    %slice3A_96 = vector.extract_strided_slice %add3A {offsets = [1024, 0], sizes = [256, 8], strides = [1, 1]} : vector<2048x8xf32> to vector<256x8xf32>
    %dot_general3A_97 = arith.constant dense<0.000000e+00> : vector<256x8xf32>
    %dot_general3A_98 = tpu.matmul %select_n3A_58, %slice3A_96, %dot_general3A_97 {dimension_numbers = #tpu.dot_dimension_numbers<[1], [0], [0], [1], [0, 0, 1, 1], [], []>, transpose_lhs_hint = false} : vector<256x256xf32>, vector<256x8xf32>, vector<256x8xf32> -> vector<256x8xf32>
    %add3A_99 = vector.broadcast %add3A_95 : vector<1x8xf32> to vector<256x8xf32>
    %add3A_100 = arith.addf %dot_general3A_98, %add3A_99 : vector<256x8xf32>
    %reduce_sum3A_101 = arith.constant dense<0.000000e+00> : vector<8xf32>
    %reduce_sum3A_102 = vector.multi_reduction <add>, %slice3A_96, %reduce_sum3A_101 [0] : vector<256x8xf32> to vector<8xf32>
    %broadcast_in_dim3A_103 = vector.shape_cast %reduce_sum3A_102 : vector<8xf32> to vector<1x8xf32>
    %add3A_104 = arith.addf %add3A_95, %broadcast_in_dim3A_103 : vector<1x8xf32>
    %slice3A_105 = vector.extract_strided_slice %add3A {offsets = [1280, 0], sizes = [256, 8], strides = [1, 1]} : vector<2048x8xf32> to vector<256x8xf32>
    %dot_general3A_106 = arith.constant dense<0.000000e+00> : vector<256x8xf32>
    %dot_general3A_107 = tpu.matmul %select_n3A_58, %slice3A_105, %dot_general3A_106 {dimension_numbers = #tpu.dot_dimension_numbers<[1], [0], [0], [1], [0, 0, 1, 1], [], []>, transpose_lhs_hint = false} : vector<256x256xf32>, vector<256x8xf32>, vector<256x8xf32> -> vector<256x8xf32>
    %add3A_108 = vector.broadcast %add3A_104 : vector<1x8xf32> to vector<256x8xf32>
    %add3A_109 = arith.addf %dot_general3A_107, %add3A_108 : vector<256x8xf32>
    %reduce_sum3A_110 = arith.constant dense<0.000000e+00> : vector<8xf32>
    %reduce_sum3A_111 = vector.multi_reduction <add>, %slice3A_105, %reduce_sum3A_110 [0] : vector<256x8xf32> to vector<8xf32>
    %broadcast_in_dim3A_112 = vector.shape_cast %reduce_sum3A_111 : vector<8xf32> to vector<1x8xf32>
    %add3A_113 = arith.addf %add3A_104, %broadcast_in_dim3A_112 : vector<1x8xf32>
    %slice3A_114 = vector.extract_strided_slice %add3A {offsets = [1536, 0], sizes = [256, 8], strides = [1, 1]} : vector<2048x8xf32> to vector<256x8xf32>
    %dot_general3A_115 = arith.constant dense<0.000000e+00> : vector<256x8xf32>
    %dot_general3A_116 = tpu.matmul %select_n3A_58, %slice3A_114, %dot_general3A_115 {dimension_numbers = #tpu.dot_dimension_numbers<[1], [0], [0], [1], [0, 0, 1, 1], [], []>, transpose_lhs_hint = false} : vector<256x256xf32>, vector<256x8xf32>, vector<256x8xf32> -> vector<256x8xf32>
    %add3A_117 = vector.broadcast %add3A_113 : vector<1x8xf32> to vector<256x8xf32>
    %add3A_118 = arith.addf %dot_general3A_116, %add3A_117 : vector<256x8xf32>
    %reduce_sum3A_119 = arith.constant dense<0.000000e+00> : vector<8xf32>
    %reduce_sum3A_120 = vector.multi_reduction <add>, %slice3A_114, %reduce_sum3A_119 [0] : vector<256x8xf32> to vector<8xf32>
    %broadcast_in_dim3A_121 = vector.shape_cast %reduce_sum3A_120 : vector<8xf32> to vector<1x8xf32>
    %add3A_122 = arith.addf %add3A_113, %broadcast_in_dim3A_121 : vector<1x8xf32>
    %slice3A_123 = vector.extract_strided_slice %add3A {offsets = [1792, 0], sizes = [256, 8], strides = [1, 1]} : vector<2048x8xf32> to vector<256x8xf32>
    %dot_general3A_124 = arith.constant dense<0.000000e+00> : vector<256x8xf32>
    %dot_general3A_125 = tpu.matmul %select_n3A_58, %slice3A_123, %dot_general3A_124 {dimension_numbers = #tpu.dot_dimension_numbers<[1], [0], [0], [1], [0, 0, 1, 1], [], []>, transpose_lhs_hint = false} : vector<256x256xf32>, vector<256x8xf32>, vector<256x8xf32> -> vector<256x8xf32>
    %add3A_126 = vector.broadcast %add3A_122 : vector<1x8xf32> to vector<256x8xf32>
    %add3A_127 = arith.addf %dot_general3A_125, %add3A_126 : vector<256x8xf32>
    %reduce_sum3A_128 = arith.constant dense<0.000000e+00> : vector<8xf32>
    %reduce_sum3A_129 = vector.multi_reduction <add>, %slice3A_123, %reduce_sum3A_128 [0] : vector<256x8xf32> to vector<8xf32>
    %broadcast_in_dim3A_130 = vector.shape_cast %reduce_sum3A_129 : vector<8xf32> to vector<1x8xf32>
    %add3A_131 = arith.addf %add3A_122, %broadcast_in_dim3A_130 : vector<1x8xf32>
    %concatenate3A_132 = tpu.concatenate %add3A_64, %add3A_73, %add3A_82, %add3A_91, %add3A_100, %add3A_109, %add3A_118, %add3A_127 in 0 : vector<256x8xf32>, vector<256x8xf32>, vector<256x8xf32>, vector<256x8xf32>, vector<256x8xf32>, vector<256x8xf32>, vector<256x8xf32>, vector<256x8xf32> -> vector<2048x8xf32>
    %div3A_133 = arith.constant 5.120000e+02 : f32
    %div3A_134 = vector.broadcast %div3A_133 : f32 to vector<1x8xf32>
    %div3A_135 = arith.divf %add3A_131, %div3A_134 : vector<1x8xf32>
    %ceil3A = math.ceil %div3A_135 : vector<1x8xf32>
    %mul3A = arith.constant 5.120000e+02 : f32
    %mul3A_136 = vector.broadcast %mul3A : f32 to vector<1x8xf32>
    %mul3A_137 = arith.mulf %ceil3A, %mul3A_136 : vector<1x8xf32>
    %iota3A_138 = tpu.iota {dimensions = array<i32: 0>} : vector<8x8xi32>
    %iota3A_139 = tpu.iota {dimensions = array<i32: 1>} : vector<8x8xi32>
    %lt3A = arith.cmpi slt, %iota3A_138, %iota3A_139 : vector<8x8xi32>
    %jit3A_140 = arith.constant 1.000000e+00 : f32
    %jit3A_141 = arith.constant 0.000000e+00 : f32
    %broadcast_in_dim3A_142 = vector.broadcast %jit3A_140 : f32 to vector<8x8xf32>
    %broadcast_in_dim3A_143 = vector.broadcast %jit3A_141 : f32 to vector<8x8xf32>
    %select_n3A_144 = arith.select %lt3A, %broadcast_in_dim3A_142, %broadcast_in_dim3A_143 : vector<8x8xi1>, vector<8x8xf32>
    %dot_general3A_145 = arith.constant dense<0.000000e+00> : vector<1x8xf32>
    %dot_general3A_146 = tpu.matmul %mul3A_137, %select_n3A_144, %dot_general3A_145 {dimension_numbers = #tpu.dot_dimension_numbers<[1], [0], [0], [1], [0, 0, 1, 1], [], []>, transpose_lhs_hint = false} : vector<1x8xf32>, vector<8x8xf32>, vector<1x8xf32> -> vector<1x8xf32>
    %add3A_147 = arith.addf %dot_general3A_146, %mul3A_137 : vector<1x8xf32>
    %reduce_sum3A_148 = vector.shape_cast %mul3A_137 : vector<1x8xf32> to vector<1x1x8xf32>
    %reduce_sum3A_149 = arith.constant dense<0.000000e+00> : vector<1xf32>
    %reduce_sum3A_150 = vector.multi_reduction <add>, %reduce_sum3A_148, %reduce_sum3A_149 [1, 2] : vector<1x1x8xf32> to vector<1xf32>
    %reduce_sum3A_151 = vector.shape_cast %reduce_sum3A_150 : vector<1xf32> to vector<1x1x1xf32>
    %reduce_sum3A_152 = vector.extract %reduce_sum3A_151[0, 0, 0] : f32 from vector<1x1x1xf32>
    %eq3A_153 = vector.broadcast %broadcast_in_dim3A_19 : vector<2048x1xi32> to vector<2048x8xi32>
    %eq3A_154 = arith.cmpi eq, %iota3A, %eq3A_153 : vector<2048x8xi32>
    %jit3A_155 = arith.constant 0.000000e+00 : f32
    %broadcast_in_dim3A_156 = vector.shape_cast %dot_general3A_146 : vector<1x8xf32> to vector<1x8xf32>
    %broadcast_in_dim3A_157 = vector.broadcast %broadcast_in_dim3A_156 : vector<1x8xf32> to vector<2048x8xf32>
    %broadcast_in_dim3A_158 = vector.broadcast %jit3A_155 : f32 to vector<2048x8xf32>
    %select_n3A_159 = arith.select %eq3A_154, %broadcast_in_dim3A_157, %broadcast_in_dim3A_158 : vector<2048x8xi1>, vector<2048x8xf32>
    %reduce_sum3A_160 = arith.constant dense<0.000000e+00> : vector<2048xf32>
    %reduce_sum3A_161 = vector.multi_reduction <add>, %select_n3A_159, %reduce_sum3A_160 [1] : vector<2048x8xf32> to vector<2048xf32>
    %broadcast_in_dim3A_162 = vector.shape_cast %reduce_sum3A_161 : vector<2048xf32> to vector<2048x1xf32>
    %eq3A_163 = vector.broadcast %broadcast_in_dim3A_19 : vector<2048x1xi32> to vector<2048x8xi32>
    %eq3A_164 = arith.cmpi eq, %iota3A, %eq3A_163 : vector<2048x8xi32>
    %jit3A_165 = arith.constant 0.000000e+00 : f32
    %broadcast_in_dim3A_166 = vector.broadcast %jit3A_165 : f32 to vector<2048x8xf32>
    %select_n3A_167 = arith.select %eq3A_164, %concatenate3A_132, %broadcast_in_dim3A_166 : vector<2048x8xi1>, vector<2048x8xf32>
    %reduce_sum3A_168 = arith.constant dense<0.000000e+00> : vector<2048xf32>
    %reduce_sum3A_169 = vector.multi_reduction <add>, %select_n3A_167, %reduce_sum3A_168 [1] : vector<2048x8xf32> to vector<2048xf32>
    %broadcast_in_dim3A_170 = vector.shape_cast %reduce_sum3A_169 : vector<2048xf32> to vector<2048x1xf32>
    %add3A_171 = arith.addf %broadcast_in_dim3A_162, %broadcast_in_dim3A_170 : vector<2048x1xf32>
    %eq3A_172 = vector.broadcast %broadcast_in_dim3A_35 : vector<2048x1xi32> to vector<2048x8xi32>
    %eq3A_173 = arith.cmpi eq, %iota3A, %eq3A_172 : vector<2048x8xi32>
    %jit3A_174 = arith.constant 0.000000e+00 : f32
    %broadcast_in_dim3A_175 = vector.shape_cast %dot_general3A_146 : vector<1x8xf32> to vector<1x8xf32>
    %broadcast_in_dim3A_176 = vector.broadcast %broadcast_in_dim3A_175 : vector<1x8xf32> to vector<2048x8xf32>
    %broadcast_in_dim3A_177 = vector.broadcast %jit3A_174 : f32 to vector<2048x8xf32>
    %select_n3A_178 = arith.select %eq3A_173, %broadcast_in_dim3A_176, %broadcast_in_dim3A_177 : vector<2048x8xi1>, vector<2048x8xf32>
    %reduce_sum3A_179 = arith.constant dense<0.000000e+00> : vector<2048xf32>
    %reduce_sum3A_180 = vector.multi_reduction <add>, %select_n3A_178, %reduce_sum3A_179 [1] : vector<2048x8xf32> to vector<2048xf32>
    %broadcast_in_dim3A_181 = vector.shape_cast %reduce_sum3A_180 : vector<2048xf32> to vector<2048x1xf32>
    %eq3A_182 = vector.broadcast %broadcast_in_dim3A_35 : vector<2048x1xi32> to vector<2048x8xi32>
    %eq3A_183 = arith.cmpi eq, %iota3A, %eq3A_182 : vector<2048x8xi32>
    %jit3A_184 = arith.constant 0.000000e+00 : f32
    %broadcast_in_dim3A_185 = vector.broadcast %jit3A_184 : f32 to vector<2048x8xf32>
    %select_n3A_186 = arith.select %eq3A_183, %concatenate3A_132, %broadcast_in_dim3A_185 : vector<2048x8xi1>, vector<2048x8xf32>
    %reduce_sum3A_187 = arith.constant dense<0.000000e+00> : vector<2048xf32>
    %reduce_sum3A_188 = vector.multi_reduction <add>, %select_n3A_186, %reduce_sum3A_187 [1] : vector<2048x8xf32> to vector<2048xf32>
    %broadcast_in_dim3A_189 = vector.shape_cast %reduce_sum3A_188 : vector<2048xf32> to vector<2048x1xf32>
    %add3A_190 = arith.addf %broadcast_in_dim3A_181, %broadcast_in_dim3A_189 : vector<2048x1xf32>
    %convert_element_type3A = arith.fptosi %add3A_171 : vector<2048x1xf32> to vector<2048x1xi32>
    %swap3A_191 = arith.constant 0 : index
    %swap3A_192 = arith.constant 0 : index
    %swap3A_193 = vector.load %arg3[%swap3A_191, %swap3A_192] : memref<2048x1xi32, #tpu.memory_space<vmem>>, vector<2048x1xi32>
    tpu.vector_store %arg3[%swap3A_191, %swap3A_192], %convert_element_type3A {strides = array<i32>} : memref<2048x1xi32, #tpu.memory_space<vmem>>, vector<2048x1xi32>,
    %convert_element_type3A_194 = arith.fptosi %add3A_190 : vector<2048x1xf32> to vector<2048x1xi32>
    %swap3A_195 = arith.constant 0 : index
    %swap3A_196 = arith.constant 0 : index
    %swap3A_197 = vector.load %arg4[%swap3A_195, %swap3A_196] : memref<2048x1xi32, #tpu.memory_space<vmem>>, vector<2048x1xi32>
    tpu.vector_store %arg4[%swap3A_195, %swap3A_196], %convert_element_type3A_194 {strides = array<i32>} : memref<2048x1xi32, #tpu.memory_space<vmem>>, vector<2048x1xi32>,
    %iota3A_198 = tpu.iota {dimensions = array<i32: 1>} : vector<1x15xi32>
    %mul3A_199 = arith.constant 512 : i32
    %mul3A_200 = vector.broadcast %mul3A_199 : i32 to vector<1x15xi32>
    %mul3A_201 = arith.muli %iota3A_198, %mul3A_200 : vector<1x15xi32>
    %convert_element_type3A_202 = arith.sitofp %mul3A_201 : vector<1x15xi32> to vector<1x15xf32>
    %sub3A_203 = arith.constant 1.000000e+00 : f32
    %sub3A_204 = arith.subf %reduce_sum3A_152, %sub3A_203 : f32
    %min3A = vector.broadcast %sub3A_204 : f32 to vector<1x15xf32>
    %min3A_205 = arith.minimumf %convert_element_type3A_202, %min3A : vector<1x15xf32>
    %broadcast_in_dim3A_206 = arith.constant 0.000000e+00 : f32
    %broadcast_in_dim3A_207 = vector.broadcast %broadcast_in_dim3A_206 : f32 to vector<1x15xf32>
    %slice3A_208 = vector.extract_strided_slice %add3A_147 {offsets = [0, 0], sizes = [1, 1], strides = [1, 1]} : vector<1x8xf32> to vector<1x1xf32>
    %squeeze3A = vector.extract %slice3A_208[0, 0] : f32 from vector<1x1xf32>
    %ge3A = vector.broadcast %squeeze3A : f32 to vector<1x15xf32>
    %ge3A_209 = arith.cmpf oge, %min3A_205, %ge3A : vector<1x15xf32>
    %jit3A_210 = arith.constant 1.000000e+00 : f32
    %jit3A_211 = arith.constant 0.000000e+00 : f32
    %broadcast_in_dim3A_212 = vector.broadcast %jit3A_210 : f32 to vector<1x15xf32>
    %broadcast_in_dim3A_213 = vector.broadcast %jit3A_211 : f32 to vector<1x15xf32>
    %select_n3A_214 = arith.select %ge3A_209, %broadcast_in_dim3A_212, %broadcast_in_dim3A_213 : vector<1x15xi1>, vector<1x15xf32>
    %add3A_215 = arith.addf %broadcast_in_dim3A_207, %select_n3A_214 : vector<1x15xf32>
    %slice3A_216 = vector.extract_strided_slice %add3A_147 {offsets = [0, 1], sizes = [1, 1], strides = [1, 1]} : vector<1x8xf32> to vector<1x1xf32>
    %squeeze3A_217 = vector.extract %slice3A_216[0, 0] : f32 from vector<1x1xf32>
    %ge3A_218 = vector.broadcast %squeeze3A_217 : f32 to vector<1x15xf32>
    %ge3A_219 = arith.cmpf oge, %min3A_205, %ge3A_218 : vector<1x15xf32>
    %jit3A_220 = arith.constant 1.000000e+00 : f32
    %jit3A_221 = arith.constant 0.000000e+00 : f32
    %broadcast_in_dim3A_222 = vector.broadcast %jit3A_220 : f32 to vector<1x15xf32>
    %broadcast_in_dim3A_223 = vector.broadcast %jit3A_221 : f32 to vector<1x15xf32>
    %select_n3A_224 = arith.select %ge3A_219, %broadcast_in_dim3A_222, %broadcast_in_dim3A_223 : vector<1x15xi1>, vector<1x15xf32>
    %add3A_225 = arith.addf %add3A_215, %select_n3A_224 : vector<1x15xf32>
    %slice3A_226 = vector.extract_strided_slice %add3A_147 {offsets = [0, 2], sizes = [1, 1], strides = [1, 1]} : vector<1x8xf32> to vector<1x1xf32>
    %squeeze3A_227 = vector.extract %slice3A_226[0, 0] : f32 from vector<1x1xf32>
    %ge3A_228 = vector.broadcast %squeeze3A_227 : f32 to vector<1x15xf32>
    %ge3A_229 = arith.cmpf oge, %min3A_205, %ge3A_228 : vector<1x15xf32>
    %jit3A_230 = arith.constant 1.000000e+00 : f32
    %jit3A_231 = arith.constant 0.000000e+00 : f32
    %broadcast_in_dim3A_232 = vector.broadcast %jit3A_230 : f32 to vector<1x15xf32>
    %broadcast_in_dim3A_233 = vector.broadcast %jit3A_231 : f32 to vector<1x15xf32>
    %select_n3A_234 = arith.select %ge3A_229, %broadcast_in_dim3A_232, %broadcast_in_dim3A_233 : vector<1x15xi1>, vector<1x15xf32>
    %add3A_235 = arith.addf %add3A_225, %select_n3A_234 : vector<1x15xf32>
    %slice3A_236 = vector.extract_strided_slice %add3A_147 {offsets = [0, 3], sizes = [1, 1], strides = [1, 1]} : vector<1x8xf32> to vector<1x1xf32>
    %squeeze3A_237 = vector.extract %slice3A_236[0, 0] : f32 from vector<1x1xf32>
    %ge3A_238 = vector.broadcast %squeeze3A_237 : f32 to vector<1x15xf32>
    %ge3A_239 = arith.cmpf oge, %min3A_205, %ge3A_238 : vector<1x15xf32>
    %jit3A_240 = arith.constant 1.000000e+00 : f32
    %jit3A_241 = arith.constant 0.000000e+00 : f32
    %broadcast_in_dim3A_242 = vector.broadcast %jit3A_240 : f32 to vector<1x15xf32>
    %broadcast_in_dim3A_243 = vector.broadcast %jit3A_241 : f32 to vector<1x15xf32>
    %select_n3A_244 = arith.select %ge3A_239, %broadcast_in_dim3A_242, %broadcast_in_dim3A_243 : vector<1x15xi1>, vector<1x15xf32>
    %add3A_245 = arith.addf %add3A_235, %select_n3A_244 : vector<1x15xf32>
    %slice3A_246 = vector.extract_strided_slice %add3A_147 {offsets = [0, 4], sizes = [1, 1], strides = [1, 1]} : vector<1x8xf32> to vector<1x1xf32>
    %squeeze3A_247 = vector.extract %slice3A_246[0, 0] : f32 from vector<1x1xf32>
    %ge3A_248 = vector.broadcast %squeeze3A_247 : f32 to vector<1x15xf32>
    %ge3A_249 = arith.cmpf oge, %min3A_205, %ge3A_248 : vector<1x15xf32>
    %jit3A_250 = arith.constant 1.000000e+00 : f32
    %jit3A_251 = arith.constant 0.000000e+00 : f32
    %broadcast_in_dim3A_252 = vector.broadcast %jit3A_250 : f32 to vector<1x15xf32>
    %broadcast_in_dim3A_253 = vector.broadcast %jit3A_251 : f32 to vector<1x15xf32>
    %select_n3A_254 = arith.select %ge3A_249, %broadcast_in_dim3A_252, %broadcast_in_dim3A_253 : vector<1x15xi1>, vector<1x15xf32>
    %add3A_255 = arith.addf %add3A_245, %select_n3A_254 : vector<1x15xf32>
    %slice3A_256 = vector.extract_strided_slice %add3A_147 {offsets = [0, 5], sizes = [1, 1], strides = [1, 1]} : vector<1x8xf32> to vector<1x1xf32>
    %squeeze3A_257 = vector.extract %slice3A_256[0, 0] : f32 from vector<1x1xf32>
    %ge3A_258 = vector.broadcast %squeeze3A_257 : f32 to vector<1x15xf32>
    %ge3A_259 = arith.cmpf oge, %min3A_205, %ge3A_258 : vector<1x15xf32>
    %jit3A_260 = arith.constant 1.000000e+00 : f32
    %jit3A_261 = arith.constant 0.000000e+00 : f32
    %broadcast_in_dim3A_262 = vector.broadcast %jit3A_260 : f32 to vector<1x15xf32>
    %broadcast_in_dim3A_263 = vector.broadcast %jit3A_261 : f32 to vector<1x15xf32>
    %select_n3A_264 = arith.select %ge3A_259, %broadcast_in_dim3A_262, %broadcast_in_dim3A_263 : vector<1x15xi1>, vector<1x15xf32>
    %add3A_265 = arith.addf %add3A_255, %select_n3A_264 : vector<1x15xf32>
    %slice3A_266 = vector.extract_strided_slice %add3A_147 {offsets = [0, 6], sizes = [1, 1], strides = [1, 1]} : vector<1x8xf32> to vector<1x1xf32>
    %squeeze3A_267 = vector.extract %slice3A_266[0, 0] : f32 from vector<1x1xf32>
    %ge3A_268 = vector.broadcast %squeeze3A_267 : f32 to vector<1x15xf32>
    %ge3A_269 = arith.cmpf oge, %min3A_205, %ge3A_268 : vector<1x15xf32>
    %jit3A_270 = arith.constant 1.000000e+00 : f32
    %jit3A_271 = arith.constant 0.000000e+00 : f32
    %broadcast_in_dim3A_272 = vector.broadcast %jit3A_270 : f32 to vector<1x15xf32>
    %broadcast_in_dim3A_273 = vector.broadcast %jit3A_271 : f32 to vector<1x15xf32>
    %select_n3A_274 = arith.select %ge3A_269, %broadcast_in_dim3A_272, %broadcast_in_dim3A_273 : vector<1x15xi1>, vector<1x15xf32>
    %add3A_275 = arith.addf %add3A_265, %select_n3A_274 : vector<1x15xf32>
    %slice3A_276 = vector.extract_strided_slice %add3A_147 {offsets = [0, 7], sizes = [1, 1], strides = [1, 1]} : vector<1x8xf32> to vector<1x1xf32>
    %squeeze3A_277 = vector.extract %slice3A_276[0, 0] : f32 from vector<1x1xf32>
    %ge3A_278 = vector.broadcast %squeeze3A_277 : f32 to vector<1x15xf32>
    %ge3A_279 = arith.cmpf oge, %min3A_205, %ge3A_278 : vector<1x15xf32>
    %jit3A_280 = arith.constant 1.000000e+00 : f32
    %jit3A_281 = arith.constant 0.000000e+00 : f32
    %broadcast_in_dim3A_282 = vector.broadcast %jit3A_280 : f32 to vector<1x15xf32>
    %broadcast_in_dim3A_283 = vector.broadcast %jit3A_281 : f32 to vector<1x15xf32>
    %select_n3A_284 = arith.select %ge3A_279, %broadcast_in_dim3A_282, %broadcast_in_dim3A_283 : vector<1x15xi1>, vector<1x15xf32>
    %add3A_285 = arith.addf %add3A_275, %select_n3A_284 : vector<1x15xf32>
    %broadcast_in_dim3A_286 = vector.broadcast %reduce_sum3A_152 : f32 to vector<1x1xf32>
    %concatenate3A_287 = tpu.concatenate %add3A_285, %broadcast_in_dim3A_286 in 1 : vector<1x15xf32>, vector<1x1xf32> -> vector<1x16xf32>
    %convert_element_type3A_288 = arith.fptosi %concatenate3A_287 : vector<1x16xf32> to vector<1x16xi32>
    %swap3A_289 = arith.constant 0 : index
    %swap3A_290 = arith.constant 0 : index
    %swap3A_291 = vector.load %arg6[%swap3A_289, %swap3A_290] : memref<1x16xi32, #tpu.memory_space<vmem>>, vector<1x16xi32>
    tpu.vector_store %arg6[%swap3A_289, %swap3A_290], %convert_element_type3A_288 {strides = array<i32>} : memref<1x16xi32, #tpu.memory_space<vmem>>, vector<1x16xi32>,
    return
  }
  func.func @transform_0(%arg0: i32) -> (i32, i32) {
    %c0_i32 = arith.constant 0 : i32
    %c0_i32_0 = arith.constant 0 : i32
    %c0_i32_1 = arith.constant 0 : i32
    return %c0_i32, %c0_i32_0 : i32, i32
  }
  func.func @transform_1(%arg0: i32) -> (i32, i32, i32) {
    %c0_i32 = arith.constant 0 : i32
    %c0_i32_0 = arith.constant 0 : i32
    %c0_i32_1 = arith.constant 0 : i32
    %c0_i32_2 = arith.constant 0 : i32
    return %c0_i32, %c0_i32_0, %c0_i32_1 : i32, i32, i32
  }
  func.func @transform_2(%arg0: i32) -> (i32, i32) {
    %c0_i32 = arith.constant 0 : i32
    %c0_i32_0 = arith.constant 0 : i32
    %c0_i32_1 = arith.constant 0 : i32
    return %c0_i32, %c0_i32_0 : i32, i32
  }
  func.func @transform_3(%arg0: i32) -> (i32, i32) {
    %c0_i32 = arith.constant 0 : i32
    %c0_i32_0 = arith.constant 0 : i32
    %c0_i32_1 = arith.constant 0 : i32
    return %c0_i32, %c0_i32_0 : i32, i32
  }
  func.func @transform_4(%arg0: i32) -> (i32, i32) {
    %c0_i32 = arith.constant 0 : i32
    %c0_i32_0 = arith.constant 0 : i32
    %c0_i32_1 = arith.constant 0 : i32
    return %c0_i32, %c0_i32_0 : i32, i32
  }
  func.func @transform_5(%arg0: i32) -> (i32, i32) {
    %c0_i32 = arith.constant 0 : i32
    %c0_i32_0 = arith.constant 0 : i32
    %c0_i32_1 = arith.constant 0 : i32
    return %c0_i32, %c0_i32_0 : i32, i32
  }
}

module attributes {stable_mosaic.version = 14 : i64} {
  func.func @_shared_body(%arg0: i32, %arg1: memref<256x1024xf32, #tpu.memory_space<vmem>>, %arg2: memref<1x1024x1408xf32, #tpu.memory_space<vmem>>, %arg3: memref<1x1024x1408xf32, #tpu.memory_space<vmem>>, %arg4: memref<1x1408x1024xf32, #tpu.memory_space<vmem>>, %arg5: memref<1x1024x1xf32, #tpu.memory_space<vmem>>, %arg6: memref<256x1024xf32, #tpu.memory_space<vmem>>) attributes {dimension_semantics = [#tpu.dimension_semantics<parallel>], iteration_bounds = array<i64: 8>, scalar_prefetch = 0 : i64, scratch_operands = 0 : i64, tpu.core_type = #tpu.core_type<tc>, window_params = [{transform_indices = @transform_0, window_bounds = array<i64: 256, 1024>}, {transform_indices = @transform_1, window_bounds = array<i64: 1, 1024, 1408>}, {transform_indices = @transform_2, window_bounds = array<i64: 1, 1024, 1408>}, {transform_indices = @transform_3, window_bounds = array<i64: 1, 1408, 1024>}, {transform_indices = @transform_4, window_bounds = array<i64: 1, 1024, 1>}, {transform_indices = @transform_5, window_bounds = array<i64: 256, 1024>}]} {
    %get3A = arith.constant 0 : index
    %get3A_0 = arith.constant 0 : index
    %get3A_1 = vector.load %arg1[%get3A, %get3A_0] : memref<256x1024xf32, #tpu.memory_space<vmem>>, vector<256x1024xf32>
    %convert_element_type3A = arith.truncf %get3A_1 : vector<256x1024xf32> to vector<256x1024xbf16>
    %get3A_2 = arith.constant 0 : index
    %get3A_3 = arith.constant 0 : index
    %get3A_4 = arith.constant 0 : index
    %get3A_5 = vector.load %arg2[%get3A_2, %get3A_3, %get3A_4] : memref<1x1024x1408xf32, #tpu.memory_space<vmem>>, vector<1x1024x1408xf32>
    %get3A_6 = vector.shape_cast %get3A_5 : vector<1x1024x1408xf32> to vector<1024x1408xf32>
    %convert_element_type3A_7 = arith.truncf %get3A_6 : vector<1024x1408xf32> to vector<1024x1408xbf16>
    %dot_general3A = arith.constant dense<0.000000e+00> : vector<256x1408xf32>
    %dot_general3A_8 = tpu.matmul %convert_element_type3A, %convert_element_type3A_7, %dot_general3A {dimension_numbers = #tpu.dot_dimension_numbers<[1], [0], [0], [1], [0, 0, 1, 1], [], []>, transpose_lhs_hint = false} : vector<256x1024xbf16>, vector<1024x1408xbf16>, vector<256x1408xf32> -> vector<256x1408xf32>
    %logistic3A = arith.negf %dot_general3A_8 : vector<256x1408xf32>
    %logistic3A_9 = math.exp %logistic3A : vector<256x1408xf32>
    %logistic3A_10 = arith.constant 1.000000e+00 : f32
    %logistic3A_11 = vector.broadcast %logistic3A_10 : f32 to vector<256x1408xf32>
    %logistic3A_12 = arith.addf %logistic3A_11, %logistic3A_9 : vector<256x1408xf32>
    %logistic3A_13 = arith.divf %logistic3A_11, %logistic3A_12 : vector<256x1408xf32>
    %mul3A = arith.mulf %dot_general3A_8, %logistic3A_13 : vector<256x1408xf32>
    %get3A_14 = arith.constant 0 : index
    %get3A_15 = arith.constant 0 : index
    %get3A_16 = arith.constant 0 : index
    %get3A_17 = vector.load %arg3[%get3A_14, %get3A_15, %get3A_16] : memref<1x1024x1408xf32, #tpu.memory_space<vmem>>, vector<1x1024x1408xf32>
    %get3A_18 = vector.shape_cast %get3A_17 : vector<1x1024x1408xf32> to vector<1024x1408xf32>
    %convert_element_type3A_19 = arith.truncf %get3A_18 : vector<1024x1408xf32> to vector<1024x1408xbf16>
    %dot_general3A_20 = arith.constant dense<0.000000e+00> : vector<256x1408xf32>
    %dot_general3A_21 = tpu.matmul %convert_element_type3A, %convert_element_type3A_19, %dot_general3A_20 {dimension_numbers = #tpu.dot_dimension_numbers<[1], [0], [0], [1], [0, 0, 1, 1], [], []>, transpose_lhs_hint = false} : vector<256x1024xbf16>, vector<1024x1408xbf16>, vector<256x1408xf32> -> vector<256x1408xf32>
    %mul3A_22 = arith.mulf %mul3A, %dot_general3A_21 : vector<256x1408xf32>
    %convert_element_type3A_23 = arith.truncf %mul3A_22 : vector<256x1408xf32> to vector<256x1408xbf16>
    %get3A_24 = arith.constant 0 : index
    %get3A_25 = arith.constant 0 : index
    %get3A_26 = arith.constant 0 : index
    %get3A_27 = vector.load %arg4[%get3A_24, %get3A_25, %get3A_26] : memref<1x1408x1024xf32, #tpu.memory_space<vmem>>, vector<1x1408x1024xf32>
    %get3A_28 = vector.shape_cast %get3A_27 : vector<1x1408x1024xf32> to vector<1408x1024xf32>
    %convert_element_type3A_29 = arith.truncf %get3A_28 : vector<1408x1024xf32> to vector<1408x1024xbf16>
    %dot_general3A_30 = arith.constant dense<0.000000e+00> : vector<256x1024xf32>
    %dot_general3A_31 = tpu.matmul %convert_element_type3A_23, %convert_element_type3A_29, %dot_general3A_30 {dimension_numbers = #tpu.dot_dimension_numbers<[1], [0], [0], [1], [0, 0, 1, 1], [], []>, transpose_lhs_hint = false} : vector<256x1408xbf16>, vector<1408x1024xbf16>, vector<256x1024xf32> -> vector<256x1024xf32>
    %get3A_32 = arith.constant 0 : index
    %get3A_33 = arith.constant 0 : index
    %get3A_34 = arith.constant 0 : index
    %get3A_35 = vector.load %arg5[%get3A_32, %get3A_33, %get3A_34] : memref<1x1024x1xf32, #tpu.memory_space<vmem>>, vector<1x1024x1xf32>
    %get3A_36 = vector.shape_cast %get3A_35 : vector<1x1024x1xf32> to vector<1024x1xf32>
    %dot_general3A_37 = arith.constant dense<0.000000e+00> : vector<256x1xf32>
    %dot_general3A_38 = tpu.matmul %get3A_1, %get3A_36, %dot_general3A_37 {dimension_numbers = #tpu.dot_dimension_numbers<[1], [0], [0], [1], [0, 0, 1, 1], [], []>, transpose_lhs_hint = false} : vector<256x1024xf32>, vector<1024x1xf32>, vector<256x1xf32> -> vector<256x1xf32>
    %logistic3A_39 = arith.negf %dot_general3A_38 : vector<256x1xf32>
    %logistic3A_40 = math.exp %logistic3A_39 : vector<256x1xf32>
    %logistic3A_41 = arith.constant 1.000000e+00 : f32
    %logistic3A_42 = vector.broadcast %logistic3A_41 : f32 to vector<256x1xf32>
    %logistic3A_43 = arith.addf %logistic3A_42, %logistic3A_40 : vector<256x1xf32>
    %logistic3A_44 = arith.divf %logistic3A_42, %logistic3A_43 : vector<256x1xf32>
    %mul3A_45 = vector.broadcast %logistic3A_44 : vector<256x1xf32> to vector<256x1024xf32>
    %mul3A_46 = arith.mulf %mul3A_45, %dot_general3A_31 : vector<256x1024xf32>
    %swap3A = arith.constant 0 : index
    %swap3A_47 = arith.constant 0 : index
    %swap3A_48 = vector.load %arg6[%swap3A, %swap3A_47] : memref<256x1024xf32, #tpu.memory_space<vmem>>, vector<256x1024xf32>
    tpu.vector_store %arg6[%swap3A, %swap3A_47], %mul3A_46 {strides = array<i32>} : memref<256x1024xf32, #tpu.memory_space<vmem>>, vector<256x1024xf32>,
    return
  }
  func.func @transform_0(%arg0: i32) -> (i32, i32) {
    %c0_i32 = arith.constant 0 : i32
    %c0_i32_0 = arith.constant 0 : i32
    return %arg0, %c0_i32 : i32, i32
  }
  func.func @transform_1(%arg0: i32) -> (i32, i32, i32) {
    %c0_i32 = arith.constant 0 : i32
    %c0_i32_0 = arith.constant 0 : i32
    %c0_i32_1 = arith.constant 0 : i32
    %c0_i32_2 = arith.constant 0 : i32
    return %c0_i32, %c0_i32_0, %c0_i32_1 : i32, i32, i32
  }
  func.func @transform_2(%arg0: i32) -> (i32, i32, i32) {
    %c0_i32 = arith.constant 0 : i32
    %c0_i32_0 = arith.constant 0 : i32
    %c0_i32_1 = arith.constant 0 : i32
    %c0_i32_2 = arith.constant 0 : i32
    return %c0_i32, %c0_i32_0, %c0_i32_1 : i32, i32, i32
  }
  func.func @transform_3(%arg0: i32) -> (i32, i32, i32) {
    %c0_i32 = arith.constant 0 : i32
    %c0_i32_0 = arith.constant 0 : i32
    %c0_i32_1 = arith.constant 0 : i32
    %c0_i32_2 = arith.constant 0 : i32
    return %c0_i32, %c0_i32_0, %c0_i32_1 : i32, i32, i32
  }
  func.func @transform_4(%arg0: i32) -> (i32, i32, i32) {
    %c0_i32 = arith.constant 0 : i32
    %c0_i32_0 = arith.constant 0 : i32
    %c0_i32_1 = arith.constant 0 : i32
    %c0_i32_2 = arith.constant 0 : i32
    return %c0_i32, %c0_i32_0, %c0_i32_1 : i32, i32, i32
  }
  func.func @transform_5(%arg0: i32) -> (i32, i32) {
    %c0_i32 = arith.constant 0 : i32
    %c0_i32_0 = arith.constant 0 : i32
    return %arg0, %c0_i32 : i32, i32
  }
}

module attributes {stable_mosaic.version = 14 : i64} {
  func.func @_combine_body(%arg0: i32, %arg1: memref<256x1024xf32, #tpu.memory_space<vmem>>, %arg2: memref<256x1024xf32, #tpu.memory_space<vmem>>, %arg3: memref<256x2xf32, #tpu.memory_space<vmem>>, %arg4: memref<256x1024xf32, #tpu.memory_space<vmem>>, %arg5: memref<256x1024xf32, #tpu.memory_space<vmem>>) attributes {dimension_semantics = [#tpu.dimension_semantics<parallel>], iteration_bounds = array<i64: 8>, scalar_prefetch = 0 : i64, scratch_operands = 0 : i64, tpu.core_type = #tpu.core_type<tc>, window_params = [{transform_indices = @transform_0, window_bounds = array<i64: 256, 1024>}, {transform_indices = @transform_1, window_bounds = array<i64: 256, 1024>}, {transform_indices = @transform_2, window_bounds = array<i64: 256, 2>}, {transform_indices = @transform_3, window_bounds = array<i64: 256, 1024>}, {transform_indices = @transform_4, window_bounds = array<i64: 256, 1024>}]} {
    %get3A = arith.constant 0 : index
    %get3A_0 = arith.constant 0 : index
    %get3A_1 = vector.load %arg3[%get3A, %get3A_0] : memref<256x2xf32, #tpu.memory_space<vmem>>, vector<256x2xf32>
    %slice3A = vector.extract_strided_slice %get3A_1 {offsets = [0, 0], sizes = [256, 1], strides = [1, 1]} : vector<256x2xf32> to vector<256x1xf32>
    %get3A_2 = arith.constant 0 : index
    %get3A_3 = arith.constant 0 : index
    %get3A_4 = vector.load %arg1[%get3A_2, %get3A_3] : memref<256x1024xf32, #tpu.memory_space<vmem>>, vector<256x1024xf32>
    %mul3A = vector.broadcast %slice3A : vector<256x1xf32> to vector<256x1024xf32>
    %mul3A_5 = arith.mulf %mul3A, %get3A_4 : vector<256x1024xf32>
    %slice3A_6 = vector.extract_strided_slice %get3A_1 {offsets = [0, 1], sizes = [256, 1], strides = [1, 1]} : vector<256x2xf32> to vector<256x1xf32>
    %get3A_7 = arith.constant 0 : index
    %get3A_8 = arith.constant 0 : index
    %get3A_9 = vector.load %arg2[%get3A_7, %get3A_8] : memref<256x1024xf32, #tpu.memory_space<vmem>>, vector<256x1024xf32>
    %mul3A_10 = vector.broadcast %slice3A_6 : vector<256x1xf32> to vector<256x1024xf32>
    %mul3A_11 = arith.mulf %mul3A_10, %get3A_9 : vector<256x1024xf32>
    %add3A = arith.addf %mul3A_5, %mul3A_11 : vector<256x1024xf32>
    %get3A_12 = arith.constant 0 : index
    %get3A_13 = arith.constant 0 : index
    %get3A_14 = vector.load %arg4[%get3A_12, %get3A_13] : memref<256x1024xf32, #tpu.memory_space<vmem>>, vector<256x1024xf32>
    %add3A_15 = arith.addf %add3A, %get3A_14 : vector<256x1024xf32>
    %swap3A = arith.constant 0 : index
    %swap3A_16 = arith.constant 0 : index
    %swap3A_17 = vector.load %arg5[%swap3A, %swap3A_16] : memref<256x1024xf32, #tpu.memory_space<vmem>>, vector<256x1024xf32>
    tpu.vector_store %arg5[%swap3A, %swap3A_16], %add3A_15 {strides = array<i32>} : memref<256x1024xf32, #tpu.memory_space<vmem>>, vector<256x1024xf32>,
    return
  }
  func.func @transform_0(%arg0: i32) -> (i32, i32) {
    %c0_i32 = arith.constant 0 : i32
    %c0_i32_0 = arith.constant 0 : i32
    return %arg0, %c0_i32 : i32, i32
  }
  func.func @transform_1(%arg0: i32) -> (i32, i32) {
    %c0_i32 = arith.constant 0 : i32
    %c0_i32_0 = arith.constant 0 : i32
    return %arg0, %c0_i32 : i32, i32
  }
  func.func @transform_2(%arg0: i32) -> (i32, i32) {
    %c0_i32 = arith.constant 0 : i32
    %c0_i32_0 = arith.constant 0 : i32
    return %arg0, %c0_i32 : i32, i32
  }
  func.func @transform_3(%arg0: i32) -> (i32, i32) {
    %c0_i32 = arith.constant 0 : i32
    %c0_i32_0 = arith.constant 0 : i32
    return %arg0, %c0_i32 : i32, i32
  }
  func.func @transform_4(%arg0: i32) -> (i32, i32) {
    %c0_i32 = arith.constant 0 : i32
    %c0_i32_0 = arith.constant 0 : i32
    return %arg0, %c0_i32 : i32, i32
  }
}

module attributes {stable_mosaic.version = 14 : i64} {
  func.func @_router_body(%arg0: i32, %arg1: memref<2048x1024xf32, #tpu.memory_space<vmem>>, %arg2: memref<1x1024x8xf32, #tpu.memory_space<vmem>>, %arg3: memref<2048x1xi32, #tpu.memory_space<vmem>>, %arg4: memref<2048x1xi32, #tpu.memory_space<vmem>>, %arg5: memref<2048x2xf32, #tpu.memory_space<vmem>>, %arg6: memref<1x16xi32, #tpu.memory_space<vmem>>) attributes {dimension_semantics = [#tpu.dimension_semantics<arbitrary>], iteration_bounds = array<i64: 1>, scalar_prefetch = 0 : i64, scratch_operands = 0 : i64, tpu.core_type = #tpu.core_type<tc>, window_params = [{pipeline_mode = #tpu.pipeline_mode<synchronous>, transform_indices = @transform_0, window_bounds = array<i64: 2048, 1024>}, {transform_indices = @transform_1, window_bounds = array<i64: 1, 1024, 8>}, {pipeline_mode = #tpu.pipeline_mode<synchronous>, transform_indices = @transform_2, window_bounds = array<i64: 2048, 1>}, {pipeline_mode = #tpu.pipeline_mode<synchronous>, transform_indices = @transform_3, window_bounds = array<i64: 2048, 1>}, {pipeline_mode = #tpu.pipeline_mode<synchronous>, transform_indices = @transform_4, window_bounds = array<i64: 2048, 2>}, {pipeline_mode = #tpu.pipeline_mode<synchronous>, transform_indices = @transform_5, window_bounds = array<i64: 1, 16>}]} {
    %get3A = arith.constant 0 : index
    %get3A_0 = arith.constant 0 : index
    %get3A_1 = vector.load %arg1[%get3A, %get3A_0] : memref<2048x1024xf32, #tpu.memory_space<vmem>>, vector<2048x1024xf32>
    %get3A_2 = arith.constant 0 : index
    %get3A_3 = arith.constant 0 : index
    %get3A_4 = arith.constant 0 : index
    %get3A_5 = vector.load %arg2[%get3A_2, %get3A_3, %get3A_4] : memref<1x1024x8xf32, #tpu.memory_space<vmem>>, vector<1x1024x8xf32>
    %get3A_6 = vector.shape_cast %get3A_5 : vector<1x1024x8xf32> to vector<1024x8xf32>
    %dot_general3A = arith.constant dense<0.000000e+00> : vector<2048x8xf32>
    %dot_general3A_7 = tpu.matmul %get3A_1, %get3A_6, %dot_general3A {dimension_numbers = #tpu.dot_dimension_numbers<[1], [0], [0], [1], [0, 0, 1, 1], [], []>, transpose_lhs_hint = false} : vector<2048x1024xf32>, vector<1024x8xf32>, vector<2048x8xf32> -> vector<2048x8xf32>
    %reduce_max3A = arith.constant dense<0xFF800000> : vector<2048xf32>
    %reduce_max3A_8 = vector.multi_reduction <maximumf>, %dot_general3A_7, %reduce_max3A [1] : vector<2048x8xf32> to vector<2048xf32>
    %broadcast_in_dim3A = vector.shape_cast %reduce_max3A_8 : vector<2048xf32> to vector<2048x1xf32>
    %sub3A = vector.broadcast %broadcast_in_dim3A : vector<2048x1xf32> to vector<2048x8xf32>
    %sub3A_9 = arith.subf %dot_general3A_7, %sub3A : vector<2048x8xf32>
    %exp3A = math.exp %sub3A_9 : vector<2048x8xf32>
    %reduce_sum3A = arith.constant dense<0.000000e+00> : vector<2048xf32>
    %reduce_sum3A_10 = vector.multi_reduction <add>, %exp3A, %reduce_sum3A [1] : vector<2048x8xf32> to vector<2048xf32>
    %broadcast_in_dim3A_11 = vector.shape_cast %reduce_sum3A_10 : vector<2048xf32> to vector<2048x1xf32>
    %div3A = vector.broadcast %broadcast_in_dim3A_11 : vector<2048x1xf32> to vector<2048x8xf32>
    %div3A_12 = arith.divf %exp3A, %div3A : vector<2048x8xf32>
    %iota3A = tpu.iota {dimensions = array<i32: 1>} : vector<2048x8xi32>
    %reduce_max3A_13 = arith.constant dense<0xFF800000> : vector<2048xf32>
    %reduce_max3A_14 = vector.multi_reduction <maximumf>, %div3A_12, %reduce_max3A_13 [1] : vector<2048x8xf32> to vector<2048xf32>
    %broadcast_in_dim3A_15 = vector.shape_cast %reduce_max3A_14 : vector<2048xf32> to vector<2048x1xf32>
    %eq3A = vector.broadcast %broadcast_in_dim3A_15 : vector<2048x1xf32> to vector<2048x8xf32>
    %eq3A_16 = arith.cmpf oeq, %div3A_12, %eq3A : vector<2048x8xf32>
    %jit3A = arith.constant 8 : i32
    %broadcast_in_dim3A_17 = vector.broadcast %jit3A : i32 to vector<2048x8xi32>
    %select_n3A = arith.select %eq3A_16, %iota3A, %broadcast_in_dim3A_17 : vector<2048x8xi1>, vector<2048x8xi32>
    %reduce_min3A = arith.constant dense<2147483647> : vector<2048xi32>
    %reduce_min3A_18 = vector.multi_reduction <minsi>, %select_n3A, %reduce_min3A [1] : vector<2048x8xi32> to vector<2048xi32>
    %broadcast_in_dim3A_19 = vector.shape_cast %reduce_min3A_18 : vector<2048xi32> to vector<2048x1xi32>
    %eq3A_20 = vector.broadcast %broadcast_in_dim3A_19 : vector<2048x1xi32> to vector<2048x8xi32>
    %eq3A_21 = arith.cmpi eq, %iota3A, %eq3A_20 : vector<2048x8xi32>
    %jit3A_22 = arith.constant 0xFF800000 : f32
    %broadcast_in_dim3A_23 = vector.broadcast %jit3A_22 : f32 to vector<2048x8xf32>
    %select_n3A_24 = arith.select %eq3A_21, %broadcast_in_dim3A_23, %div3A_12 : vector<2048x8xi1>, vector<2048x8xf32>
    %reduce_max3A_25 = arith.constant dense<0xFF800000> : vector<2048xf32>
    %reduce_max3A_26 = vector.multi_reduction <maximumf>, %select_n3A_24, %reduce_max3A_25 [1] : vector<2048x8xf32> to vector<2048xf32>
    %broadcast_in_dim3A_27 = vector.shape_cast %reduce_max3A_26 : vector<2048xf32> to vector<2048x1xf32>
    %eq3A_28 = vector.broadcast %broadcast_in_dim3A_27 : vector<2048x1xf32> to vector<2048x8xf32>
    %eq3A_29 = arith.cmpf oeq, %select_n3A_24, %eq3A_28 : vector<2048x8xf32>
    %jit3A_30 = arith.constant 8 : i32
    %broadcast_in_dim3A_31 = vector.broadcast %jit3A_30 : i32 to vector<2048x8xi32>
    %select_n3A_32 = arith.select %eq3A_29, %iota3A, %broadcast_in_dim3A_31 : vector<2048x8xi1>, vector<2048x8xi32>
    %reduce_min3A_33 = arith.constant dense<2147483647> : vector<2048xi32>
    %reduce_min3A_34 = vector.multi_reduction <minsi>, %select_n3A_32, %reduce_min3A_33 [1] : vector<2048x8xi32> to vector<2048xi32>
    %broadcast_in_dim3A_35 = vector.shape_cast %reduce_min3A_34 : vector<2048xi32> to vector<2048x1xi32>
    %concatenate3A = tpu.concatenate %broadcast_in_dim3A_15, %broadcast_in_dim3A_27 in 1 : vector<2048x1xf32>, vector<2048x1xf32> -> vector<2048x2xf32>
    %swap3A = arith.constant 0 : index
    %swap3A_36 = arith.constant 0 : index
    %swap3A_37 = vector.load %arg5[%swap3A, %swap3A_36] : memref<2048x2xf32, #tpu.memory_space<vmem>>, vector<2048x2xf32>
    tpu.vector_store %arg5[%swap3A, %swap3A_36], %concatenate3A {strides = array<i32>} : memref<2048x2xf32, #tpu.memory_space<vmem>>, vector<2048x2xf32>,
    %eq3A_38 = vector.broadcast %broadcast_in_dim3A_19 : vector<2048x1xi32> to vector<2048x8xi32>
    %eq3A_39 = arith.cmpi eq, %iota3A, %eq3A_38 : vector<2048x8xi32>
    %jit3A_40 = arith.constant 1.000000e+00 : f32
    %jit3A_41 = arith.constant 0.000000e+00 : f32
    %broadcast_in_dim3A_42 = vector.broadcast %jit3A_40 : f32 to vector<2048x8xf32>
    %broadcast_in_dim3A_43 = vector.broadcast %jit3A_41 : f32 to vector<2048x8xf32>
    %select_n3A_44 = arith.select %eq3A_39, %broadcast_in_dim3A_42, %broadcast_in_dim3A_43 : vector<2048x8xi1>, vector<2048x8xf32>
    %eq3A_45 = vector.broadcast %broadcast_in_dim3A_35 : vector<2048x1xi32> to vector<2048x8xi32>
    %eq3A_46 = arith.cmpi eq, %iota3A, %eq3A_45 : vector<2048x8xi32>
    %jit3A_47 = arith.constant 1.000000e+00 : f32
    %jit3A_48 = arith.constant 0.000000e+00 : f32
    %broadcast_in_dim3A_49 = vector.broadcast %jit3A_47 : f32 to vector<2048x8xf32>
    %broadcast_in_dim3A_50 = vector.broadcast %jit3A_48 : f32 to vector<2048x8xf32>
    %select_n3A_51 = arith.select %eq3A_46, %broadcast_in_dim3A_49, %broadcast_in_dim3A_50 : vector<2048x8xi1>, vector<2048x8xf32>
    %add3A = arith.addf %select_n3A_44, %select_n3A_51 : vector<2048x8xf32>
    %iota3A_52 = tpu.iota {dimensions = array<i32: 0>} : vector<256x256xi32>
    %iota3A_53 = tpu.iota {dimensions = array<i32: 1>} : vector<256x256xi32>
    %gt3A = arith.cmpi sgt, %iota3A_52, %iota3A_53 : vector<256x256xi32>
    %jit3A_54 = arith.constant 1.000000e+00 : f32
    %jit3A_55 = arith.constant 0.000000e+00 : f32
    %broadcast_in_dim3A_56 = vector.broadcast %jit3A_54 : f32 to vector<256x256xf32>
    %broadcast_in_dim3A_57 = vector.broadcast %jit3A_55 : f32 to vector<256x256xf32>
    %select_n3A_58 = arith.select %gt3A, %broadcast_in_dim3A_56, %broadcast_in_dim3A_57 : vector<256x256xi1>, vector<256x256xf32>
    %broadcast_in_dim3A_59 = arith.constant 0.000000e+00 : f32
    %broadcast_in_dim3A_60 = vector.broadcast %broadcast_in_dim3A_59 : f32 to vector<1x8xf32>
    %slice3A = vector.extract_strided_slice %add3A {offsets = [0, 0], sizes = [256, 8], strides = [1, 1]} : vector<2048x8xf32> to vector<256x8xf32>
    %dot_general3A_61 = arith.constant dense<0.000000e+00> : vector<256x8xf32>
    %dot_general3A_62 = tpu.matmul %select_n3A_58, %slice3A, %dot_general3A_61 {dimension_numbers = #tpu.dot_dimension_numbers<[1], [0], [0], [1], [0, 0, 1, 1], [], []>, transpose_lhs_hint = false} : vector<256x256xf32>, vector<256x8xf32>, vector<256x8xf32> -> vector<256x8xf32>
    %add3A_63 = vector.broadcast %broadcast_in_dim3A_60 : vector<1x8xf32> to vector<256x8xf32>
    %add3A_64 = arith.addf %dot_general3A_62, %add3A_63 : vector<256x8xf32>
    %reduce_sum3A_65 = arith.constant dense<0.000000e+00> : vector<8xf32>
    %reduce_sum3A_66 = vector.multi_reduction <add>, %slice3A, %reduce_sum3A_65 [0] : vector<256x8xf32> to vector<8xf32>
    %broadcast_in_dim3A_67 = vector.shape_cast %reduce_sum3A_66 : vector<8xf32> to vector<1x8xf32>
    %add3A_68 = arith.addf %broadcast_in_dim3A_60, %broadcast_in_dim3A_67 : vector<1x8xf32>
    %slice3A_69 = vector.extract_strided_slice %add3A {offsets = [256, 0], sizes = [256, 8], strides = [1, 1]} : vector<2048x8xf32> to vector<256x8xf32>
    %dot_general3A_70 = arith.constant dense<0.000000e+00> : vector<256x8xf32>
    %dot_general3A_71 = tpu.matmul %select_n3A_58, %slice3A_69, %dot_general3A_70 {dimension_numbers = #tpu.dot_dimension_numbers<[1], [0], [0], [1], [0, 0, 1, 1], [], []>, transpose_lhs_hint = false} : vector<256x256xf32>, vector<256x8xf32>, vector<256x8xf32> -> vector<256x8xf32>
    %add3A_72 = vector.broadcast %add3A_68 : vector<1x8xf32> to vector<256x8xf32>
    %add3A_73 = arith.addf %dot_general3A_71, %add3A_72 : vector<256x8xf32>
    %reduce_sum3A_74 = arith.constant dense<0.000000e+00> : vector<8xf32>
    %reduce_sum3A_75 = vector.multi_reduction <add>, %slice3A_69, %reduce_sum3A_74 [0] : vector<256x8xf32> to vector<8xf32>
    %broadcast_in_dim3A_76 = vector.shape_cast %reduce_sum3A_75 : vector<8xf32> to vector<1x8xf32>
    %add3A_77 = arith.addf %add3A_68, %broadcast_in_dim3A_76 : vector<1x8xf32>
    %slice3A_78 = vector.extract_strided_slice %add3A {offsets = [512, 0], sizes = [256, 8], strides = [1, 1]} : vector<2048x8xf32> to vector<256x8xf32>
    %dot_general3A_79 = arith.constant dense<0.000000e+00> : vector<256x8xf32>
    %dot_general3A_80 = tpu.matmul %select_n3A_58, %slice3A_78, %dot_general3A_79 {dimension_numbers = #tpu.dot_dimension_numbers<[1], [0], [0], [1], [0, 0, 1, 1], [], []>, transpose_lhs_hint = false} : vector<256x256xf32>, vector<256x8xf32>, vector<256x8xf32> -> vector<256x8xf32>
    %add3A_81 = vector.broadcast %add3A_77 : vector<1x8xf32> to vector<256x8xf32>
    %add3A_82 = arith.addf %dot_general3A_80, %add3A_81 : vector<256x8xf32>
    %reduce_sum3A_83 = arith.constant dense<0.000000e+00> : vector<8xf32>
    %reduce_sum3A_84 = vector.multi_reduction <add>, %slice3A_78, %reduce_sum3A_83 [0] : vector<256x8xf32> to vector<8xf32>
    %broadcast_in_dim3A_85 = vector.shape_cast %reduce_sum3A_84 : vector<8xf32> to vector<1x8xf32>
    %add3A_86 = arith.addf %add3A_77, %broadcast_in_dim3A_85 : vector<1x8xf32>
    %slice3A_87 = vector.extract_strided_slice %add3A {offsets = [768, 0], sizes = [256, 8], strides = [1, 1]} : vector<2048x8xf32> to vector<256x8xf32>
    %dot_general3A_88 = arith.constant dense<0.000000e+00> : vector<256x8xf32>
    %dot_general3A_89 = tpu.matmul %select_n3A_58, %slice3A_87, %dot_general3A_88 {dimension_numbers = #tpu.dot_dimension_numbers<[1], [0], [0], [1], [0, 0, 1, 1], [], []>, transpose_lhs_hint = false} : vector<256x256xf32>, vector<256x8xf32>, vector<256x8xf32> -> vector<256x8xf32>
    %add3A_90 = vector.broadcast %add3A_86 : vector<1x8xf32> to vector<256x8xf32>
    %add3A_91 = arith.addf %dot_general3A_89, %add3A_90 : vector<256x8xf32>
    %reduce_sum3A_92 = arith.constant dense<0.000000e+00> : vector<8xf32>
    %reduce_sum3A_93 = vector.multi_reduction <add>, %slice3A_87, %reduce_sum3A_92 [0] : vector<256x8xf32> to vector<8xf32>
    %broadcast_in_dim3A_94 = vector.shape_cast %reduce_sum3A_93 : vector<8xf32> to vector<1x8xf32>
    %add3A_95 = arith.addf %add3A_86, %broadcast_in_dim3A_94 : vector<1x8xf32>
    %slice3A_96 = vector.extract_strided_slice %add3A {offsets = [1024, 0], sizes = [256, 8], strides = [1, 1]} : vector<2048x8xf32> to vector<256x8xf32>
    %dot_general3A_97 = arith.constant dense<0.000000e+00> : vector<256x8xf32>
    %dot_general3A_98 = tpu.matmul %select_n3A_58, %slice3A_96, %dot_general3A_97 {dimension_numbers = #tpu.dot_dimension_numbers<[1], [0], [0], [1], [0, 0, 1, 1], [], []>, transpose_lhs_hint = false} : vector<256x256xf32>, vector<256x8xf32>, vector<256x8xf32> -> vector<256x8xf32>
    %add3A_99 = vector.broadcast %add3A_95 : vector<1x8xf32> to vector<256x8xf32>
    %add3A_100 = arith.addf %dot_general3A_98, %add3A_99 : vector<256x8xf32>
    %reduce_sum3A_101 = arith.constant dense<0.000000e+00> : vector<8xf32>
    %reduce_sum3A_102 = vector.multi_reduction <add>, %slice3A_96, %reduce_sum3A_101 [0] : vector<256x8xf32> to vector<8xf32>
    %broadcast_in_dim3A_103 = vector.shape_cast %reduce_sum3A_102 : vector<8xf32> to vector<1x8xf32>
    %add3A_104 = arith.addf %add3A_95, %broadcast_in_dim3A_103 : vector<1x8xf32>
    %slice3A_105 = vector.extract_strided_slice %add3A {offsets = [1280, 0], sizes = [256, 8], strides = [1, 1]} : vector<2048x8xf32> to vector<256x8xf32>
    %dot_general3A_106 = arith.constant dense<0.000000e+00> : vector<256x8xf32>
    %dot_general3A_107 = tpu.matmul %select_n3A_58, %slice3A_105, %dot_general3A_106 {dimension_numbers = #tpu.dot_dimension_numbers<[1], [0], [0], [1], [0, 0, 1, 1], [], []>, transpose_lhs_hint = false} : vector<256x256xf32>, vector<256x8xf32>, vector<256x8xf32> -> vector<256x8xf32>
    %add3A_108 = vector.broadcast %add3A_104 : vector<1x8xf32> to vector<256x8xf32>
    %add3A_109 = arith.addf %dot_general3A_107, %add3A_108 : vector<256x8xf32>
    %reduce_sum3A_110 = arith.constant dense<0.000000e+00> : vector<8xf32>
    %reduce_sum3A_111 = vector.multi_reduction <add>, %slice3A_105, %reduce_sum3A_110 [0] : vector<256x8xf32> to vector<8xf32>
    %broadcast_in_dim3A_112 = vector.shape_cast %reduce_sum3A_111 : vector<8xf32> to vector<1x8xf32>
    %add3A_113 = arith.addf %add3A_104, %broadcast_in_dim3A_112 : vector<1x8xf32>
    %slice3A_114 = vector.extract_strided_slice %add3A {offsets = [1536, 0], sizes = [256, 8], strides = [1, 1]} : vector<2048x8xf32> to vector<256x8xf32>
    %dot_general3A_115 = arith.constant dense<0.000000e+00> : vector<256x8xf32>
    %dot_general3A_116 = tpu.matmul %select_n3A_58, %slice3A_114, %dot_general3A_115 {dimension_numbers = #tpu.dot_dimension_numbers<[1], [0], [0], [1], [0, 0, 1, 1], [], []>, transpose_lhs_hint = false} : vector<256x256xf32>, vector<256x8xf32>, vector<256x8xf32> -> vector<256x8xf32>
    %add3A_117 = vector.broadcast %add3A_113 : vector<1x8xf32> to vector<256x8xf32>
    %add3A_118 = arith.addf %dot_general3A_116, %add3A_117 : vector<256x8xf32>
    %reduce_sum3A_119 = arith.constant dense<0.000000e+00> : vector<8xf32>
    %reduce_sum3A_120 = vector.multi_reduction <add>, %slice3A_114, %reduce_sum3A_119 [0] : vector<256x8xf32> to vector<8xf32>
    %broadcast_in_dim3A_121 = vector.shape_cast %reduce_sum3A_120 : vector<8xf32> to vector<1x8xf32>
    %add3A_122 = arith.addf %add3A_113, %broadcast_in_dim3A_121 : vector<1x8xf32>
    %slice3A_123 = vector.extract_strided_slice %add3A {offsets = [1792, 0], sizes = [256, 8], strides = [1, 1]} : vector<2048x8xf32> to vector<256x8xf32>
    %dot_general3A_124 = arith.constant dense<0.000000e+00> : vector<256x8xf32>
    %dot_general3A_125 = tpu.matmul %select_n3A_58, %slice3A_123, %dot_general3A_124 {dimension_numbers = #tpu.dot_dimension_numbers<[1], [0], [0], [1], [0, 0, 1, 1], [], []>, transpose_lhs_hint = false} : vector<256x256xf32>, vector<256x8xf32>, vector<256x8xf32> -> vector<256x8xf32>
    %add3A_126 = vector.broadcast %add3A_122 : vector<1x8xf32> to vector<256x8xf32>
    %add3A_127 = arith.addf %dot_general3A_125, %add3A_126 : vector<256x8xf32>
    %reduce_sum3A_128 = arith.constant dense<0.000000e+00> : vector<8xf32>
    %reduce_sum3A_129 = vector.multi_reduction <add>, %slice3A_123, %reduce_sum3A_128 [0] : vector<256x8xf32> to vector<8xf32>
    %broadcast_in_dim3A_130 = vector.shape_cast %reduce_sum3A_129 : vector<8xf32> to vector<1x8xf32>
    %add3A_131 = arith.addf %add3A_122, %broadcast_in_dim3A_130 : vector<1x8xf32>
    %concatenate3A_132 = tpu.concatenate %add3A_64, %add3A_73, %add3A_82, %add3A_91, %add3A_100, %add3A_109, %add3A_118, %add3A_127 in 0 : vector<256x8xf32>, vector<256x8xf32>, vector<256x8xf32>, vector<256x8xf32>, vector<256x8xf32>, vector<256x8xf32>, vector<256x8xf32>, vector<256x8xf32> -> vector<2048x8xf32>
    %div3A_133 = arith.constant 5.120000e+02 : f32
    %div3A_134 = vector.broadcast %div3A_133 : f32 to vector<1x8xf32>
    %div3A_135 = arith.divf %add3A_131, %div3A_134 : vector<1x8xf32>
    %ceil3A = math.ceil %div3A_135 : vector<1x8xf32>
    %mul3A = arith.constant 5.120000e+02 : f32
    %mul3A_136 = vector.broadcast %mul3A : f32 to vector<1x8xf32>
    %mul3A_137 = arith.mulf %ceil3A, %mul3A_136 : vector<1x8xf32>
    %iota3A_138 = tpu.iota {dimensions = array<i32: 0>} : vector<8x8xi32>
    %iota3A_139 = tpu.iota {dimensions = array<i32: 1>} : vector<8x8xi32>
    %lt3A = arith.cmpi slt, %iota3A_138, %iota3A_139 : vector<8x8xi32>
    %jit3A_140 = arith.constant 1.000000e+00 : f32
    %jit3A_141 = arith.constant 0.000000e+00 : f32
    %broadcast_in_dim3A_142 = vector.broadcast %jit3A_140 : f32 to vector<8x8xf32>
    %broadcast_in_dim3A_143 = vector.broadcast %jit3A_141 : f32 to vector<8x8xf32>
    %select_n3A_144 = arith.select %lt3A, %broadcast_in_dim3A_142, %broadcast_in_dim3A_143 : vector<8x8xi1>, vector<8x8xf32>
    %dot_general3A_145 = arith.constant dense<0.000000e+00> : vector<1x8xf32>
    %dot_general3A_146 = tpu.matmul %mul3A_137, %select_n3A_144, %dot_general3A_145 {dimension_numbers = #tpu.dot_dimension_numbers<[1], [0], [0], [1], [0, 0, 1, 1], [], []>, transpose_lhs_hint = false} : vector<1x8xf32>, vector<8x8xf32>, vector<1x8xf32> -> vector<1x8xf32>
    %add3A_147 = arith.addf %dot_general3A_146, %mul3A_137 : vector<1x8xf32>
    %reduce_sum3A_148 = vector.shape_cast %mul3A_137 : vector<1x8xf32> to vector<1x1x8xf32>
    %reduce_sum3A_149 = arith.constant dense<0.000000e+00> : vector<1xf32>
    %reduce_sum3A_150 = vector.multi_reduction <add>, %reduce_sum3A_148, %reduce_sum3A_149 [1, 2] : vector<1x1x8xf32> to vector<1xf32>
    %reduce_sum3A_151 = vector.shape_cast %reduce_sum3A_150 : vector<1xf32> to vector<1x1x1xf32>
    %reduce_sum3A_152 = vector.extract %reduce_sum3A_151[0, 0, 0] : f32 from vector<1x1x1xf32>
    %eq3A_153 = vector.broadcast %broadcast_in_dim3A_19 : vector<2048x1xi32> to vector<2048x8xi32>
    %eq3A_154 = arith.cmpi eq, %iota3A, %eq3A_153 : vector<2048x8xi32>
    %jit3A_155 = arith.constant 0.000000e+00 : f32
    %broadcast_in_dim3A_156 = vector.shape_cast %dot_general3A_146 : vector<1x8xf32> to vector<1x8xf32>
    %broadcast_in_dim3A_157 = vector.broadcast %broadcast_in_dim3A_156 : vector<1x8xf32> to vector<2048x8xf32>
    %broadcast_in_dim3A_158 = vector.broadcast %jit3A_155 : f32 to vector<2048x8xf32>
    %select_n3A_159 = arith.select %eq3A_154, %broadcast_in_dim3A_157, %broadcast_in_dim3A_158 : vector<2048x8xi1>, vector<2048x8xf32>
    %reduce_sum3A_160 = arith.constant dense<0.000000e+00> : vector<2048xf32>
    %reduce_sum3A_161 = vector.multi_reduction <add>, %select_n3A_159, %reduce_sum3A_160 [1] : vector<2048x8xf32> to vector<2048xf32>
    %broadcast_in_dim3A_162 = vector.shape_cast %reduce_sum3A_161 : vector<2048xf32> to vector<2048x1xf32>
    %eq3A_163 = vector.broadcast %broadcast_in_dim3A_19 : vector<2048x1xi32> to vector<2048x8xi32>
    %eq3A_164 = arith.cmpi eq, %iota3A, %eq3A_163 : vector<2048x8xi32>
    %jit3A_165 = arith.constant 0.000000e+00 : f32
    %broadcast_in_dim3A_166 = vector.broadcast %jit3A_165 : f32 to vector<2048x8xf32>
    %select_n3A_167 = arith.select %eq3A_164, %concatenate3A_132, %broadcast_in_dim3A_166 : vector<2048x8xi1>, vector<2048x8xf32>
    %reduce_sum3A_168 = arith.constant dense<0.000000e+00> : vector<2048xf32>
    %reduce_sum3A_169 = vector.multi_reduction <add>, %select_n3A_167, %reduce_sum3A_168 [1] : vector<2048x8xf32> to vector<2048xf32>
    %broadcast_in_dim3A_170 = vector.shape_cast %reduce_sum3A_169 : vector<2048xf32> to vector<2048x1xf32>
    %add3A_171 = arith.addf %broadcast_in_dim3A_162, %broadcast_in_dim3A_170 : vector<2048x1xf32>
    %eq3A_172 = vector.broadcast %broadcast_in_dim3A_35 : vector<2048x1xi32> to vector<2048x8xi32>
    %eq3A_173 = arith.cmpi eq, %iota3A, %eq3A_172 : vector<2048x8xi32>
    %jit3A_174 = arith.constant 0.000000e+00 : f32
    %broadcast_in_dim3A_175 = vector.shape_cast %dot_general3A_146 : vector<1x8xf32> to vector<1x8xf32>
    %broadcast_in_dim3A_176 = vector.broadcast %broadcast_in_dim3A_175 : vector<1x8xf32> to vector<2048x8xf32>
    %broadcast_in_dim3A_177 = vector.broadcast %jit3A_174 : f32 to vector<2048x8xf32>
    %select_n3A_178 = arith.select %eq3A_173, %broadcast_in_dim3A_176, %broadcast_in_dim3A_177 : vector<2048x8xi1>, vector<2048x8xf32>
    %reduce_sum3A_179 = arith.constant dense<0.000000e+00> : vector<2048xf32>
    %reduce_sum3A_180 = vector.multi_reduction <add>, %select_n3A_178, %reduce_sum3A_179 [1] : vector<2048x8xf32> to vector<2048xf32>
    %broadcast_in_dim3A_181 = vector.shape_cast %reduce_sum3A_180 : vector<2048xf32> to vector<2048x1xf32>
    %eq3A_182 = vector.broadcast %broadcast_in_dim3A_35 : vector<2048x1xi32> to vector<2048x8xi32>
    %eq3A_183 = arith.cmpi eq, %iota3A, %eq3A_182 : vector<2048x8xi32>
    %jit3A_184 = arith.constant 0.000000e+00 : f32
    %broadcast_in_dim3A_185 = vector.broadcast %jit3A_184 : f32 to vector<2048x8xf32>
    %select_n3A_186 = arith.select %eq3A_183, %concatenate3A_132, %broadcast_in_dim3A_185 : vector<2048x8xi1>, vector<2048x8xf32>
    %reduce_sum3A_187 = arith.constant dense<0.000000e+00> : vector<2048xf32>
    %reduce_sum3A_188 = vector.multi_reduction <add>, %select_n3A_186, %reduce_sum3A_187 [1] : vector<2048x8xf32> to vector<2048xf32>
    %broadcast_in_dim3A_189 = vector.shape_cast %reduce_sum3A_188 : vector<2048xf32> to vector<2048x1xf32>
    %add3A_190 = arith.addf %broadcast_in_dim3A_181, %broadcast_in_dim3A_189 : vector<2048x1xf32>
    %convert_element_type3A = arith.fptosi %add3A_171 : vector<2048x1xf32> to vector<2048x1xi32>
    %swap3A_191 = arith.constant 0 : index
    %swap3A_192 = arith.constant 0 : index
    %swap3A_193 = vector.load %arg3[%swap3A_191, %swap3A_192] : memref<2048x1xi32, #tpu.memory_space<vmem>>, vector<2048x1xi32>
    tpu.vector_store %arg3[%swap3A_191, %swap3A_192], %convert_element_type3A {strides = array<i32>} : memref<2048x1xi32, #tpu.memory_space<vmem>>, vector<2048x1xi32>,
    %convert_element_type3A_194 = arith.fptosi %add3A_190 : vector<2048x1xf32> to vector<2048x1xi32>
    %swap3A_195 = arith.constant 0 : index
    %swap3A_196 = arith.constant 0 : index
    %swap3A_197 = vector.load %arg4[%swap3A_195, %swap3A_196] : memref<2048x1xi32, #tpu.memory_space<vmem>>, vector<2048x1xi32>
    tpu.vector_store %arg4[%swap3A_195, %swap3A_196], %convert_element_type3A_194 {strides = array<i32>} : memref<2048x1xi32, #tpu.memory_space<vmem>>, vector<2048x1xi32>,
    %iota3A_198 = tpu.iota {dimensions = array<i32: 1>} : vector<1x15xi32>
    %mul3A_199 = arith.constant 512 : i32
    %mul3A_200 = vector.broadcast %mul3A_199 : i32 to vector<1x15xi32>
    %mul3A_201 = arith.muli %iota3A_198, %mul3A_200 : vector<1x15xi32>
    %convert_element_type3A_202 = arith.sitofp %mul3A_201 : vector<1x15xi32> to vector<1x15xf32>
    %sub3A_203 = arith.constant 1.000000e+00 : f32
    %sub3A_204 = arith.subf %reduce_sum3A_152, %sub3A_203 : f32
    %min3A = vector.broadcast %sub3A_204 : f32 to vector<1x15xf32>
    %min3A_205 = arith.minimumf %convert_element_type3A_202, %min3A : vector<1x15xf32>
    %broadcast_in_dim3A_206 = arith.constant 0.000000e+00 : f32
    %broadcast_in_dim3A_207 = vector.broadcast %broadcast_in_dim3A_206 : f32 to vector<1x15xf32>
    %slice3A_208 = vector.extract_strided_slice %add3A_147 {offsets = [0, 0], sizes = [1, 1], strides = [1, 1]} : vector<1x8xf32> to vector<1x1xf32>
    %squeeze3A = vector.extract %slice3A_208[0, 0] : f32 from vector<1x1xf32>
    %ge3A = vector.broadcast %squeeze3A : f32 to vector<1x15xf32>
    %ge3A_209 = arith.cmpf oge, %min3A_205, %ge3A : vector<1x15xf32>
    %jit3A_210 = arith.constant 1.000000e+00 : f32
    %jit3A_211 = arith.constant 0.000000e+00 : f32
    %broadcast_in_dim3A_212 = vector.broadcast %jit3A_210 : f32 to vector<1x15xf32>
    %broadcast_in_dim3A_213 = vector.broadcast %jit3A_211 : f32 to vector<1x15xf32>
    %select_n3A_214 = arith.select %ge3A_209, %broadcast_in_dim3A_212, %broadcast_in_dim3A_213 : vector<1x15xi1>, vector<1x15xf32>
    %add3A_215 = arith.addf %broadcast_in_dim3A_207, %select_n3A_214 : vector<1x15xf32>
    %slice3A_216 = vector.extract_strided_slice %add3A_147 {offsets = [0, 1], sizes = [1, 1], strides = [1, 1]} : vector<1x8xf32> to vector<1x1xf32>
    %squeeze3A_217 = vector.extract %slice3A_216[0, 0] : f32 from vector<1x1xf32>
    %ge3A_218 = vector.broadcast %squeeze3A_217 : f32 to vector<1x15xf32>
    %ge3A_219 = arith.cmpf oge, %min3A_205, %ge3A_218 : vector<1x15xf32>
    %jit3A_220 = arith.constant 1.000000e+00 : f32
    %jit3A_221 = arith.constant 0.000000e+00 : f32
    %broadcast_in_dim3A_222 = vector.broadcast %jit3A_220 : f32 to vector<1x15xf32>
    %broadcast_in_dim3A_223 = vector.broadcast %jit3A_221 : f32 to vector<1x15xf32>
    %select_n3A_224 = arith.select %ge3A_219, %broadcast_in_dim3A_222, %broadcast_in_dim3A_223 : vector<1x15xi1>, vector<1x15xf32>
    %add3A_225 = arith.addf %add3A_215, %select_n3A_224 : vector<1x15xf32>
    %slice3A_226 = vector.extract_strided_slice %add3A_147 {offsets = [0, 2], sizes = [1, 1], strides = [1, 1]} : vector<1x8xf32> to vector<1x1xf32>
    %squeeze3A_227 = vector.extract %slice3A_226[0, 0] : f32 from vector<1x1xf32>
    %ge3A_228 = vector.broadcast %squeeze3A_227 : f32 to vector<1x15xf32>
    %ge3A_229 = arith.cmpf oge, %min3A_205, %ge3A_228 : vector<1x15xf32>
    %jit3A_230 = arith.constant 1.000000e+00 : f32
    %jit3A_231 = arith.constant 0.000000e+00 : f32
    %broadcast_in_dim3A_232 = vector.broadcast %jit3A_230 : f32 to vector<1x15xf32>
    %broadcast_in_dim3A_233 = vector.broadcast %jit3A_231 : f32 to vector<1x15xf32>
    %select_n3A_234 = arith.select %ge3A_229, %broadcast_in_dim3A_232, %broadcast_in_dim3A_233 : vector<1x15xi1>, vector<1x15xf32>
    %add3A_235 = arith.addf %add3A_225, %select_n3A_234 : vector<1x15xf32>
    %slice3A_236 = vector.extract_strided_slice %add3A_147 {offsets = [0, 3], sizes = [1, 1], strides = [1, 1]} : vector<1x8xf32> to vector<1x1xf32>
    %squeeze3A_237 = vector.extract %slice3A_236[0, 0] : f32 from vector<1x1xf32>
    %ge3A_238 = vector.broadcast %squeeze3A_237 : f32 to vector<1x15xf32>
    %ge3A_239 = arith.cmpf oge, %min3A_205, %ge3A_238 : vector<1x15xf32>
    %jit3A_240 = arith.constant 1.000000e+00 : f32
    %jit3A_241 = arith.constant 0.000000e+00 : f32
    %broadcast_in_dim3A_242 = vector.broadcast %jit3A_240 : f32 to vector<1x15xf32>
    %broadcast_in_dim3A_243 = vector.broadcast %jit3A_241 : f32 to vector<1x15xf32>
    %select_n3A_244 = arith.select %ge3A_239, %broadcast_in_dim3A_242, %broadcast_in_dim3A_243 : vector<1x15xi1>, vector<1x15xf32>
    %add3A_245 = arith.addf %add3A_235, %select_n3A_244 : vector<1x15xf32>
    %slice3A_246 = vector.extract_strided_slice %add3A_147 {offsets = [0, 4], sizes = [1, 1], strides = [1, 1]} : vector<1x8xf32> to vector<1x1xf32>
    %squeeze3A_247 = vector.extract %slice3A_246[0, 0] : f32 from vector<1x1xf32>
    %ge3A_248 = vector.broadcast %squeeze3A_247 : f32 to vector<1x15xf32>
    %ge3A_249 = arith.cmpf oge, %min3A_205, %ge3A_248 : vector<1x15xf32>
    %jit3A_250 = arith.constant 1.000000e+00 : f32
    %jit3A_251 = arith.constant 0.000000e+00 : f32
    %broadcast_in_dim3A_252 = vector.broadcast %jit3A_250 : f32 to vector<1x15xf32>
    %broadcast_in_dim3A_253 = vector.broadcast %jit3A_251 : f32 to vector<1x15xf32>
    %select_n3A_254 = arith.select %ge3A_249, %broadcast_in_dim3A_252, %broadcast_in_dim3A_253 : vector<1x15xi1>, vector<1x15xf32>
    %add3A_255 = arith.addf %add3A_245, %select_n3A_254 : vector<1x15xf32>
    %slice3A_256 = vector.extract_strided_slice %add3A_147 {offsets = [0, 5], sizes = [1, 1], strides = [1, 1]} : vector<1x8xf32> to vector<1x1xf32>
    %squeeze3A_257 = vector.extract %slice3A_256[0, 0] : f32 from vector<1x1xf32>
    %ge3A_258 = vector.broadcast %squeeze3A_257 : f32 to vector<1x15xf32>
    %ge3A_259 = arith.cmpf oge, %min3A_205, %ge3A_258 : vector<1x15xf32>
    %jit3A_260 = arith.constant 1.000000e+00 : f32
    %jit3A_261 = arith.constant 0.000000e+00 : f32
    %broadcast_in_dim3A_262 = vector.broadcast %jit3A_260 : f32 to vector<1x15xf32>
    %broadcast_in_dim3A_263 = vector.broadcast %jit3A_261 : f32 to vector<1x15xf32>
    %select_n3A_264 = arith.select %ge3A_259, %broadcast_in_dim3A_262, %broadcast_in_dim3A_263 : vector<1x15xi1>, vector<1x15xf32>
    %add3A_265 = arith.addf %add3A_255, %select_n3A_264 : vector<1x15xf32>
    %slice3A_266 = vector.extract_strided_slice %add3A_147 {offsets = [0, 6], sizes = [1, 1], strides = [1, 1]} : vector<1x8xf32> to vector<1x1xf32>
    %squeeze3A_267 = vector.extract %slice3A_266[0, 0] : f32 from vector<1x1xf32>
    %ge3A_268 = vector.broadcast %squeeze3A_267 : f32 to vector<1x15xf32>
    %ge3A_269 = arith.cmpf oge, %min3A_205, %ge3A_268 : vector<1x15xf32>
    %jit3A_270 = arith.constant 1.000000e+00 : f32
    %jit3A_271 = arith.constant 0.000000e+00 : f32
    %broadcast_in_dim3A_272 = vector.broadcast %jit3A_270 : f32 to vector<1x15xf32>
    %broadcast_in_dim3A_273 = vector.broadcast %jit3A_271 : f32 to vector<1x15xf32>
    %select_n3A_274 = arith.select %ge3A_269, %broadcast_in_dim3A_272, %broadcast_in_dim3A_273 : vector<1x15xi1>, vector<1x15xf32>
    %add3A_275 = arith.addf %add3A_265, %select_n3A_274 : vector<1x15xf32>
    %slice3A_276 = vector.extract_strided_slice %add3A_147 {offsets = [0, 7], sizes = [1, 1], strides = [1, 1]} : vector<1x8xf32> to vector<1x1xf32>
    %squeeze3A_277 = vector.extract %slice3A_276[0, 0] : f32 from vector<1x1xf32>
    %ge3A_278 = vector.broadcast %squeeze3A_277 : f32 to vector<1x15xf32>
    %ge3A_279 = arith.cmpf oge, %min3A_205, %ge3A_278 : vector<1x15xf32>
    %jit3A_280 = arith.constant 1.000000e+00 : f32
    %jit3A_281 = arith.constant 0.000000e+00 : f32
    %broadcast_in_dim3A_282 = vector.broadcast %jit3A_280 : f32 to vector<1x15xf32>
    %broadcast_in_dim3A_283 = vector.broadcast %jit3A_281 : f32 to vector<1x15xf32>
    %select_n3A_284 = arith.select %ge3A_279, %broadcast_in_dim3A_282, %broadcast_in_dim3A_283 : vector<1x15xi1>, vector<1x15xf32>
    %add3A_285 = arith.addf %add3A_275, %select_n3A_284 : vector<1x15xf32>
    %broadcast_in_dim3A_286 = vector.broadcast %reduce_sum3A_152 : f32 to vector<1x1xf32>
    %concatenate3A_287 = tpu.concatenate %add3A_285, %broadcast_in_dim3A_286 in 1 : vector<1x15xf32>, vector<1x1xf32> -> vector<1x16xf32>
    %convert_element_type3A_288 = arith.fptosi %concatenate3A_287 : vector<1x16xf32> to vector<1x16xi32>
    %swap3A_289 = arith.constant 0 : index
    %swap3A_290 = arith.constant 0 : index
    %swap3A_291 = vector.load %arg6[%swap3A_289, %swap3A_290] : memref<1x16xi32, #tpu.memory_space<vmem>>, vector<1x16xi32>
    tpu.vector_store %arg6[%swap3A_289, %swap3A_290], %convert_element_type3A_288 {strides = array<i32>} : memref<1x16xi32, #tpu.memory_space<vmem>>, vector<1x16xi32>,
    return
  }
  func.func @transform_0(%arg0: i32) -> (i32, i32) {
    %c0_i32 = arith.constant 0 : i32
    %c0_i32_0 = arith.constant 0 : i32
    %c0_i32_1 = arith.constant 0 : i32
    return %c0_i32, %c0_i32_0 : i32, i32
  }
  func.func @transform_1(%arg0: i32) -> (i32, i32, i32) {
    %c1_i32 = arith.constant 1 : i32
    %c0_i32 = arith.constant 0 : i32
    %c0_i32_0 = arith.constant 0 : i32
    %c0_i32_1 = arith.constant 0 : i32
    return %c1_i32, %c0_i32, %c0_i32_0 : i32, i32, i32
  }
  func.func @transform_2(%arg0: i32) -> (i32, i32) {
    %c0_i32 = arith.constant 0 : i32
    %c0_i32_0 = arith.constant 0 : i32
    %c0_i32_1 = arith.constant 0 : i32
    return %c0_i32, %c0_i32_0 : i32, i32
  }
  func.func @transform_3(%arg0: i32) -> (i32, i32) {
    %c0_i32 = arith.constant 0 : i32
    %c0_i32_0 = arith.constant 0 : i32
    %c0_i32_1 = arith.constant 0 : i32
    return %c0_i32, %c0_i32_0 : i32, i32
  }
  func.func @transform_4(%arg0: i32) -> (i32, i32) {
    %c0_i32 = arith.constant 0 : i32
    %c0_i32_0 = arith.constant 0 : i32
    %c0_i32_1 = arith.constant 0 : i32
    return %c0_i32, %c0_i32_0 : i32, i32
  }
  func.func @transform_5(%arg0: i32) -> (i32, i32) {
    %c0_i32 = arith.constant 0 : i32
    %c0_i32_0 = arith.constant 0 : i32
    %c0_i32_1 = arith.constant 0 : i32
    return %c0_i32, %c0_i32_0 : i32, i32
  }
}

module attributes {stable_mosaic.version = 14 : i64} {
  func.func @_grouped_body(%arg0: i32, %arg1: memref<16xi32, #tpu.memory_space<smem>>, %arg2: memref<512x1024xf32, #tpu.memory_space<vmem>>, %arg3: memref<1x1x704x1024xf32, #tpu.memory_space<vmem>>, %arg4: memref<1x1x704x1024xf32, #tpu.memory_space<vmem>>, %arg5: memref<1x1x704x1024xf32, #tpu.memory_space<vmem>>, %arg6: memref<512x1024xf32, #tpu.memory_space<vmem>>) attributes {dimension_semantics = [#tpu.dimension_semantics<parallel>], iteration_bounds = array<i64: 15>, scalar_prefetch = 1 : i64, scratch_operands = 0 : i64, tpu.core_type = #tpu.core_type<tc>, window_params = [{transform_indices = @transform_0, window_bounds = array<i64: 512, 1024>}, {transform_indices = @transform_1, window_bounds = array<i64: 1, 1, 704, 1024>}, {transform_indices = @transform_2, window_bounds = array<i64: 1, 1, 704, 1024>}, {transform_indices = @transform_3, window_bounds = array<i64: 1, 1, 704, 1024>}, {transform_indices = @transform_4, window_bounds = array<i64: 512, 1024>}]} {
    %mul3A = arith.constant 512 : i32
    %mul3A_0 = arith.muli %arg0, %mul3A : i32
    %get3A = arith.constant 15 : index
    %get3A_1 = memref.load %arg1[%get3A] : memref<16xi32, #tpu.memory_space<smem>>
    %lt3A = arith.cmpi slt, %mul3A_0, %get3A_1 : i32
    %convert_element_type3A = arith.extui %lt3A : i1 to i32
    %cond3A = arith.constant 0 : i32
    %cond3A_2 = arith.cmpi ne, %convert_element_type3A, %cond3A : i32
    scf.if %cond3A_2 {
      %get3A_3 = arith.constant 0 : index
      %get3A_4 = arith.constant 0 : index
      %get3A_5 = vector.load %arg2[%get3A_3, %get3A_4] : memref<512x1024xf32, #tpu.memory_space<vmem>>, vector<512x1024xf32>
      %convert_element_type3A_6 = arith.truncf %get3A_5 : vector<512x1024xf32> to vector<512x1024xbf16>
      %get3A_7 = arith.constant 0 : index
      %get3A_8 = arith.constant 0 : index
      %get3A_9 = arith.constant 0 : index
      %get3A_10 = arith.constant 0 : index
      %get3A_11 = vector.load %arg3[%get3A_7, %get3A_8, %get3A_9, %get3A_10] : memref<1x1x704x1024xf32, #tpu.memory_space<vmem>>, vector<1x1x704x1024xf32>
      %get3A_12 = vector.shape_cast %get3A_11 : vector<1x1x704x1024xf32> to vector<704x1024xf32>
      %convert_element_type3A_13 = arith.truncf %get3A_12 : vector<704x1024xf32> to vector<704x1024xbf16>
      %dot_general3A = arith.constant dense<0.000000e+00> : vector<512x704xf32>
      %dot_general3A_14 = tpu.matmul %convert_element_type3A_6, %convert_element_type3A_13, %dot_general3A {dimension_numbers = #tpu.dot_dimension_numbers<[1], [1], [0], [0], [0, 0, 1, 0], [], []>, transpose_lhs_hint = false} : vector<512x1024xbf16>, vector<704x1024xbf16>, vector<512x704xf32> -> vector<512x704xf32>
      %get3A_15 = arith.constant 0 : index
      %get3A_16 = arith.constant 0 : index
      %get3A_17 = arith.constant 0 : index
      %get3A_18 = arith.constant 0 : index
      %get3A_19 = vector.load %arg4[%get3A_15, %get3A_16, %get3A_17, %get3A_18] : memref<1x1x704x1024xf32, #tpu.memory_space<vmem>>, vector<1x1x704x1024xf32>
      %get3A_20 = vector.shape_cast %get3A_19 : vector<1x1x704x1024xf32> to vector<704x1024xf32>
      %convert_element_type3A_21 = arith.truncf %get3A_20 : vector<704x1024xf32> to vector<704x1024xbf16>
      %dot_general3A_22 = arith.constant dense<0.000000e+00> : vector<512x704xf32>
      %dot_general3A_23 = tpu.matmul %convert_element_type3A_6, %convert_element_type3A_21, %dot_general3A_22 {dimension_numbers = #tpu.dot_dimension_numbers<[1], [1], [0], [0], [0, 0, 1, 0], [], []>, transpose_lhs_hint = false} : vector<512x1024xbf16>, vector<704x1024xbf16>, vector<512x704xf32> -> vector<512x704xf32>
      %logistic3A = arith.negf %dot_general3A_14 : vector<512x704xf32>
      %logistic3A_24 = math.exp %logistic3A : vector<512x704xf32>
      %logistic3A_25 = arith.constant 1.000000e+00 : f32
      %logistic3A_26 = vector.broadcast %logistic3A_25 : f32 to vector<512x704xf32>
      %logistic3A_27 = arith.addf %logistic3A_26, %logistic3A_24 : vector<512x704xf32>
      %logistic3A_28 = arith.divf %logistic3A_26, %logistic3A_27 : vector<512x704xf32>
      %mul3A_29 = arith.mulf %dot_general3A_14, %logistic3A_28 : vector<512x704xf32>
      %mul3A_30 = arith.mulf %mul3A_29, %dot_general3A_23 : vector<512x704xf32>
      %convert_element_type3A_31 = arith.truncf %mul3A_30 : vector<512x704xf32> to vector<512x704xbf16>
      %get3A_32 = arith.constant 0 : index
      %get3A_33 = arith.constant 0 : index
      %get3A_34 = arith.constant 0 : index
      %get3A_35 = arith.constant 0 : index
      %get3A_36 = vector.load %arg5[%get3A_32, %get3A_33, %get3A_34, %get3A_35] : memref<1x1x704x1024xf32, #tpu.memory_space<vmem>>, vector<1x1x704x1024xf32>
      %get3A_37 = vector.shape_cast %get3A_36 : vector<1x1x704x1024xf32> to vector<704x1024xf32>
      %convert_element_type3A_38 = arith.truncf %get3A_37 : vector<704x1024xf32> to vector<704x1024xbf16>
      %dot_general3A_39 = arith.constant dense<0.000000e+00> : vector<512x1024xf32>
      %dot_general3A_40 = tpu.matmul %convert_element_type3A_31, %convert_element_type3A_38, %dot_general3A_39 {dimension_numbers = #tpu.dot_dimension_numbers<[1], [0], [0], [1], [0, 0, 1, 1], [], []>, transpose_lhs_hint = false} : vector<512x704xbf16>, vector<704x1024xbf16>, vector<512x1024xf32> -> vector<512x1024xf32>
      %swap3A = arith.constant 0 : index
      %swap3A_41 = arith.constant 0 : index
      %swap3A_42 = vector.load %arg6[%swap3A, %swap3A_41] : memref<512x1024xf32, #tpu.memory_space<vmem>>, vector<512x1024xf32>
      tpu.vector_store %arg6[%swap3A, %swap3A_41], %dot_general3A_40 {strides = array<i32>} : memref<512x1024xf32, #tpu.memory_space<vmem>>, vector<512x1024xf32>,
    } else {
    }
    return
  }
  func.func @transform_0(%arg0: i32, %arg1: memref<16xi32, #tpu.memory_space<smem>>) -> (i32, i32) {
    %c0_i32 = arith.constant 0 : i32
    %c0_i32_0 = arith.constant 0 : i32
    return %arg0, %c0_i32 : i32, i32
  }
  func.func @transform_1(%arg0: i32, %arg1: memref<16xi32, #tpu.memory_space<smem>>) -> (i32, i32, i32, i32) {
    %get3A = arith.index_cast %arg0 : i32 to index
    %get3A_0 = memref.load %arg1[%get3A] : memref<16xi32, #tpu.memory_space<smem>>
    %c1_i32 = arith.constant 1 : i32
    %c0_i32 = arith.constant 0 : i32
    %c0_i32_1 = arith.constant 0 : i32
    %c0_i32_2 = arith.constant 0 : i32
    return %c1_i32, %get3A_0, %c0_i32, %c0_i32_1 : i32, i32, i32, i32
  }
  func.func @transform_2(%arg0: i32, %arg1: memref<16xi32, #tpu.memory_space<smem>>) -> (i32, i32, i32, i32) {
    %get3A = arith.index_cast %arg0 : i32 to index
    %get3A_0 = memref.load %arg1[%get3A] : memref<16xi32, #tpu.memory_space<smem>>
    %c1_i32 = arith.constant 1 : i32
    %c0_i32 = arith.constant 0 : i32
    %c0_i32_1 = arith.constant 0 : i32
    %c0_i32_2 = arith.constant 0 : i32
    return %c1_i32, %get3A_0, %c0_i32, %c0_i32_1 : i32, i32, i32, i32
  }
  func.func @transform_3(%arg0: i32, %arg1: memref<16xi32, #tpu.memory_space<smem>>) -> (i32, i32, i32, i32) {
    %get3A = arith.index_cast %arg0 : i32 to index
    %get3A_0 = memref.load %arg1[%get3A] : memref<16xi32, #tpu.memory_space<smem>>
    %c1_i32 = arith.constant 1 : i32
    %c0_i32 = arith.constant 0 : i32
    %c0_i32_1 = arith.constant 0 : i32
    %c0_i32_2 = arith.constant 0 : i32
    return %c1_i32, %get3A_0, %c0_i32, %c0_i32_1 : i32, i32, i32, i32
  }
  func.func @transform_4(%arg0: i32, %arg1: memref<16xi32, #tpu.memory_space<smem>>) -> (i32, i32) {
    %c0_i32 = arith.constant 0 : i32
    %c0_i32_0 = arith.constant 0 : i32
    return %arg0, %c0_i32 : i32, i32
  }
}

module attributes {stable_mosaic.version = 14 : i64} {
  func.func @_shared_body(%arg0: i32, %arg1: memref<256x1024xf32, #tpu.memory_space<vmem>>, %arg2: memref<1x1024x1408xf32, #tpu.memory_space<vmem>>, %arg3: memref<1x1024x1408xf32, #tpu.memory_space<vmem>>, %arg4: memref<1x1408x1024xf32, #tpu.memory_space<vmem>>, %arg5: memref<1x1024x1xf32, #tpu.memory_space<vmem>>, %arg6: memref<256x1024xf32, #tpu.memory_space<vmem>>) attributes {dimension_semantics = [#tpu.dimension_semantics<parallel>], iteration_bounds = array<i64: 8>, scalar_prefetch = 0 : i64, scratch_operands = 0 : i64, tpu.core_type = #tpu.core_type<tc>, window_params = [{transform_indices = @transform_0, window_bounds = array<i64: 256, 1024>}, {transform_indices = @transform_1, window_bounds = array<i64: 1, 1024, 1408>}, {transform_indices = @transform_2, window_bounds = array<i64: 1, 1024, 1408>}, {transform_indices = @transform_3, window_bounds = array<i64: 1, 1408, 1024>}, {transform_indices = @transform_4, window_bounds = array<i64: 1, 1024, 1>}, {transform_indices = @transform_5, window_bounds = array<i64: 256, 1024>}]} {
    %get3A = arith.constant 0 : index
    %get3A_0 = arith.constant 0 : index
    %get3A_1 = vector.load %arg1[%get3A, %get3A_0] : memref<256x1024xf32, #tpu.memory_space<vmem>>, vector<256x1024xf32>
    %convert_element_type3A = arith.truncf %get3A_1 : vector<256x1024xf32> to vector<256x1024xbf16>
    %get3A_2 = arith.constant 0 : index
    %get3A_3 = arith.constant 0 : index
    %get3A_4 = arith.constant 0 : index
    %get3A_5 = vector.load %arg2[%get3A_2, %get3A_3, %get3A_4] : memref<1x1024x1408xf32, #tpu.memory_space<vmem>>, vector<1x1024x1408xf32>
    %get3A_6 = vector.shape_cast %get3A_5 : vector<1x1024x1408xf32> to vector<1024x1408xf32>
    %convert_element_type3A_7 = arith.truncf %get3A_6 : vector<1024x1408xf32> to vector<1024x1408xbf16>
    %dot_general3A = arith.constant dense<0.000000e+00> : vector<256x1408xf32>
    %dot_general3A_8 = tpu.matmul %convert_element_type3A, %convert_element_type3A_7, %dot_general3A {dimension_numbers = #tpu.dot_dimension_numbers<[1], [0], [0], [1], [0, 0, 1, 1], [], []>, transpose_lhs_hint = false} : vector<256x1024xbf16>, vector<1024x1408xbf16>, vector<256x1408xf32> -> vector<256x1408xf32>
    %logistic3A = arith.negf %dot_general3A_8 : vector<256x1408xf32>
    %logistic3A_9 = math.exp %logistic3A : vector<256x1408xf32>
    %logistic3A_10 = arith.constant 1.000000e+00 : f32
    %logistic3A_11 = vector.broadcast %logistic3A_10 : f32 to vector<256x1408xf32>
    %logistic3A_12 = arith.addf %logistic3A_11, %logistic3A_9 : vector<256x1408xf32>
    %logistic3A_13 = arith.divf %logistic3A_11, %logistic3A_12 : vector<256x1408xf32>
    %mul3A = arith.mulf %dot_general3A_8, %logistic3A_13 : vector<256x1408xf32>
    %get3A_14 = arith.constant 0 : index
    %get3A_15 = arith.constant 0 : index
    %get3A_16 = arith.constant 0 : index
    %get3A_17 = vector.load %arg3[%get3A_14, %get3A_15, %get3A_16] : memref<1x1024x1408xf32, #tpu.memory_space<vmem>>, vector<1x1024x1408xf32>
    %get3A_18 = vector.shape_cast %get3A_17 : vector<1x1024x1408xf32> to vector<1024x1408xf32>
    %convert_element_type3A_19 = arith.truncf %get3A_18 : vector<1024x1408xf32> to vector<1024x1408xbf16>
    %dot_general3A_20 = arith.constant dense<0.000000e+00> : vector<256x1408xf32>
    %dot_general3A_21 = tpu.matmul %convert_element_type3A, %convert_element_type3A_19, %dot_general3A_20 {dimension_numbers = #tpu.dot_dimension_numbers<[1], [0], [0], [1], [0, 0, 1, 1], [], []>, transpose_lhs_hint = false} : vector<256x1024xbf16>, vector<1024x1408xbf16>, vector<256x1408xf32> -> vector<256x1408xf32>
    %mul3A_22 = arith.mulf %mul3A, %dot_general3A_21 : vector<256x1408xf32>
    %convert_element_type3A_23 = arith.truncf %mul3A_22 : vector<256x1408xf32> to vector<256x1408xbf16>
    %get3A_24 = arith.constant 0 : index
    %get3A_25 = arith.constant 0 : index
    %get3A_26 = arith.constant 0 : index
    %get3A_27 = vector.load %arg4[%get3A_24, %get3A_25, %get3A_26] : memref<1x1408x1024xf32, #tpu.memory_space<vmem>>, vector<1x1408x1024xf32>
    %get3A_28 = vector.shape_cast %get3A_27 : vector<1x1408x1024xf32> to vector<1408x1024xf32>
    %convert_element_type3A_29 = arith.truncf %get3A_28 : vector<1408x1024xf32> to vector<1408x1024xbf16>
    %dot_general3A_30 = arith.constant dense<0.000000e+00> : vector<256x1024xf32>
    %dot_general3A_31 = tpu.matmul %convert_element_type3A_23, %convert_element_type3A_29, %dot_general3A_30 {dimension_numbers = #tpu.dot_dimension_numbers<[1], [0], [0], [1], [0, 0, 1, 1], [], []>, transpose_lhs_hint = false} : vector<256x1408xbf16>, vector<1408x1024xbf16>, vector<256x1024xf32> -> vector<256x1024xf32>
    %get3A_32 = arith.constant 0 : index
    %get3A_33 = arith.constant 0 : index
    %get3A_34 = arith.constant 0 : index
    %get3A_35 = vector.load %arg5[%get3A_32, %get3A_33, %get3A_34] : memref<1x1024x1xf32, #tpu.memory_space<vmem>>, vector<1x1024x1xf32>
    %get3A_36 = vector.shape_cast %get3A_35 : vector<1x1024x1xf32> to vector<1024x1xf32>
    %dot_general3A_37 = arith.constant dense<0.000000e+00> : vector<256x1xf32>
    %dot_general3A_38 = tpu.matmul %get3A_1, %get3A_36, %dot_general3A_37 {dimension_numbers = #tpu.dot_dimension_numbers<[1], [0], [0], [1], [0, 0, 1, 1], [], []>, transpose_lhs_hint = false} : vector<256x1024xf32>, vector<1024x1xf32>, vector<256x1xf32> -> vector<256x1xf32>
    %logistic3A_39 = arith.negf %dot_general3A_38 : vector<256x1xf32>
    %logistic3A_40 = math.exp %logistic3A_39 : vector<256x1xf32>
    %logistic3A_41 = arith.constant 1.000000e+00 : f32
    %logistic3A_42 = vector.broadcast %logistic3A_41 : f32 to vector<256x1xf32>
    %logistic3A_43 = arith.addf %logistic3A_42, %logistic3A_40 : vector<256x1xf32>
    %logistic3A_44 = arith.divf %logistic3A_42, %logistic3A_43 : vector<256x1xf32>
    %mul3A_45 = vector.broadcast %logistic3A_44 : vector<256x1xf32> to vector<256x1024xf32>
    %mul3A_46 = arith.mulf %mul3A_45, %dot_general3A_31 : vector<256x1024xf32>
    %swap3A = arith.constant 0 : index
    %swap3A_47 = arith.constant 0 : index
    %swap3A_48 = vector.load %arg6[%swap3A, %swap3A_47] : memref<256x1024xf32, #tpu.memory_space<vmem>>, vector<256x1024xf32>
    tpu.vector_store %arg6[%swap3A, %swap3A_47], %mul3A_46 {strides = array<i32>} : memref<256x1024xf32, #tpu.memory_space<vmem>>, vector<256x1024xf32>,
    return
  }
  func.func @transform_0(%arg0: i32) -> (i32, i32) {
    %c0_i32 = arith.constant 0 : i32
    %c0_i32_0 = arith.constant 0 : i32
    return %arg0, %c0_i32 : i32, i32
  }
  func.func @transform_1(%arg0: i32) -> (i32, i32, i32) {
    %c1_i32 = arith.constant 1 : i32
    %c0_i32 = arith.constant 0 : i32
    %c0_i32_0 = arith.constant 0 : i32
    %c0_i32_1 = arith.constant 0 : i32
    return %c1_i32, %c0_i32, %c0_i32_0 : i32, i32, i32
  }
  func.func @transform_2(%arg0: i32) -> (i32, i32, i32) {
    %c1_i32 = arith.constant 1 : i32
    %c0_i32 = arith.constant 0 : i32
    %c0_i32_0 = arith.constant 0 : i32
    %c0_i32_1 = arith.constant 0 : i32
    return %c1_i32, %c0_i32, %c0_i32_0 : i32, i32, i32
  }
  func.func @transform_3(%arg0: i32) -> (i32, i32, i32) {
    %c1_i32 = arith.constant 1 : i32
    %c0_i32 = arith.constant 0 : i32
    %c0_i32_0 = arith.constant 0 : i32
    %c0_i32_1 = arith.constant 0 : i32
    return %c1_i32, %c0_i32, %c0_i32_0 : i32, i32, i32
  }
  func.func @transform_4(%arg0: i32) -> (i32, i32, i32) {
    %c1_i32 = arith.constant 1 : i32
    %c0_i32 = arith.constant 0 : i32
    %c0_i32_0 = arith.constant 0 : i32
    %c0_i32_1 = arith.constant 0 : i32
    return %c1_i32, %c0_i32, %c0_i32_0 : i32, i32, i32
  }
  func.func @transform_5(%arg0: i32) -> (i32, i32) {
    %c0_i32 = arith.constant 0 : i32
    %c0_i32_0 = arith.constant 0 : i32
    return %arg0, %c0_i32 : i32, i32
  }
}

module attributes {stable_mosaic.version = 14 : i64} {
  func.func @_combine_body(%arg0: i32, %arg1: memref<256x1024xf32, #tpu.memory_space<vmem>>, %arg2: memref<256x1024xf32, #tpu.memory_space<vmem>>, %arg3: memref<256x2xf32, #tpu.memory_space<vmem>>, %arg4: memref<256x1024xf32, #tpu.memory_space<vmem>>, %arg5: memref<256x1024xf32, #tpu.memory_space<vmem>>) attributes {dimension_semantics = [#tpu.dimension_semantics<parallel>], iteration_bounds = array<i64: 8>, scalar_prefetch = 0 : i64, scratch_operands = 0 : i64, tpu.core_type = #tpu.core_type<tc>, window_params = [{transform_indices = @transform_0, window_bounds = array<i64: 256, 1024>}, {transform_indices = @transform_1, window_bounds = array<i64: 256, 1024>}, {transform_indices = @transform_2, window_bounds = array<i64: 256, 2>}, {transform_indices = @transform_3, window_bounds = array<i64: 256, 1024>}, {transform_indices = @transform_4, window_bounds = array<i64: 256, 1024>}]} {
    %get3A = arith.constant 0 : index
    %get3A_0 = arith.constant 0 : index
    %get3A_1 = vector.load %arg3[%get3A, %get3A_0] : memref<256x2xf32, #tpu.memory_space<vmem>>, vector<256x2xf32>
    %slice3A = vector.extract_strided_slice %get3A_1 {offsets = [0, 0], sizes = [256, 1], strides = [1, 1]} : vector<256x2xf32> to vector<256x1xf32>
    %get3A_2 = arith.constant 0 : index
    %get3A_3 = arith.constant 0 : index
    %get3A_4 = vector.load %arg1[%get3A_2, %get3A_3] : memref<256x1024xf32, #tpu.memory_space<vmem>>, vector<256x1024xf32>
    %mul3A = vector.broadcast %slice3A : vector<256x1xf32> to vector<256x1024xf32>
    %mul3A_5 = arith.mulf %mul3A, %get3A_4 : vector<256x1024xf32>
    %slice3A_6 = vector.extract_strided_slice %get3A_1 {offsets = [0, 1], sizes = [256, 1], strides = [1, 1]} : vector<256x2xf32> to vector<256x1xf32>
    %get3A_7 = arith.constant 0 : index
    %get3A_8 = arith.constant 0 : index
    %get3A_9 = vector.load %arg2[%get3A_7, %get3A_8] : memref<256x1024xf32, #tpu.memory_space<vmem>>, vector<256x1024xf32>
    %mul3A_10 = vector.broadcast %slice3A_6 : vector<256x1xf32> to vector<256x1024xf32>
    %mul3A_11 = arith.mulf %mul3A_10, %get3A_9 : vector<256x1024xf32>
    %add3A = arith.addf %mul3A_5, %mul3A_11 : vector<256x1024xf32>
    %get3A_12 = arith.constant 0 : index
    %get3A_13 = arith.constant 0 : index
    %get3A_14 = vector.load %arg4[%get3A_12, %get3A_13] : memref<256x1024xf32, #tpu.memory_space<vmem>>, vector<256x1024xf32>
    %add3A_15 = arith.addf %add3A, %get3A_14 : vector<256x1024xf32>
    %swap3A = arith.constant 0 : index
    %swap3A_16 = arith.constant 0 : index
    %swap3A_17 = vector.load %arg5[%swap3A, %swap3A_16] : memref<256x1024xf32, #tpu.memory_space<vmem>>, vector<256x1024xf32>
    tpu.vector_store %arg5[%swap3A, %swap3A_16], %add3A_15 {strides = array<i32>} : memref<256x1024xf32, #tpu.memory_space<vmem>>, vector<256x1024xf32>,
    return
  }
  func.func @transform_0(%arg0: i32) -> (i32, i32) {
    %c0_i32 = arith.constant 0 : i32
    %c0_i32_0 = arith.constant 0 : i32
    return %arg0, %c0_i32 : i32, i32
  }
  func.func @transform_1(%arg0: i32) -> (i32, i32) {
    %c0_i32 = arith.constant 0 : i32
    %c0_i32_0 = arith.constant 0 : i32
    return %arg0, %c0_i32 : i32, i32
  }
  func.func @transform_2(%arg0: i32) -> (i32, i32) {
    %c0_i32 = arith.constant 0 : i32
    %c0_i32_0 = arith.constant 0 : i32
    return %arg0, %c0_i32 : i32, i32
  }
  func.func @transform_3(%arg0: i32) -> (i32, i32) {
    %c0_i32 = arith.constant 0 : i32
    %c0_i32_0 = arith.constant 0 : i32
    return %arg0, %c0_i32 : i32, i32
  }
  func.func @transform_4(%arg0: i32) -> (i32, i32) {
    %c0_i32 = arith.constant 0 : i32
    %c0_i32_0 = arith.constant 0 : i32
    return %arg0, %c0_i32 : i32, i32
  }
}

</mosaic_0001>

<sc_bundles>
// kernel: kernel.15.cloned.1.call-start
scs
__scs_entry_jumppad:
0x0: {  	(pc) =	sbr.rel $0x88, $3  }
0x1: {  	(tag) =	ssettag $0x0;
	lr =	simm.s32 $0x1  }
0x2: {  	[smem:$0x3F97] =	sst lr;
	_ =	strace $0xD0000000  }
0x3: {  	_ = 	snop  }
0x4: {  	_ = 	snop  }
0x5: {  	_ = 	snop  }
0x6: {  	_ = 	snop  }
0x7: {  	_ = 	snop  }
__scs_overlays_trampoline_lowered:
0x8: {  	[smem:$0x3FA6] =	sst s0  }
0x9: {  	[smem:$0x3FA7] =	sst s1  }
0xa: {  	[smem:$0x3FA8] =	sst s2  }
0xb: {  	[smem:$0x3FA9] =	sst s3  }
0xc: {  	[smem:$0x3FAA] =	sst s4  }
0xd: {  	[smem:$0x3FAB] =	sst s5  }
0xe: {  	[smem:$0x3FAC] =	sst s6  }
0xf: {  	[smem:$0x3FAD] =	sst s7  }
0x10: {  	[smem:$0x3FAE] =	sst s8  }
0x11: {  	[smem:$0x3FAF] =	sst s9;
	s0 =	simm.s32 @!p0 $0x0  }
0x12: {  	s1 =	sld [smem:$0x3F95];
	s0 =	simm.s32 @p0 $0x1  }
0x13: {  	[smem:$0x3FB0] =	sst s0;
	s0 =	simm.s32 @!p1 $0x0  }
0x14: {  	s2 =	sld [smem:$0x3F94];
	s0 =	simm.s32 @p1 $0x1  }
0x15: {  	[smem:$0x3FB1] =	sst s0;
	s0 =	simm.s32 @!p2 $0x0  }
0x16: {  	s3 =	sld [smem:$0x3FDB];
	s0 =	simm.s32 @p2 $0x1  }
0x17: {  	s4 =	simm.s32 $0x1BF5;
	[smem:$0x3FB3] =	sst s0  }
0x18: {  	s0 =	sld [smem:$0x3F96];
	_ =	swait.ge [sflag:s4], $0x0  }
0x19: {  	s7 =	sld [smem:$0x3F97]  }
0x1a: {  	s8 =	sadd.s32 $0xFFFFE003, lr  }
0x1b: {  	s9 =	sadd.s32 $0xFFFFFEF7, lr;
	s5 =	simm.s32 $0xFFFFFFFF;
	p2 =	slt.u32 s8, $0xFFFFF086  }
0x1c: {  	p1 =	slt.u32 s9, $0xF7A;
	s5 =	simm.s32 @!p2 $0x0  }
0x1d: {  	s5 =	simm.s32 @p1 $0x1;
	p0 =	seq.s32 s7, s2  }
0x1e: {  	s7 =	smul.u32 @!p0 $0xF7A, s2;
	p2 =	seq.s32 @!p0 s5, $0x0  }
0x1f: {  	s9 =	smul.u32 $0xF7A, s1;
	s8 =	simm.s32 @!p0 $0x1BF5;
	p2 =	por !p2, p0  }
0x20: {  	[sflag:s8] =	ssyncset.s32 @!p0 $0xFFFFF086;
	s6 =	sadd.s32 @!p0 s3, s7;
	s7 =	simm.s32 @!p0 $0x108  }
0x21: {  	s3 =	sadd.s32 s3, s9;
	s6 =	sadd.s32 @!p0 $0x88, s6;
	s7 =	simm.s32 @p2 $0x1082  }
0x22: {  	[simem:s7], [sflag:s8] =	dma.local @!p0 [hbm:s6], $0xF7A  }
0x23: {  	s9 =	sor.u32 $0xD0000000, s2;
	s6 =	simm.s32 $0x108;
	_ =	swait.ge @!p0 [sflag:s8], $0x0  }
0x24: {  	s3 =	sadd.s32 $0x88, s3;
	s6 =	simm.s32 @!p1 $0x1082;
	[sflag:s4] =	ssyncset.s32 $0xFFFFF086  }
0x25: {  	[simem:s6], [sflag:s4] =	dma.local [hbm:s3], $0xF7A  }
0x26: {  	[smem:$0x3F97] =	sst s1;
	(tag) =	ssettag s2;
	_ =	strace s9  }
0x27: {  	s1 =	sld [smem:$0x3FA7]  }
0x28: {  	s2 =	sld [smem:$0x3FA8]  }
0x29: {  	s4 =	sld [smem:$0x3FAA]  }
0x2a: {  	p0 =	seq.s32 s5, $0x0;
	s5 =	sld [smem:$0x3FAB]  }
0x2b: {  	s6 =	sld [smem:$0x3FAC]  }
0x2c: {  	s7 =	sld [smem:$0x3FAD]  }
0x2d: {  	s3 =	simm.s32 $0x108;
	s8 =	sld [smem:$0x3FAE]  }
0x2e: {  	s3 =	simm.s32 @!p0 $0x1082;
	s9 =	sld [smem:$0x3FAF]  }
0x2f: {  	lr =	sadd.s32 s0, s3;
	s0 =	sld [smem:$0x3FA6]  }
0x30: {  	s3 =	sld [smem:$0x3FA9]  }
0x31: {  	[smem:$0x3FB2] =	sst s10  }
0x32: {  	s10 =	sld [smem:$0x3FB0];
	_ =	sdelay $0x3  }
0x33: {  	p0 =	seq.s32 s10, $0x1;
	s10 =	sld [smem:$0x3FB2];
	_ =	sdelay $0x3  }
0x34: {  	[smem:$0x3FB2] =	sst s10  }
0x35: {  	s10 =	sld [smem:$0x3FB1];
	_ =	sdelay $0x3  }
0x36: {  	p1 =	seq.s32 s10, $0x1;
	s10 =	sld [smem:$0x3FB2];
	_ =	sdelay $0x3  }
0x37: {  	[smem:$0x3FB2] =	sst s10  }
0x38: {  	s10 =	sld [smem:$0x3FB3]  }
0x39: {  	_ = 	snop;
	(pc) =	sbr.ind lr, $3  }
0x3a: {  	_ = 	snop  }
0x3b: {  	_ = 	snop  }
0x3c: {  	p2 =	seq.s32 s10, $0x1;
	s10 =	sld [smem:$0x3FB2]  }
0x3d: {  	_ =	shalt  }
0x3e: {  	_ =	shalt  }
0x3f: {  	_ =	shalt  }
0x40: {  	_ =	shalt  }
0x41: {  	_ =	shalt  }
0x42: {  	_ =	shalt  }
0x43: {  	_ =	shalt  }
0x44: {  	_ =	shalt  }
0x45: {  	_ =	shalt  }
0x46: {  	_ =	shalt  }
0x47: {  	_ =	shalt  }
0x48: {  	_ =	shalt  }
0x49: {  	_ =	shalt  }
0x4a: {  	_ =	shalt  }
0x4b: {  	_ =	shalt  }
0x4c: {  	_ =	shalt  }
0x4d: {  	_ =	shalt  }
0x4e: {  	_ =	shalt  }
0x4f: {  	_ =	shalt  }
0x50: {  	_ =	shalt  }
0x51: {  	_ =	shalt  }
0x52: {  	_ =	shalt  }
0x53: {  	_ =	shalt  }
0x54: {  	_ =	shalt  }
0x55: {  	_ =	shalt  }
0x56: {  	_ =	shalt  }
0x57: {  	_ =	shalt  }
0x58: {  	_ =	shalt  }
0x59: {  	_ =	shalt  }
0x5a: {  	_ =	shalt  }
0x5b: {  	_ =	shalt  }
0x5c: {  	_ =	shalt  }
0x5d: {  	_ =	shalt  }
0x5e: {  	_ =	shalt  }
0x5f: {  	_ =	shalt  }
0x60: {  	_ =	shalt  }
0x61: {  	_ =	shalt  }
0x62: {  	_ =	shalt  }
0x63: {  	_ =	shalt  }
0x64: {  	_ =	shalt  }
0x65: {  	_ =	shalt  }
0x66: {  	_ =	shalt  }
0x67: {  	_ =	shalt  }
0x68: {  	_ =	shalt  }
0x69: {  	_ =	shalt  }
0x6a: {  	_ =	shalt  }
0x6b: {  	_ =	shalt  }
0x6c: {  	_ =	shalt  }
0x6d: {  	_ =	shalt  }
0x6e: {  	_ =	shalt  }
0x6f: {  	_ =	shalt  }
0x70: {  	_ =	shalt  }
0x71: {  	_ =	shalt  }
0x72: {  	_ =	shalt  }
0x73: {  	_ =	shalt  }
0x74: {  	_ =	shalt  }
0x75: {  	_ =	shalt  }
0x76: {  	_ =	shalt  }
0x77: {  	_ =	shalt  }
0x78: {  	_ =	shalt  }
0x79: {  	_ =	shalt  }
0x7a: {  	_ =	shalt  }
0x7b: {  	_ =	shalt  }
0x7c: {  	_ =	shalt  }
0x7d: {  	_ =	shalt  }
0x7e: {  	_ =	shalt  }
0x7f: {  	_ =	shalt  }
0x80: {  	_ =	shalt  }
0x81: {  	_ =	shalt  }
0x82: {  	_ =	shalt  }
0x83: {  	_ =	shalt  }
0x84: {  	_ =	shalt  }
0x85: {  	_ =	shalt  }
0x86: {  	_ =	shalt  }
0x87: {  	_ =	shalt  }
.Lfunc_end0:
.L_simem_size_0:
called_computation_lowered:
.L_overlay_start_0:
0x88: {  	s2 =	sld [smem:$0x3FD9]  }
0x89: {  	s3 =	sld [smem:$0x3FFE];
	_ =	sdelay $0x1  }
0x8a: {  	s1 =	srdreg.scid  }
0x8b: {  	s0 =	sand.u32 $0x1, s1  }
0x8c: {  	s18 =	sshll.u32 s0, $0xA;
	s2 =	sadd.s32 s3, s2  }
0x8d: {  	s2 =	sadd.s32 s2, s18  }
0x8e: {  	[smem:$0x3FBE] =	sst s2  }
0x8f: {  	_ = 	snop  }
0x90: {  	s2 =	sld [smem:$0x3FC9]  }
0x91: {  	s19 =	sld [smem:$0x3FC8]  }
0x92: {  	s4 =	sld [smem:$0x3FD0];
	(tm) =	ssettm $0x1  }
0x93: {  	s5 =	sld [smem:$0x3FFB];
	_ =	sdelay $0x3  }
0x94: {  	_ =	strace s5  }
0x95: {  	s5 =	sld [smem:$0x3FFC];
	_ =	sdelay $0x3  }
0x96: {  	_ =	strace s5  }
0x97: {  	s5 =	sld [smem:$0x3FFD];
	_ =	sdelay $0x3  }
0x98: {  	_ =	strace s5  }
0x99: {  	_ =	strace $0x8FFFFFFF  }
0x9a: {  	s20 =	sld [smem:$0x3FDB];
	_ =	sdelay $0x1  }
0x9b: {  	s6 =	simm.s32 $_scs_section_size  }
0x9c: {  	s7 =	simm.s32 $_size__tile_overlayer_lowered;
	s8 =	simm.s32 $_tile_overlayer_lowered  }
0x9d: {  	s23 =	simm.s32 $0x1BFF;
	s22 =	sshll.u32 s8, $0x1;
	s5 =	sadd.s32 s6, s20  }
0x9e: {  	s9 =	simm.s32 $0x0;
	s21 =	sshll.u32 s7, $0x1;
	s7 =	sadd.s32 s22, s5  }
0x9f: {  	[timem:s9], [sflag:s23] =	dma.local [hbm:s7], s21  }
0xa0: {  	_ =	swait.ge [sflag:s23], s21  }
0xa1: {  	s6 =	ssub.s32 $0x0, s21;
	[sflag:s23] =	ssyncset.done $0x0  }
0xa2: {  	[sflag:s23] =	ssyncadd.s32 s6;
	_ =	sdelay $0x1  }
0xa3: {  	s24 =	simm.s32 $0x1B8B  }
0xa4: {  	_ =	swait.ge [sflag:s24], $0x1  }
0xa5: {  	[sflag:s24] =	ssyncset.done $0x0  }
0xa6: {  	s25 =	simm.s32 $0x1B8E;
	[sflag:s24] =	ssyncadd.s32 $0xFFFFFFFF  }
0xa7: {  	s26 =	simm.s32 $execute0_lowered;
	[smem:$0x3FD2] =	sst s25  }
0xa8: {  	s6 =	sshll.u32 s26, $0x1;
	_ =	strace $0x80000046;
	[dreg:$0x1] =	wrdreg $0xFFFFFFFF  }
0xa9: {  	s28 =	simm.s32 $_size_execute0_lowered;
	s5 =	sadd.s32 s5, s6;
	[dreg:$0x0] =	wrdreg $0x0  }
0xaa: {  	s6 =	sshll.u32 s28, $0x1;
	[dreg:$0x2] =	wrdreg s5  }
0xab: {  	[dreg:$0x3] =	wrdreg s6  }
0xac: {  	[dreg:$0x4] =	wrdreg $0xC0  }
0xad: {  	_ =	task [dreg:s9], $0x5FFFF  }
0xae: {  	[dreg:$0x1] =	wrdreg $0xFFFFFFFF  }
0xaf: {  	[dreg:$0x0] =	wrdreg $0x60  }
0xb0: {  	[dreg:$0x2] =	wrdreg s19  }
0xb1: {  	[dreg:$0x3] =	wrdreg s2  }
0xb2: {  	[dreg:$0x4] =	wrdreg s4  }
0xb3: {  	[dreg:$0x5] =	wrdreg $0x9  }
0xb4: {  	_ =	task.clear_ibuf [dreg:s9], $0x6FFFF;
	_ =	strace $0x90000046  }
0xb5: {  	s29 =	simm.s32 $0x9;
	_ =	strace $0x80000048  }
0xb6: {  	_ =	swait.ge [sflag:s29], $0x1  }
0xb7: {  	[sflag:s29] =	ssyncadd.s32 $0xFFFFFFFF  }
0xb8: {  	_ =	strace $0x90000048  }
0xb9: {  	_ =	sfence  }
0xba: {  	s30 =	sld [smem:$0x0];
	_ =	sdelay $0x2  }
0xbb: {  	s31 =	sshll.u32 s1, $0xD;
	s1 =	sshrl.u32 s1, $0x2  }
0xbc: {  	s3 =	sand.u32 $0x4000, s31;
	s1 =	sadd.s32 s1, s30  }
0xbd: {  	s0 =	sor.u32 s3, s0;
	s1 =	sshll.u32 s1, $0x11  }
0xbe: {  	s0 =	sor.u32 s1, s0  }
0xbf: {  	s0 =	sadd.s32 $0x8F2B, s0  }
0xc0: {  	[sflag:s0] =	ssyncadd.remote.s32 $0x1  }
0xc1: {  	_ =	sfence.sel $0xFFFF  }
0xc2: {  	[dreg:$0x0] =	wrdreg $0xFFFFFFFF;
	(pc) =	sbr.abs _section_cstart, $3  }
0xc3: {  	[dreg:$0x1] =	wrdreg $0xFFFFFFFF  }
0xc4: {  	_ =	task.clear_ibuf [dreg:s9], $0x2FFFF;
	_ =	strace $0x9FFFFFFF  }
0xc5: {  	(tm) =	ssettm $0x7FFFFFFF  }
tec
execute0_lowered:
.L_overlay_start_1:
0x0: {  	(tag) =	ssettag $0x1  }
0x1: {  	s1 =	rddreg [dreg:$0x0]  }
0x2: {  	s2 =	srdreg.scid;
	s4 =	rddreg [dreg:$0x1]  }
0x3: {  	s0 =	stileid.u32;
	s5 =	rddreg [dreg:$0x2]  }
0x4: {  	s3 =	simm.s32 $0x0;
	s17 =	simm.s32 $0x880;
	s18 =	simm.s32 $0x1080  }
0x5: {  	s19 =	simm.s32 $0x1880;
	s21 =	simm.s32 $0x2080;
	s22 =	simm.s32 $0x2880  }
0x6: {  	s23 =	simm.s32 $0x3080;
	s24 =	simm.s32 $0x3880;
	[smem:$0x7FF] =	sst s3  }
0x7: {  	s8 =	simm.s32 $0x4080;
	_ =	strace $0x80000047;
	[dreg:$0x6] =	wrdreg s17  }
0x8: {  	s25 =	simm.s32 $0x4880;
	s26 =	simm.s32 $0x5080;
	[dreg:$0x7] =	wrdreg s18  }
0x9: {  	s9 =	simm.s32 $0x80;
	s11 =	simm.s32 $0x6080;
	[dreg:$0x8] =	wrdreg s19  }
0xa: {  	s12 =	simm.s32 $0x6880;
	s13 =	simm.s32 $0x7080;
	[dreg:$0x9] =	wrdreg s21  }
0xb: {  	s14 =	simm.s32 $0x7880;
	s15 =	simm.s32 $0x8080;
	[dreg:$0xa] =	wrdreg s22  }
0xc: {  	s28 =	simm.s32 $0xE080;
	s29 =	simm.s32 $0xE880;
	[dreg:$0xb] =	wrdreg s23  }
0xd: {  	s30 =	simm.s32 $0xF080;
	s31 =	simm.s32 $0xF880;
	[dreg:$0xc] =	wrdreg s24  }
0xe: {  	s2 =	sand.u32 $0x1, s2;
	s6 =	sshll.u32 s0, $0x7;
	[dreg:$0xd] =	wrdreg s8  }
0xf: {  	s7 =	sshll.u32 s2, $0x6;
	s2 =	ssub.s32 $0x2, s2;
	[dreg:$0xe] =	wrdreg s25  }
0x10: {  	s8 =	simm.s32 $0x2;
	[dreg:$0xf] =	wrdreg s26;
	s17 =	simm.s32 $0x9080  }
0x11: {  	s18 =	simm.s32 $0x9880;
	s19 =	simm.s32 $0xA080;
	s21 =	simm.s32 $0xB080  }
0x12: {  	s22 =	simm.s32 $0xB880;
	s23 =	simm.s32 $0xC080;
	s24 =	simm.s32 $0xC880  }
0x13: {  	s25 =	simm.s32 $0xD080;
	s26 =	simm.s32 $0xD880;
	s6 =	sor.u32 s7, s6  }
0x14: {  	s20 =	sshrl.u32 s2, $0x1;
	s7 =	sshrl.u32 s6, $0x3;
	s6 =	sshll.u32 s6, $0x7  }
0x15: {  	s2 =	ssub.s32 s2, s20;
	s20 =	simm.s32 $0xA880;
	s4 =	sadd.s32 s4, s7  }
0x16: {  	v2 =	vlaneseq.u32;
	s16 =	sadd.s32 s5, s6;
	s5 =	sadd.s32 $0x200, s1;
	s6 =	sadd.s32 $0x300, s1  }
0x17: {  	vm0 =	vmmov $0xffff;
	v1 =	vshrl.u32 v2, $0x3;
	s7 =	smax.u32 s2, $0x1;
	s2 =	simm.s32 $0x1;
	[dreg:$0x4] =	wrdreg s4  }
0x18: {  	v0 =	vand.u32 $0x7, v2;
	v2 =	vor.u32 $0x8, v2;
	v1 =	vmul.u32 $0x8, v1;
	[dreg:$0x5] =	wrdreg s16;
	s4 =	sadd.s32 $0x100, s1;
	s16 =	simm.s32 $0x8880  }
.LBB2_1:
0x19: {  	s0 =	rddreg [dreg:$0x4]  }
0x1a: {  	[tilespmem:s3], [sflag:$0x2] =	stream.linear.gather [hbm4b:s0+s3], $0x40, $0x38;
	[tilespmem:$0x10080] =	vst v63  }
0x1b: {  	_ =	swait.ge [sflag:s8], $0x40  }
0x1c: {  	[sflag:s8] =	ssyncset.done $0x0  }
0x1d: {  	[sflag:s8] =	ssyncadd.s32 $0xFFFFFFC0  }
0x1e: {  	v3 =	vld [tilespmem:$0x0];
	_ =	sdelay $0x4  }
0x1f: {  	v4 =	vshll.u32 v3, $0x3  }
0x20: {  	v3 =	vand.u32 $0x7, v3;
	v4 =	vand.u32 $0xFFFFFFC0, v4  }
0x21: {  	v3 =	vor.u32 v3, v4  }
0x22: {  	v4 =	vperm.xlane v3, v0;
	_ =	sdelay $0x1  }
0x23: {  	v4 =	vadd.s32 v1, v4;
	_ =	sdelay $0x4  }
0x24: {  	[tilespmem:s9], [sflag:$0x1] =	stream.indirect_vreg.gather [hbm4b:s1+s3], $0x80, v4, vm0, $0xb8;
	[tilespmem:$0x10080] =	vst v63  }
0x25: {  	s0 =	rddreg [dreg:$0x6];
	v3 =	vperm.xlane v3, v2  }
0x26: {  	[tilespmem:s0], [sflag:$0x1] =	stream.indirect_vreg.gather [hbm4b:s4+s3], $0x80, v4, vm0, $0xb8;
	[tilespmem:$0x10080] =	vst v63  }
0x27: {  	s10 =	rddreg [dreg:$0x7];
	v3 =	vadd.s32 v1, v3  }
0x28: {  	[tilespmem:s10], [sflag:$0x1] =	stream.indirect_vreg.gather [hbm4b:s5+s3], $0x80, v4, vm0, $0xb8;
	[tilespmem:$0x10080] =	vst v63  }
0x29: {  	s0 =	rddreg [dreg:$0x8]  }
0x2a: {  	[tilespmem:s0], [sflag:$0x1] =	stream.indirect_vreg.gather [hbm4b:s6+s3], $0x80, v4, vm0, $0xb8;
	[tilespmem:$0x10080] =	vst v63  }
0x2b: {  	s10 =	rddreg [dreg:$0x9]  }
0x2c: {  	[tilespmem:s10], [sflag:$0x1] =	stream.indirect_vreg.gather [hbm4b:s1+s3], $0x80, v3, vm0, $0xb8;
	[tilespmem:$0x10080] =	vst v63  }
0x2d: {  	s0 =	rddreg [dreg:$0xa]  }
0x2e: {  	[tilespmem:s0], [sflag:$0x1] =	stream.indirect_vreg.gather [hbm4b:s4+s3], $0x80, v3, vm0, $0xb8;
	[tilespmem:$0x10080] =	vst v63  }
0x2f: {  	s10 =	rddreg [dreg:$0xb]  }
0x30: {  	[tilespmem:s10], [sflag:$0x1] =	stream.indirect_vreg.gather [hbm4b:s5+s3], $0x80, v3, vm0, $0xb8;
	[tilespmem:$0x10080] =	vst v63  }
0x31: {  	s0 =	rddreg [dreg:$0xc]  }
0x32: {  	[tilespmem:s0], [sflag:$0x1] =	stream.indirect_vreg.gather [hbm4b:s6+s3], $0x80, v3, vm0, $0xb8;
	[tilespmem:$0x10080] =	vst v63  }
0x33: {  	v3 =	vld [tilespmem:$0x10];
	_ =	sdelay $0x4  }
0x34: {  	v61 =	vshll.u32 v3, $0x3  }
0x35: {  	v3 =	vand.u32 $0x7, v3;
	v4 =	vand.u32 $0xFFFFFFC0, v61  }
0x36: {  	v3 =	vor.u32 v3, v4  }
0x37: {  	v4 =	vperm.xlane v3, v0;
	_ =	sdelay $0x1  }
0x38: {  	v4 =	vadd.s32 v1, v4;
	_ =	sdelay $0x3  }
0x39: {  	s0 =	rddreg [dreg:$0xd]  }
0x3a: {  	[tilespmem:s0], [sflag:$0x1] =	stream.indirect_vreg.gather [hbm4b:s1+s3], $0x80, v4, vm0, $0xb8;
	[tilespmem:$0x10080] =	vst v63  }
0x3b: {  	s10 =	rddreg [dreg:$0xe];
	v3 =	vperm.xlane v3, v2  }
0x3c: {  	[tilespmem:s10], [sflag:$0x1] =	stream.indirect_vreg.gather [hbm4b:s4+s3], $0x80, v4, vm0, $0xb8;
	[tilespmem:$0x10080] =	vst v63  }
0x3d: {  	v3 =	vadd.s32 v1, v3;
	s0 =	rddreg [dreg:$0xf]  }
0x3e: {  	[tilespmem:s0], [sflag:$0x1] =	stream.indirect_vreg.gather [hbm4b:s5+s3], $0x80, v4, vm0, $0xb8;
	[tilespmem:$0x10080] =	vst v63  }
0x3f: {  	s10 =	simm.s32 $0x5880  }
0x40: {  	[tilespmem:s10], [sflag:$0x1] =	stream.indirect_vreg.gather [hbm4b:s6+s3], $0x80, v4, vm0, $0xb8;
	[tilespmem:$0x10080] =	vst v63  }
0x41: {  	_ = 	snop  }
0x42: {  	[tilespmem:s11], [sflag:$0x1] =	stream.indirect_vreg.gather [hbm4b:s1+s3], $0x80, v3, vm0, $0xb8;
	[tilespmem:$0x10080] =	vst v63  }
0x43: {  	_ = 	snop  }
0x44: {  	[tilespmem:s12], [sflag:$0x1] =	stream.indirect_vreg.gather [hbm4b:s4+s3], $0x80, v3, vm0, $0xb8;
	[tilespmem:$0x10080] =	vst v63  }
0x45: {  	_ = 	snop  }
0x46: {  	[tilespmem:s13], [sflag:$0x1] =	stream.indirect_vreg.gather [hbm4b:s5+s3], $0x80, v3, vm0, $0xb8;
	[tilespmem:$0x10080] =	vst v63  }
0x47: {  	_ = 	snop  }
0x48: {  	[tilespmem:s14], [sflag:$0x1] =	stream.indirect_vreg.gather [hbm4b:s6+s3], $0x80, v3, vm0, $0xb8;
	[tilespmem:$0x10080] =	vst v63  }
0x49: {  	v3 =	vld [tilespmem:$0x20];
	_ =	sdelay $0x4  }
0x4a: {  	v62 =	vshll.u32 v3, $0x3  }
0x4b: {  	v3 =	vand.u32 $0x7, v3;
	v4 =	vand.u32 $0xFFFFFFC0, v62  }
0x4c: {  	v3 =	vor.u32 v3, v4  }
0x4d: {  	v4 =	vperm.xlane v3, v0;
	_ =	sdelay $0x1  }
0x4e: {  	v4 =	vadd.s32 v1, v4;
	_ =	sdelay $0x4  }
0x4f: {  	[tilespmem:s15], [sflag:$0x1] =	stream.indirect_vreg.gather [hbm4b:s1+s3], $0x80, v4, vm0, $0xb8;
	[tilespmem:$0x10080] =	vst v63  }
0x50: {  	v3 =	vperm.xlane v3, v2  }
0x51: {  	[tilespmem:s16], [sflag:$0x1] =	stream.indirect_vreg.gather [hbm4b:s4+s3], $0x80, v4, vm0, $0xb8;
	[tilespmem:$0x10080] =	vst v63  }
0x52: {  	v3 =	vadd.s32 v1, v3  }
0x53: {  	[tilespmem:s17], [sflag:$0x1] =	stream.indirect_vreg.gather [hbm4b:s5+s3], $0x80, v4, vm0, $0xb8;
	[tilespmem:$0x10080] =	vst v63  }
0x54: {  	_ = 	snop  }
0x55: {  	[tilespmem:s18], [sflag:$0x1] =	stream.indirect_vreg.gather [hbm4b:s6+s3], $0x80, v4, vm0, $0xb8;
	[tilespmem:$0x10080] =	vst v63  }
0x56: {  	_ = 	snop  }
0x57: {  	[tilespmem:s19], [sflag:$0x1] =	stream.indirect_vreg.gather [hbm4b:s1+s3], $0x80, v3, vm0, $0xb8;
	[tilespmem:$0x10080] =	vst v63  }
0x58: {  	_ = 	snop  }
0x59: {  	[tilespmem:s20], [sflag:$0x1] =	stream.indirect_vreg.gather [hbm4b:s4+s3], $0x80, v3, vm0, $0xb8;
	[tilespmem:$0x10080] =	vst v63  }
0x5a: {  	_ = 	snop  }
0x5b: {  	[tilespmem:s21], [sflag:$0x1] =	stream.indirect_vreg.gather [hbm4b:s5+s3], $0x80, v3, vm0, $0xb8;
	[tilespmem:$0x10080] =	vst v63  }
0x5c: {  	_ = 	snop  }
0x5d: {  	[tilespmem:s22], [sflag:$0x1] =	stream.indirect_vreg.gather [hbm4b:s6+s3], $0x80, v3, vm0, $0xb8;
	[tilespmem:$0x10080] =	vst v63  }
0x5e: {  	v3 =	vld [tilespmem:$0x30];
	_ =	sdelay $0x4  }
0x5f: {  	v63 =	vshll.u32 v3, $0x3  }
0x60: {  	v3 =	vand.u32 $0x7, v3;
	v4 =	vand.u32 $0xFFFFFFC0, v63  }
0x61: {  	v3 =	vor.u32 v3, v4  }
0x62: {  	v4 =	vperm.xlane v3, v0;
	_ =	sdelay $0x1  }
0x63: {  	v4 =	vadd.s32 v1, v4;
	_ =	sdelay $0x4  }
0x64: {  	[tilespmem:s23], [sflag:$0x1] =	stream.indirect_vreg.gather [hbm4b:s1+s3], $0x80, v4, vm0, $0xb8;
	[tilespmem:$0x10080] =	vst v63  }
0x65: {  	v3 =	vperm.xlane v3, v2  }
0x66: {  	[tilespmem:s24], [sflag:$0x1] =	stream.indirect_vreg.gather [hbm4b:s4+s3], $0x80, v4, vm0, $0xb8;
	[tilespmem:$0x10080] =	vst v63  }
0x67: {  	v3 =	vadd.s32 v1, v3  }
0x68: {  	[tilespmem:s25], [sflag:$0x1] =	stream.indirect_vreg.gather [hbm4b:s5+s3], $0x80, v4, vm0, $0xb8;
	[tilespmem:$0x10080] =	vst v63  }
0x69: {  	_ = 	snop  }
0x6a: {  	[tilespmem:s26], [sflag:$0x1] =	stream.indirect_vreg.gather [hbm4b:s6+s3], $0x80, v4, vm0, $0xb8;
	[tilespmem:$0x10080] =	vst v63  }
0x6b: {  	_ = 	snop  }
0x6c: {  	[tilespmem:s28], [sflag:$0x1] =	stream.indirect_vreg.gather [hbm4b:s1+s3], $0x80, v3, vm0, $0xb8;
	[tilespmem:$0x10080] =	vst v63  }
0x6d: {  	_ = 	snop  }
0x6e: {  	[tilespmem:s29], [sflag:$0x1] =	stream.indirect_vreg.gather [hbm4b:s4+s3], $0x80, v3, vm0, $0xb8;
	[tilespmem:$0x10080] =	vst v63  }
0x6f: {  	_ = 	snop  }
0x70: {  	[tilespmem:s30], [sflag:$0x1] =	stream.indirect_vreg.gather [hbm4b:s5+s3], $0x80, v3, vm0, $0xb8;
	[tilespmem:$0x10080] =	vst v63  }
0x71: {  	_ = 	snop  }
0x72: {  	[tilespmem:s31], [sflag:$0x1] =	stream.indirect_vreg.gather [hbm4b:s6+s3], $0x80, v3, vm0, $0xb8;
	[tilespmem:$0x10080] =	vst v63  }
0x73: {  	_ =	swait.ge [sflag:s2], $0x10000  }
0x74: {  	p0 =	sne.s32 s7, $0x1;
	[sflag:s2] =	ssyncset.done $0x0  }
.Ltmp0:
0x75: {  	s10 =	rddreg [dreg:$0x5];
	[sflag:s2] =	ssyncadd.s32 $0xFFFF0000;
	(pc) =	sbr.rel @p0 .LBB2_1-.Ltmp0, $4  }
0x76: {  	[hbm4b:s10+s3] =	stream.linear.scatter [tilespmem:s9], [sflag:$0x2], $0x10000, $0x38;
	[tilespmem:$0x10080] =	vst v63  }
0x77: {  	_ =	swait.ge [sflag:s8], $0x10000  }
0x78: {  	[sflag:s8] =	ssyncset.done $0x0  }
0x79: {  	s7 =	sadd.s32 $0xFFFFFFFF, s7;
	[sflag:s8] =	ssyncadd.s32 $0xFFFF0000  }
0x7a: {  	_ =	sfence.sel $0x180000  }
0x7b: {  	[bflag:$0x0] =	sbarrier.arrive $0xFFFF  }
0x7c: {  	_ =	strace $0x90000047  }
0x7d: {  	s0 =	stileid.u32;
	[bflag:$0x2] =	sbarrier.arrive $0xFFFF  }
0x7e: {  	p0 =	sne.s32 s0, $0x0;
	s0 =	rddreg [dreg:$0x3]  }
0x7f: {  	s0 =	sadd.s32 @!p0 $0x100000, s0  }
0x80: {  	[sflag:s0] =	ssyncadd.tile.s32 @!p0 $0x1;
	_ =	shalt  }
.Lfunc_end2:
_tile_overlayer_lowered:
.L_overlay_start_2:
0x81: {  	(tag) =	ssettag $0x2  }
0x82: {  	s0 =	rddreg [dreg:$0x0];
	s2 =	stileid.u32  }
0x83: {  	s1 =	rddreg [dreg:$0x1];
	p0 =	sne.s32 s2, $0x0  }
0x84: {  	s3 =	rddreg [dreg:$0x2];
	[bflag:$0x3] =	sbarrier.arrive $0xFFFF;
	s2 =	simm.s32 @!p0 $0x1C02  }
0x85: {  	[timem:s3], [sflag:s2] =	dma.local @!p0 [hbm:s0], s1  }
0x86: {  	s0 =	simm.s32 @!p0 $0x2  }
0x87: {  	_ =	swait.ge @!p0 [sflag:s0], s1  }
0x88: {  	s1 =	ssub.s32 @!p0 $0x0, s1;
	[sflag:s0] =	ssyncset.done @!p0 $0x0  }
0x89: {  	[sflag:s0] =	ssyncadd.s32 @!p0 s1  }
0x8a: {  	[bflag:$0x3] =	sbarrier.arrive $0xFFFF  }
0x8b: {  	_ =	shalt  }

// kernel: kernel.18.cloned.1.call-start
scs
__scs_entry_jumppad:
0x0: {  	(pc) =	sbr.rel $0x88, $3  }
0x1: {  	(tag) =	ssettag $0x0;
	lr =	simm.s32 $0x1  }
0x2: {  	[smem:$0x3F97] =	sst lr;
	_ =	strace $0xD0000000  }
0x3: {  	_ = 	snop  }
0x4: {  	_ = 	snop  }
0x5: {  	_ = 	snop  }
0x6: {  	_ = 	snop  }
0x7: {  	_ = 	snop  }
__scs_overlays_trampoline_lowered:
0x8: {  	[smem:$0x3FA6] =	sst s0  }
0x9: {  	[smem:$0x3FA7] =	sst s1  }
0xa: {  	[smem:$0x3FA8] =	sst s2  }
0xb: {  	[smem:$0x3FA9] =	sst s3  }
0xc: {  	[smem:$0x3FAA] =	sst s4  }
0xd: {  	[smem:$0x3FAB] =	sst s5  }
0xe: {  	[smem:$0x3FAC] =	sst s6  }
0xf: {  	[smem:$0x3FAD] =	sst s7  }
0x10: {  	[smem:$0x3FAE] =	sst s8  }
0x11: {  	[smem:$0x3FAF] =	sst s9;
	s0 =	simm.s32 @!p0 $0x0  }
0x12: {  	s1 =	sld [smem:$0x3F95];
	s0 =	simm.s32 @p0 $0x1  }
0x13: {  	[smem:$0x3FB0] =	sst s0;
	s0 =	simm.s32 @!p1 $0x0  }
0x14: {  	s2 =	sld [smem:$0x3F94];
	s0 =	simm.s32 @p1 $0x1  }
0x15: {  	[smem:$0x3FB1] =	sst s0;
	s0 =	simm.s32 @!p2 $0x0  }
0x16: {  	s3 =	sld [smem:$0x3FDB];
	s0 =	simm.s32 @p2 $0x1  }
0x17: {  	s4 =	simm.s32 $0x1BF5;
	[smem:$0x3FB3] =	sst s0  }
0x18: {  	s0 =	sld [smem:$0x3F96];
	_ =	swait.ge [sflag:s4], $0x0  }
0x19: {  	s7 =	sld [smem:$0x3F97]  }
0x1a: {  	s8 =	sadd.s32 $0xFFFFE003, lr  }
0x1b: {  	s9 =	sadd.s32 $0xFFFFFEF7, lr;
	s5 =	simm.s32 $0xFFFFFFFF;
	p2 =	slt.u32 s8, $0xFFFFF086  }
0x1c: {  	p1 =	slt.u32 s9, $0xF7A;
	s5 =	simm.s32 @!p2 $0x0  }
0x1d: {  	s5 =	simm.s32 @p1 $0x1;
	p0 =	seq.s32 s7, s2  }
0x1e: {  	s7 =	smul.u32 @!p0 $0xF7A, s2;
	p2 =	seq.s32 @!p0 s5, $0x0  }
0x1f: {  	s9 =	smul.u32 $0xF7A, s1;
	s8 =	simm.s32 @!p0 $0x1BF5;
	p2 =	por !p2, p0  }
0x20: {  	[sflag:s8] =	ssyncset.s32 @!p0 $0xFFFFF086;
	s6 =	sadd.s32 @!p0 s3, s7;
	s7 =	simm.s32 @!p0 $0x108  }
0x21: {  	s3 =	sadd.s32 s3, s9;
	s6 =	sadd.s32 @!p0 $0x88, s6;
	s7 =	simm.s32 @p2 $0x1082  }
0x22: {  	[simem:s7], [sflag:s8] =	dma.local @!p0 [hbm:s6], $0xF7A  }
0x23: {  	s9 =	sor.u32 $0xD0000000, s2;
	s6 =	simm.s32 $0x108;
	_ =	swait.ge @!p0 [sflag:s8], $0x0  }
0x24: {  	s3 =	sadd.s32 $0x88, s3;
	s6 =	simm.s32 @!p1 $0x1082;
	[sflag:s4] =	ssyncset.s32 $0xFFFFF086  }
0x25: {  	[simem:s6], [sflag:s4] =	dma.local [hbm:s3], $0xF7A  }
0x26: {  	[smem:$0x3F97] =	sst s1;
	(tag) =	ssettag s2;
	_ =	strace s9  }
0x27: {  	s1 =	sld [smem:$0x3FA7]  }
0x28: {  	s2 =	sld [smem:$0x3FA8]  }
0x29: {  	s4 =	sld [smem:$0x3FAA]  }
0x2a: {  	p0 =	seq.s32 s5, $0x0;
	s5 =	sld [smem:$0x3FAB]  }
0x2b: {  	s6 =	sld [smem:$0x3FAC]  }
0x2c: {  	s7 =	sld [smem:$0x3FAD]  }
0x2d: {  	s3 =	simm.s32 $0x108;
	s8 =	sld [smem:$0x3FAE]  }
0x2e: {  	s3 =	simm.s32 @!p0 $0x1082;
	s9 =	sld [smem:$0x3FAF]  }
0x2f: {  	lr =	sadd.s32 s0, s3;
	s0 =	sld [smem:$0x3FA6]  }
0x30: {  	s3 =	sld [smem:$0x3FA9]  }
0x31: {  	[smem:$0x3FB2] =	sst s10  }
0x32: {  	s10 =	sld [smem:$0x3FB0];
	_ =	sdelay $0x3  }
0x33: {  	p0 =	seq.s32 s10, $0x1;
	s10 =	sld [smem:$0x3FB2];
	_ =	sdelay $0x3  }
0x34: {  	[smem:$0x3FB2] =	sst s10  }
0x35: {  	s10 =	sld [smem:$0x3FB1];
	_ =	sdelay $0x3  }
0x36: {  	p1 =	seq.s32 s10, $0x1;
	s10 =	sld [smem:$0x3FB2];
	_ =	sdelay $0x3  }
0x37: {  	[smem:$0x3FB2] =	sst s10  }
0x38: {  	s10 =	sld [smem:$0x3FB3]  }
0x39: {  	_ = 	snop;
	(pc) =	sbr.ind lr, $3  }
0x3a: {  	_ = 	snop  }
0x3b: {  	_ = 	snop  }
0x3c: {  	p2 =	seq.s32 s10, $0x1;
	s10 =	sld [smem:$0x3FB2]  }
0x3d: {  	_ =	shalt  }
0x3e: {  	_ =	shalt  }
0x3f: {  	_ =	shalt  }
0x40: {  	_ =	shalt  }
0x41: {  	_ =	shalt  }
0x42: {  	_ =	shalt  }
0x43: {  	_ =	shalt  }
0x44: {  	_ =	shalt  }
0x45: {  	_ =	shalt  }
0x46: {  	_ =	shalt  }
0x47: {  	_ =	shalt  }
0x48: {  	_ =	shalt  }
0x49: {  	_ =	shalt  }
0x4a: {  	_ =	shalt  }
0x4b: {  	_ =	shalt  }
0x4c: {  	_ =	shalt  }
0x4d: {  	_ =	shalt  }
0x4e: {  	_ =	shalt  }
0x4f: {  	_ =	shalt  }
0x50: {  	_ =	shalt  }
0x51: {  	_ =	shalt  }
0x52: {  	_ =	shalt  }
0x53: {  	_ =	shalt  }
0x54: {  	_ =	shalt  }
0x55: {  	_ =	shalt  }
0x56: {  	_ =	shalt  }
0x57: {  	_ =	shalt  }
0x58: {  	_ =	shalt  }
0x59: {  	_ =	shalt  }
0x5a: {  	_ =	shalt  }
0x5b: {  	_ =	shalt  }
0x5c: {  	_ =	shalt  }
0x5d: {  	_ =	shalt  }
0x5e: {  	_ =	shalt  }
0x5f: {  	_ =	shalt  }
0x60: {  	_ =	shalt  }
0x61: {  	_ =	shalt  }
0x62: {  	_ =	shalt  }
0x63: {  	_ =	shalt  }
0x64: {  	_ =	shalt  }
0x65: {  	_ =	shalt  }
0x66: {  	_ =	shalt  }
0x67: {  	_ =	shalt  }
0x68: {  	_ =	shalt  }
0x69: {  	_ =	shalt  }
0x6a: {  	_ =	shalt  }
0x6b: {  	_ =	shalt  }
0x6c: {  	_ =	shalt  }
0x6d: {  	_ =	shalt  }
0x6e: {  	_ =	shalt  }
0x6f: {  	_ =	shalt  }
0x70: {  	_ =	shalt  }
0x71: {  	_ =	shalt  }
0x72: {  	_ =	shalt  }
0x73: {  	_ =	shalt  }
0x74: {  	_ =	shalt  }
0x75: {  	_ =	shalt  }
0x76: {  	_ =	shalt  }
0x77: {  	_ =	shalt  }
0x78: {  	_ =	shalt  }
0x79: {  	_ =	shalt  }
0x7a: {  	_ =	shalt  }
0x7b: {  	_ =	shalt  }
0x7c: {  	_ =	shalt  }
0x7d: {  	_ =	shalt  }
0x7e: {  	_ =	shalt  }
0x7f: {  	_ =	shalt  }
0x80: {  	_ =	shalt  }
0x81: {  	_ =	shalt  }
0x82: {  	_ =	shalt  }
0x83: {  	_ =	shalt  }
0x84: {  	_ =	shalt  }
0x85: {  	_ =	shalt  }
0x86: {  	_ =	shalt  }
0x87: {  	_ =	shalt  }
.Lfunc_end0:
.L_simem_size_0:
called_computation.1_lowered:
.L_overlay_start_0:
0x88: {  	s2 =	sld [smem:$0x3FD9]  }
0x89: {  	s3 =	sld [smem:$0x3FFE];
	_ =	sdelay $0x1  }
0x8a: {  	s1 =	srdreg.scid  }
0x8b: {  	s0 =	sand.u32 $0x1, s1  }
0x8c: {  	s17 =	sshll.u32 s0, $0xA;
	s2 =	sadd.s32 s3, s2  }
0x8d: {  	s2 =	sadd.s32 s2, s17  }
0x8e: {  	[smem:$0x3FBE] =	sst s2  }
0x8f: {  	_ = 	snop  }
0x90: {  	s2 =	sld [smem:$0x3FD0];
	(tm) =	ssettm $0x1  }
0x91: {  	s18 =	sld [smem:$0x3FFB];
	_ =	sdelay $0x3  }
0x92: {  	_ =	strace s18  }
0x93: {  	s3 =	sld [smem:$0x3FFC];
	_ =	sdelay $0x3  }
0x94: {  	_ =	strace s3  }
0x95: {  	s3 =	sld [smem:$0x3FFD];
	_ =	sdelay $0x3  }
0x96: {  	_ =	strace s3  }
0x97: {  	_ =	strace $0x8FFFFFFF  }
0x98: {  	s19 =	sld [smem:$0x3FDB];
	_ =	sdelay $0x1  }
0x99: {  	s4 =	simm.s32 $_scs_section_size  }
0x9a: {  	s5 =	simm.s32 $_size__tile_overlayer_lowered;
	s6 =	simm.s32 $_tile_overlayer_lowered  }
0x9b: {  	s22 =	simm.s32 $0x1BFF;
	s21 =	sshll.u32 s6, $0x1;
	s3 =	sadd.s32 s4, s19  }
0x9c: {  	s7 =	simm.s32 $0x0;
	s20 =	sshll.u32 s5, $0x1;
	s5 =	sadd.s32 s21, s3  }
0x9d: {  	[timem:s7], [sflag:s22] =	dma.local [hbm:s5], s20  }
0x9e: {  	_ =	swait.ge [sflag:s22], s20  }
0x9f: {  	s4 =	ssub.s32 $0x0, s20;
	[sflag:s22] =	ssyncset.done $0x0  }
0xa0: {  	[sflag:s22] =	ssyncadd.s32 s4;
	_ =	sdelay $0x1  }
0xa1: {  	s23 =	simm.s32 $0x1B8B  }
0xa2: {  	_ =	swait.ge [sflag:s23], $0x1  }
0xa3: {  	[sflag:s23] =	ssyncset.done $0x0  }
0xa4: {  	s25 =	simm.s32 $0x1B8E;
	s24 =	sld [smem:$0x3FFE];
	[sflag:s23] =	ssyncadd.s32 $0xFFFFFFFF  }
0xa5: {  	s26 =	simm.s32 $execute0_lowered;
	[smem:$0x3FD2] =	sst s25  }
0xa6: {  	s5 =	sshll.u32 s26, $0x1;
	_ =	strace $0x80000049;
	[dreg:$0x1] =	wrdreg $0xFFFFFFFF  }
0xa7: {  	s28 =	simm.s32 $_size_execute0_lowered;
	s3 =	sadd.s32 s3, s5;
	[dreg:$0x0] =	wrdreg $0x0  }
0xa8: {  	s5 =	sshll.u32 s28, $0x1;
	[dreg:$0x2] =	wrdreg s3  }
0xa9: {  	[dreg:$0x3] =	wrdreg s5  }
0xaa: {  	[dreg:$0x4] =	wrdreg $0xC0  }
0xab: {  	_ =	task [dreg:s7], $0x5FFFF  }
0xac: {  	[dreg:$0x1] =	wrdreg $0xFFFFFFFF  }
0xad: {  	[dreg:$0x0] =	wrdreg $0x60  }
0xae: {  	[dreg:$0x2] =	wrdreg s2  }
0xaf: {  	[dreg:$0x3] =	wrdreg s24  }
0xb0: {  	[dreg:$0x4] =	wrdreg $0x9  }
0xb1: {  	_ =	task.clear_ibuf [dreg:s7], $0x5FFFF;
	_ =	strace $0x90000049  }
0xb2: {  	s29 =	simm.s32 $0x9;
	_ =	strace $0x8000004B  }
0xb3: {  	_ =	swait.ge [sflag:s29], $0x1  }
0xb4: {  	[sflag:s29] =	ssyncadd.s32 $0xFFFFFFFF  }
0xb5: {  	_ =	strace $0x9000004B  }
0xb6: {  	_ =	sfence  }
0xb7: {  	s30 =	sld [smem:$0x0];
	_ =	sdelay $0x2  }
0xb8: {  	s31 =	sshll.u32 s1, $0xD;
	s1 =	sshrl.u32 s1, $0x2  }
0xb9: {  	s3 =	sand.u32 $0x4000, s31;
	s1 =	sadd.s32 s1, s30  }
0xba: {  	s0 =	sor.u32 s3, s0;
	s1 =	sshll.u32 s1, $0x11  }
0xbb: {  	s0 =	sor.u32 s1, s0  }
0xbc: {  	s0 =	sadd.s32 $0x8F2B, s0  }
0xbd: {  	[sflag:s0] =	ssyncadd.remote.s32 $0x1  }
0xbe: {  	_ =	sfence.sel $0xFFFF  }
0xbf: {  	[dreg:$0x0] =	wrdreg $0xFFFFFFFF;
	(pc) =	sbr.abs _section_cstart, $3  }
0xc0: {  	[dreg:$0x1] =	wrdreg $0xFFFFFFFF  }
0xc1: {  	_ =	task.clear_ibuf [dreg:s7], $0x2FFFF;
	_ =	strace $0x9FFFFFFF  }
0xc2: {  	(tm) =	ssettm $0x7FFFFFFF  }
0xc3: {  	_ =	shalt  }
tec
execute0_lowered:
.L_overlay_start_1:
0x0: {  	(tag) =	ssettag $0x1  }
0x1: {  	s0 =	srdreg.scid  }
0x2: {  	s1 =	rddreg [dreg:$0x0];
	s2 =	stileid.u32  }
0x3: {  	s6 =	rddreg [dreg:$0x1];
	s26 =	simm.s32 $0x80;
	s8 =	simm.s32 $0x2  }
0x4: {  	s18 =	simm.s32 $0x100;
	s21 =	simm.s32 $0x1900;
	s22 =	simm.s32 $0x2100  }
0x5: {  	s23 =	simm.s32 $0x2900;
	s24 =	simm.s32 $0x3100;
	s28 =	simm.s32 $0x4900  }
0x6: {  	s29 =	simm.s32 $0x5100;
	s30 =	simm.s32 $0x5900;
	s31 =	simm.s32 $0x6100  }
0x7: {  	s10 =	simm.s32 $0x7900;
	s11 =	simm.s32 $0x8100;
	s12 =	simm.s32 $0x8900  }
0x8: {  	s13 =	simm.s32 $0x9100;
	s14 =	simm.s32 $0x9900;
	s15 =	simm.s32 $0xA100  }
0x9: {  	s16 =	simm.s32 $0xA900;
	s17 =	simm.s32 $0xB100;
	s9 =	simm.s32 $0xB900  }
0xa: {  	s0 =	sand.u32 $0x1, s0;
	s3 =	sshll.u32 s2, $0x7;
	s2 =	simm.s32 $0x0  }
0xb: {  	s4 =	sshll.u32 s0, $0x6;
	[smem:$0x7FF] =	sst s2;
	s0 =	ssub.s32 $0x2, s0  }
0xc: {  	s4 =	sor.u32 s4, s3;
	_ =	strace $0x8000004A;
	s25 =	sshrl.u32 s0, $0x1  }
0xd: {  	[dreg:$0x6] =	wrdreg s26;
	s3 =	sshrl.u32 s4, $0x3;
	s4 =	sshll.u32 s4, $0x7  }
0xe: {  	s26 =	simm.s32 $0x4100;
	s5 =	sadd.s32 s3, s6;
	s1 =	sadd.s32 s1, s4  }
0xf: {  	s0 =	ssub.s32 s0, s25;
	s7 =	sadd.s32 $0xB000, s5;
	[dreg:$0x5] =	wrdreg s1  }
0x10: {  	v2 =	vlaneseq.u32;
	s25 =	simm.s32 $0x3900;
	s5 =	sadd.s32 $0xB200, s5;
	[dreg:$0x3] =	wrdreg s7  }
0x11: {  	vm0 =	vmmov $0xffff;
	v1 =	vshrl.u32 v2, $0x3;
	s3 =	sadd.s32 $0xB400, s6;
	s4 =	sadd.s32 $0xB500, s6;
	[dreg:$0x4] =	wrdreg s5  }
0x12: {  	v0 =	vand.u32 $0x7, v2;
	v2 =	vor.u32 $0x8, v2;
	v1 =	vmul.u32 $0x8, v1;
	s5 =	sadd.s32 $0xB600, s6;
	s6 =	sadd.s32 $0xB700, s6;
	s7 =	smax.u32 s0, $0x1  }
.LBB2_1:
0x13: {  	s19 =	rddreg [dreg:$0x3]  }
0x14: {  	[tilespmem:s2], [sflag:$0x2] =	stream.linear.gather [hbm4b:s19+s2], $0x40, $0x38;
	[tilespmem:$0x10100] =	vst v63  }
0x15: {  	_ =	swait.ge [sflag:s8], $0x40  }
0x16: {  	s0 =	rddreg [dreg:$0x4];
	[sflag:s8] =	ssyncset.done $0x0  }
0x17: {  	s20 =	rddreg [dreg:$0x6];
	[sflag:s8] =	ssyncadd.s32 $0xFFFFFFC0  }
0x18: {  	[tilespmem:s20], [sflag:$0x2] =	stream.linear.gather [hbm4b:s0+s2], $0x40, $0x38;
	[tilespmem:$0x10100] =	vst v63  }
0x19: {  	_ =	swait.ge [sflag:s8], $0x40  }
0x1a: {  	[sflag:s8] =	ssyncset.done $0x0  }
0x1b: {  	s1 =	rddreg [dreg:$0x5];
	[sflag:s8] =	ssyncadd.s32 $0xFFFFFFC0  }
0x1c: {  	[tilespmem:s18], [sflag:$0x2] =	stream.linear.gather [hbm4b:s1+s2], $0x10000, $0x38;
	[tilespmem:$0x10100] =	vst v63  }
0x1d: {  	_ =	swait.ge [sflag:s8], $0x10000  }
0x1e: {  	[sflag:s8] =	ssyncset.done $0x0  }
0x1f: {  	[sflag:s8] =	ssyncadd.s32 $0xFFFF0000  }
0x20: {  	v3 =	vld [tilespmem:$0x0];
	_ =	sdelay $0x4  }
0x21: {  	v4 =	vshll.u32 v3, $0x3  }
0x22: {  	v3 =	vand.u32 $0x7, v3;
	v4 =	vand.u32 $0xFFFFFFC0, v4  }
0x23: {  	v3 =	vor.u32 v3, v4  }
0x24: {  	v4 =	vperm.xlane v3, v0;
	_ =	sdelay $0x1  }
0x25: {  	v4 =	vadd.s32 v1, v4;
	_ =	sdelay $0x4  }
0x26: {  	[hbm4b:s3+s2] =	stream.indirect_vreg.scatter [tilespmem:s18], [sflag:$0x1], $0x80, v4, vm0, $0xb8;
	[tilespmem:$0x10100] =	vst v63  }
0x27: {  	s19 =	simm.s32 $0x900;
	v3 =	vperm.xlane v3, v2  }
0x28: {  	[hbm4b:s4+s2] =	stream.indirect_vreg.scatter [tilespmem:s19], [sflag:$0x1], $0x80, v4, vm0, $0xb8;
	[tilespmem:$0x10100] =	vst v63  }
0x29: {  	s20 =	simm.s32 $0x1100;
	v3 =	vadd.s32 v1, v3  }
0x2a: {  	[hbm4b:s5+s2] =	stream.indirect_vreg.scatter [tilespmem:s20], [sflag:$0x1], $0x80, v4, vm0, $0xb8;
	[tilespmem:$0x10100] =	vst v63  }
0x2b: {  	_ = 	snop  }
0x2c: {  	[hbm4b:s6+s2] =	stream.indirect_vreg.scatter [tilespmem:s21], [sflag:$0x1], $0x80, v4, vm0, $0xb8;
	[tilespmem:$0x10100] =	vst v63  }
0x2d: {  	_ = 	snop  }
0x2e: {  	[hbm4b:s3+s2] =	stream.indirect_vreg.scatter [tilespmem:s22], [sflag:$0x1], $0x80, v3, vm0, $0xb8;
	[tilespmem:$0x10100] =	vst v63  }
0x2f: {  	_ = 	snop  }
0x30: {  	[hbm4b:s4+s2] =	stream.indirect_vreg.scatter [tilespmem:s23], [sflag:$0x1], $0x80, v3, vm0, $0xb8;
	[tilespmem:$0x10100] =	vst v63  }
0x31: {  	_ = 	snop  }
0x32: {  	[hbm4b:s5+s2] =	stream.indirect_vreg.scatter [tilespmem:s24], [sflag:$0x1], $0x80, v3, vm0, $0xb8;
	[tilespmem:$0x10100] =	vst v63  }
0x33: {  	_ = 	snop  }
0x34: {  	[hbm4b:s6+s2] =	stream.indirect_vreg.scatter [tilespmem:s25], [sflag:$0x1], $0x80, v3, vm0, $0xb8;
	[tilespmem:$0x10100] =	vst v63  }
0x35: {  	v3 =	vld [tilespmem:$0x10];
	_ =	sdelay $0x4  }
0x36: {  	v57 =	vshll.u32 v3, $0x3  }
0x37: {  	v3 =	vand.u32 $0x7, v3;
	v4 =	vand.u32 $0xFFFFFFC0, v57  }
0x38: {  	v3 =	vor.u32 v3, v4  }
0x39: {  	v4 =	vperm.xlane v3, v0;
	_ =	sdelay $0x1  }
0x3a: {  	v4 =	vadd.s32 v1, v4;
	_ =	sdelay $0x4  }
0x3b: {  	[hbm4b:s3+s2] =	stream.indirect_vreg.scatter [tilespmem:s26], [sflag:$0x1], $0x80, v4, vm0, $0xb8;
	[tilespmem:$0x10100] =	vst v63  }
0x3c: {  	v3 =	vperm.xlane v3, v2  }
0x3d: {  	[hbm4b:s4+s2] =	stream.indirect_vreg.scatter [tilespmem:s28], [sflag:$0x1], $0x80, v4, vm0, $0xb8;
	[tilespmem:$0x10100] =	vst v63  }
0x3e: {  	v3 =	vadd.s32 v1, v3  }
0x3f: {  	[hbm4b:s5+s2] =	stream.indirect_vreg.scatter [tilespmem:s29], [sflag:$0x1], $0x80, v4, vm0, $0xb8;
	[tilespmem:$0x10100] =	vst v63  }
0x40: {  	_ = 	snop  }
0x41: {  	[hbm4b:s6+s2] =	stream.indirect_vreg.scatter [tilespmem:s30], [sflag:$0x1], $0x80, v4, vm0, $0xb8;
	[tilespmem:$0x10100] =	vst v63  }
0x42: {  	_ = 	snop  }
0x43: {  	[hbm4b:s3+s2] =	stream.indirect_vreg.scatter [tilespmem:s31], [sflag:$0x1], $0x80, v3, vm0, $0xb8;
	[tilespmem:$0x10100] =	vst v63  }
0x44: {  	s1 =	simm.s32 $0x6900  }
0x45: {  	[hbm4b:s4+s2] =	stream.indirect_vreg.scatter [tilespmem:s1], [sflag:$0x1], $0x80, v3, vm0, $0xb8;
	[tilespmem:$0x10100] =	vst v63  }
0x46: {  	s0 =	simm.s32 $0x7100  }
0x47: {  	[hbm4b:s5+s2] =	stream.indirect_vreg.scatter [tilespmem:s0], [sflag:$0x1], $0x80, v3, vm0, $0xb8;
	[tilespmem:$0x10100] =	vst v63  }
0x48: {  	_ = 	snop  }
0x49: {  	[hbm4b:s6+s2] =	stream.indirect_vreg.scatter [tilespmem:s10], [sflag:$0x1], $0x80, v3, vm0, $0xb8;
	[tilespmem:$0x10100] =	vst v63  }
0x4a: {  	v3 =	vld [tilespmem:$0x20];
	_ =	sdelay $0x4  }
0x4b: {  	v58 =	vshll.u32 v3, $0x3  }
0x4c: {  	v3 =	vand.u32 $0x7, v3;
	v4 =	vand.u32 $0xFFFFFFC0, v58  }
0x4d: {  	v3 =	vor.u32 v3, v4  }
0x4e: {  	v4 =	vperm.xlane v3, v0;
	_ =	sdelay $0x1  }
0x4f: {  	v4 =	vadd.s32 v1, v4;
	_ =	sdelay $0x4  }
0x50: {  	[hbm4b:s3+s2] =	stream.indirect_vreg.scatter [tilespmem:s11], [sflag:$0x1], $0x80, v4, vm0, $0xb8;
	[tilespmem:$0x10100] =	vst v63  }
0x51: {  	v3 =	vperm.xlane v3, v2  }
0x52: {  	[hbm4b:s4+s2] =	stream.indirect_vreg.scatter [tilespmem:s12], [sflag:$0x1], $0x80, v4, vm0, $0xb8;
	[tilespmem:$0x10100] =	vst v63  }
0x53: {  	v3 =	vadd.s32 v1, v3  }
0x54: {  	[hbm4b:s5+s2] =	stream.indirect_vreg.scatter [tilespmem:s13], [sflag:$0x1], $0x80, v4, vm0, $0xb8;
	[tilespmem:$0x10100] =	vst v63  }
0x55: {  	_ = 	snop  }
0x56: {  	[hbm4b:s6+s2] =	stream.indirect_vreg.scatter [tilespmem:s14], [sflag:$0x1], $0x80, v4, vm0, $0xb8;
	[tilespmem:$0x10100] =	vst v63  }
0x57: {  	_ = 	snop  }
0x58: {  	[hbm4b:s3+s2] =	stream.indirect_vreg.scatter [tilespmem:s15], [sflag:$0x1], $0x80, v3, vm0, $0xb8;
	[tilespmem:$0x10100] =	vst v63  }
0x59: {  	_ = 	snop  }
0x5a: {  	[hbm4b:s4+s2] =	stream.indirect_vreg.scatter [tilespmem:s16], [sflag:$0x1], $0x80, v3, vm0, $0xb8;
	[tilespmem:$0x10100] =	vst v63  }
0x5b: {  	_ = 	snop  }
0x5c: {  	[hbm4b:s5+s2] =	stream.indirect_vreg.scatter [tilespmem:s17], [sflag:$0x1], $0x80, v3, vm0, $0xb8;
	[tilespmem:$0x10100] =	vst v63  }
0x5d: {  	_ = 	snop  }
0x5e: {  	[hbm4b:s6+s2] =	stream.indirect_vreg.scatter [tilespmem:s9], [sflag:$0x1], $0x80, v3, vm0, $0xb8;
	[tilespmem:$0x10100] =	vst v63  }
0x5f: {  	v3 =	vld [tilespmem:$0x30];
	_ =	sdelay $0x4  }
0x60: {  	v59 =	vshll.u32 v3, $0x3  }
0x61: {  	v3 =	vand.u32 $0x7, v3;
	v4 =	vand.u32 $0xFFFFFFC0, v59  }
0x62: {  	v3 =	vor.u32 v3, v4  }
0x63: {  	v4 =	vperm.xlane v3, v0;
	_ =	sdelay $0x1  }
0x64: {  	v4 =	vadd.s32 v1, v4;
	_ =	sdelay $0x3  }
0x65: {  	s0 =	simm.s32 $0xC100  }
0x66: {  	[hbm4b:s3+s2] =	stream.indirect_vreg.scatter [tilespmem:s0], [sflag:$0x1], $0x80, v4, vm0, $0xb8;
	[tilespmem:$0x10100] =	vst v63  }
0x67: {  	v3 =	vperm.xlane v3, v2;
	s0 =	simm.s32 $0xC900  }
0x68: {  	[hbm4b:s4+s2] =	stream.indirect_vreg.scatter [tilespmem:s0], [sflag:$0x1], $0x80, v4, vm0, $0xb8;
	[tilespmem:$0x10100] =	vst v63  }
0x69: {  	v3 =	vadd.s32 v1, v3;
	s0 =	simm.s32 $0xD100  }
0x6a: {  	[hbm4b:s5+s2] =	stream.indirect_vreg.scatter [tilespmem:s0], [sflag:$0x1], $0x80, v4, vm0, $0xb8;
	[tilespmem:$0x10100] =	vst v63  }
0x6b: {  	s0 =	simm.s32 $0xD900  }
0x6c: {  	[hbm4b:s6+s2] =	stream.indirect_vreg.scatter [tilespmem:s0], [sflag:$0x1], $0x80, v4, vm0, $0xb8;
	[tilespmem:$0x10100] =	vst v63  }
0x6d: {  	s0 =	simm.s32 $0xE100  }
0x6e: {  	[hbm4b:s3+s2] =	stream.indirect_vreg.scatter [tilespmem:s0], [sflag:$0x1], $0x80, v3, vm0, $0xb8;
	[tilespmem:$0x10100] =	vst v63  }
0x6f: {  	s0 =	simm.s32 $0xE900  }
0x70: {  	[hbm4b:s4+s2] =	stream.indirect_vreg.scatter [tilespmem:s0], [sflag:$0x1], $0x80, v3, vm0, $0xb8;
	[tilespmem:$0x10100] =	vst v63  }
0x71: {  	s0 =	simm.s32 $0xF100  }
0x72: {  	[hbm4b:s5+s2] =	stream.indirect_vreg.scatter [tilespmem:s0], [sflag:$0x1], $0x80, v3, vm0, $0xb8;
	[tilespmem:$0x10100] =	vst v63  }
0x73: {  	s0 =	simm.s32 $0xF900  }
0x74: {  	[hbm4b:s6+s2] =	stream.indirect_vreg.scatter [tilespmem:s0], [sflag:$0x1], $0x80, v3, vm0, $0xb8;
	[tilespmem:$0x10100] =	vst v63  }
0x75: {  	v3 =	vld [tilespmem:$0x80];
	_ =	sdelay $0x4  }
0x76: {  	v60 =	vshll.u32 v3, $0x3  }
0x77: {  	v3 =	vand.u32 $0x7, v3;
	v4 =	vand.u32 $0xFFFFFFC0, v60  }
0x78: {  	v3 =	vor.u32 v3, v4  }
0x79: {  	v4 =	vperm.xlane v3, v0;
	_ =	sdelay $0x1  }
0x7a: {  	v4 =	vadd.s32 v1, v4;
	_ =	sdelay $0x4  }
0x7b: {  	[hbm4b:s3+s2] =	stream.indirect_vreg.scatter [tilespmem:s18], [sflag:$0x1], $0x80, v4, vm0, $0xb8;
	[tilespmem:$0x10100] =	vst v63  }
0x7c: {  	v3 =	vperm.xlane v3, v2  }
0x7d: {  	[hbm4b:s4+s2] =	stream.indirect_vreg.scatter [tilespmem:s19], [sflag:$0x1], $0x80, v4, vm0, $0xb8;
	[tilespmem:$0x10100] =	vst v63  }
0x7e: {  	v3 =	vadd.s32 v1, v3  }
0x7f: {  	[hbm4b:s5+s2] =	stream.indirect_vreg.scatter [tilespmem:s20], [sflag:$0x1], $0x80, v4, vm0, $0xb8;
	[tilespmem:$0x10100] =	vst v63  }
0x80: {  	_ = 	snop  }
0x81: {  	[hbm4b:s6+s2] =	stream.indirect_vreg.scatter [tilespmem:s21], [sflag:$0x1], $0x80, v4, vm0, $0xb8;
	[tilespmem:$0x10100] =	vst v63  }
0x82: {  	_ = 	snop  }
0x83: {  	[hbm4b:s3+s2] =	stream.indirect_vreg.scatter [tilespmem:s22], [sflag:$0x1], $0x80, v3, vm0, $0xb8;
	[tilespmem:$0x10100] =	vst v63  }
0x84: {  	_ = 	snop  }
0x85: {  	[hbm4b:s4+s2] =	stream.indirect_vreg.scatter [tilespmem:s23], [sflag:$0x1], $0x80, v3, vm0, $0xb8;
	[tilespmem:$0x10100] =	vst v63  }
0x86: {  	_ = 	snop  }
0x87: {  	[hbm4b:s5+s2] =	stream.indirect_vreg.scatter [tilespmem:s24], [sflag:$0x1], $0x80, v3, vm0, $0xb8;
	[tilespmem:$0x10100] =	vst v63  }
0x88: {  	_ = 	snop  }
0x89: {  	[hbm4b:s6+s2] =	stream.indirect_vreg.scatter [tilespmem:s25], [sflag:$0x1], $0x80, v3, vm0, $0xb8;
	[tilespmem:$0x10100] =	vst v63  }
0x8a: {  	v3 =	vld [tilespmem:$0x90];
	_ =	sdelay $0x4  }
0x8b: {  	v61 =	vshll.u32 v3, $0x3  }
0x8c: {  	v3 =	vand.u32 $0x7, v3;
	v4 =	vand.u32 $0xFFFFFFC0, v61  }
0x8d: {  	v3 =	vor.u32 v3, v4  }
0x8e: {  	v4 =	vperm.xlane v3, v0;
	_ =	sdelay $0x1  }
0x8f: {  	v4 =	vadd.s32 v1, v4;
	_ =	sdelay $0x4  }
0x90: {  	[hbm4b:s3+s2] =	stream.indirect_vreg.scatter [tilespmem:s26], [sflag:$0x1], $0x80, v4, vm0, $0xb8;
	[tilespmem:$0x10100] =	vst v63  }
0x91: {  	v3 =	vperm.xlane v3, v2  }
0x92: {  	[hbm4b:s4+s2] =	stream.indirect_vreg.scatter [tilespmem:s28], [sflag:$0x1], $0x80, v4, vm0, $0xb8;
	[tilespmem:$0x10100] =	vst v63  }
0x93: {  	v3 =	vadd.s32 v1, v3  }
0x94: {  	[hbm4b:s5+s2] =	stream.indirect_vreg.scatter [tilespmem:s29], [sflag:$0x1], $0x80, v4, vm0, $0xb8;
	[tilespmem:$0x10100] =	vst v63  }
0x95: {  	_ = 	snop  }
0x96: {  	[hbm4b:s6+s2] =	stream.indirect_vreg.scatter [tilespmem:s30], [sflag:$0x1], $0x80, v4, vm0, $0xb8;
	[tilespmem:$0x10100] =	vst v63  }
0x97: {  	_ = 	snop  }
0x98: {  	[hbm4b:s3+s2] =	stream.indirect_vreg.scatter [tilespmem:s31], [sflag:$0x1], $0x80, v3, vm0, $0xb8;
	[tilespmem:$0x10100] =	vst v63  }
0x99: {  	_ = 	snop  }
0x9a: {  	[hbm4b:s4+s2] =	stream.indirect_vreg.scatter [tilespmem:s1], [sflag:$0x1], $0x80, v3, vm0, $0xb8;
	[tilespmem:$0x10100] =	vst v63  }
0x9b: {  	s20 =	simm.s32 $0x7100  }
0x9c: {  	[hbm4b:s5+s2] =	stream.indirect_vreg.scatter [tilespmem:s20], [sflag:$0x1], $0x80, v3, vm0, $0xb8;
	[tilespmem:$0x10100] =	vst v63  }
0x9d: {  	_ = 	snop  }
0x9e: {  	[hbm4b:s6+s2] =	stream.indirect_vreg.scatter [tilespmem:s10], [sflag:$0x1], $0x80, v3, vm0, $0xb8;
	[tilespmem:$0x10100] =	vst v63  }
0x9f: {  	v3 =	vld [tilespmem:$0xA0];
	_ =	sdelay $0x4  }
0xa0: {  	v62 =	vshll.u32 v3, $0x3  }
0xa1: {  	v3 =	vand.u32 $0x7, v3;
	v4 =	vand.u32 $0xFFFFFFC0, v62  }
0xa2: {  	v3 =	vor.u32 v3, v4  }
0xa3: {  	v4 =	vperm.xlane v3, v0;
	_ =	sdelay $0x1  }
0xa4: {  	v4 =	vadd.s32 v1, v4;
	_ =	sdelay $0x4  }
0xa5: {  	[hbm4b:s3+s2] =	stream.indirect_vreg.scatter [tilespmem:s11], [sflag:$0x1], $0x80, v4, vm0, $0xb8;
	[tilespmem:$0x10100] =	vst v63  }
0xa6: {  	v3 =	vperm.xlane v3, v2  }
0xa7: {  	[hbm4b:s4+s2] =	stream.indirect_vreg.scatter [tilespmem:s12], [sflag:$0x1], $0x80, v4, vm0, $0xb8;
	[tilespmem:$0x10100] =	vst v63  }
0xa8: {  	v3 =	vadd.s32 v1, v3  }
0xa9: {  	[hbm4b:s5+s2] =	stream.indirect_vreg.scatter [tilespmem:s13], [sflag:$0x1], $0x80, v4, vm0, $0xb8;
	[tilespmem:$0x10100] =	vst v63  }
0xaa: {  	_ = 	snop  }
0xab: {  	[hbm4b:s6+s2] =	stream.indirect_vreg.scatter [tilespmem:s14], [sflag:$0x1], $0x80, v4, vm0, $0xb8;
	[tilespmem:$0x10100] =	vst v63  }
0xac: {  	_ = 	snop  }
0xad: {  	[hbm4b:s3+s2] =	stream.indirect_vreg.scatter [tilespmem:s15], [sflag:$0x1], $0x80, v3, vm0, $0xb8;
	[tilespmem:$0x10100] =	vst v63  }
0xae: {  	_ = 	snop  }
0xaf: {  	[hbm4b:s4+s2] =	stream.indirect_vreg.scatter [tilespmem:s16], [sflag:$0x1], $0x80, v3, vm0, $0xb8;
	[tilespmem:$0x10100] =	vst v63  }
0xb0: {  	_ = 	snop  }
0xb1: {  	[hbm4b:s5+s2] =	stream.indirect_vreg.scatter [tilespmem:s17], [sflag:$0x1], $0x80, v3, vm0, $0xb8;
	[tilespmem:$0x10100] =	vst v63  }
0xb2: {  	_ = 	snop  }
0xb3: {  	[hbm4b:s6+s2] =	stream.indirect_vreg.scatter [tilespmem:s9], [sflag:$0x1], $0x80, v3, vm0, $0xb8;
	[tilespmem:$0x10100] =	vst v63  }
0xb4: {  	v3 =	vld [tilespmem:$0xB0];
	_ =	sdelay $0x4  }
0xb5: {  	v63 =	vshll.u32 v3, $0x3  }
0xb6: {  	v3 =	vand.u32 $0x7, v3;
	v4 =	vand.u32 $0xFFFFFFC0, v63  }
0xb7: {  	v3 =	vor.u32 v3, v4  }
0xb8: {  	v4 =	vperm.xlane v3, v0;
	_ =	sdelay $0x1  }
0xb9: {  	v4 =	vadd.s32 v1, v4;
	_ =	sdelay $0x3  }
0xba: {  	s19 =	simm.s32 $0xC100  }
0xbb: {  	[hbm4b:s3+s2] =	stream.indirect_vreg.scatter [tilespmem:s19], [sflag:$0x1], $0x80, v4, vm0, $0xb8;
	[tilespmem:$0x10100] =	vst v63  }
0xbc: {  	s20 =	simm.s32 $0xC900;
	v3 =	vperm.xlane v3, v2  }
0xbd: {  	[hbm4b:s4+s2] =	stream.indirect_vreg.scatter [tilespmem:s20], [sflag:$0x1], $0x80, v4, vm0, $0xb8;
	[tilespmem:$0x10100] =	vst v63  }
0xbe: {  	v3 =	vadd.s32 v1, v3;
	s19 =	simm.s32 $0xD100  }
0xbf: {  	[hbm4b:s5+s2] =	stream.indirect_vreg.scatter [tilespmem:s19], [sflag:$0x1], $0x80, v4, vm0, $0xb8;
	[tilespmem:$0x10100] =	vst v63  }
0xc0: {  	s20 =	simm.s32 $0xD900  }
0xc1: {  	[hbm4b:s6+s2] =	stream.indirect_vreg.scatter [tilespmem:s20], [sflag:$0x1], $0x80, v4, vm0, $0xb8;
	[tilespmem:$0x10100] =	vst v63  }
0xc2: {  	s19 =	simm.s32 $0xE100  }
0xc3: {  	[hbm4b:s3+s2] =	stream.indirect_vreg.scatter [tilespmem:s19], [sflag:$0x1], $0x80, v3, vm0, $0xb8;
	[tilespmem:$0x10100] =	vst v63  }
0xc4: {  	s20 =	simm.s32 $0xE900  }
0xc5: {  	[hbm4b:s4+s2] =	stream.indirect_vreg.scatter [tilespmem:s20], [sflag:$0x1], $0x80, v3, vm0, $0xb8;
	[tilespmem:$0x10100] =	vst v63  }
0xc6: {  	s19 =	simm.s32 $0xF100  }
0xc7: {  	[hbm4b:s5+s2] =	stream.indirect_vreg.scatter [tilespmem:s19], [sflag:$0x1], $0x80, v3, vm0, $0xb8;
	[tilespmem:$0x10100] =	vst v63  }
0xc8: {  	s20 =	simm.s32 $0x1  }
0xc9: {  	[hbm4b:s6+s2] =	stream.indirect_vreg.scatter [tilespmem:s0], [sflag:$0x1], $0x80, v3, vm0, $0xb8;
	[tilespmem:$0x10100] =	vst v63  }
0xca: {  	p0 =	sne.s32 s7, $0x1;
	_ =	swait.ge [sflag:s20], $0x10000  }
.Ltmp0:
0xcb: {  	[sflag:s20] =	ssyncset.done $0x0;
	(pc) =	sbr.rel @p0 .LBB2_1-.Ltmp0, $4  }
0xcc: {  	[sflag:s20] =	ssyncadd.s32 $0xFFFF0000  }
0xcd: {  	_ =	swait.ge [sflag:s20], $0x10000  }
0xce: {  	[sflag:s20] =	ssyncset.done $0x0  }
0xcf: {  	s7 =	sadd.s32 $0xFFFFFFFF, s7;
	[sflag:s20] =	ssyncadd.s32 $0xFFFF0000  }
0xd0: {  	_ =	sfence.sel $0x180000  }
0xd1: {  	[bflag:$0x0] =	sbarrier.arrive $0xFFFF  }
0xd2: {  	_ =	strace $0x9000004A  }
0xd3: {  	s0 =	stileid.u32;
	[bflag:$0x2] =	sbarrier.arrive $0xFFFF  }
0xd4: {  	p0 =	sne.s32 s0, $0x0;
	s0 =	rddreg [dreg:$0x2]  }
0xd5: {  	s0 =	sadd.s32 @!p0 $0x100000, s0  }
0xd6: {  	[sflag:s0] =	ssyncadd.tile.s32 @!p0 $0x1;
	_ =	shalt  }
.Lfunc_end2:
_tile_overlayer_lowered:
.L_overlay_start_2:
0xd7: {  	(tag) =	ssettag $0x2  }
0xd8: {  	s0 =	rddreg [dreg:$0x0];
	s2 =	stileid.u32  }
0xd9: {  	s1 =	rddreg [dreg:$0x1];
	p0 =	sne.s32 s2, $0x0  }
0xda: {  	s3 =	rddreg [dreg:$0x2];
	[bflag:$0x3] =	sbarrier.arrive $0xFFFF;
	s2 =	simm.s32 @!p0 $0x1C02  }
0xdb: {  	[timem:s3], [sflag:s2] =	dma.local @!p0 [hbm:s0], s1  }
0xdc: {  	s0 =	simm.s32 @!p0 $0x2  }
0xdd: {  	_ =	swait.ge @!p0 [sflag:s0], s1  }
0xde: {  	s1 =	ssub.s32 @!p0 $0x0, s1;
	[sflag:s0] =	ssyncset.done @!p0 $0x0  }
0xdf: {  	[sflag:s0] =	ssyncadd.s32 @!p0 s1  }
0xe0: {  	[bflag:$0x3] =	sbarrier.arrive $0xFFFF  }
0xe1: {  	_ =	shalt  }

// kernel: kernel.21.cloned.1.call-start
scs
__scs_entry_jumppad:
0x0: {  	(pc) =	sbr.rel $0x88, $3  }
0x1: {  	(tag) =	ssettag $0x0;
	lr =	simm.s32 $0x1  }
0x2: {  	[smem:$0x3F97] =	sst lr;
	_ =	strace $0xD0000000  }
0x3: {  	_ = 	snop  }
0x4: {  	_ = 	snop  }
0x5: {  	_ = 	snop  }
0x6: {  	_ = 	snop  }
0x7: {  	_ = 	snop  }
__scs_overlays_trampoline_lowered:
0x8: {  	[smem:$0x3FA6] =	sst s0  }
0x9: {  	[smem:$0x3FA7] =	sst s1  }
0xa: {  	[smem:$0x3FA8] =	sst s2  }
0xb: {  	[smem:$0x3FA9] =	sst s3  }
0xc: {  	[smem:$0x3FAA] =	sst s4  }
0xd: {  	[smem:$0x3FAB] =	sst s5  }
0xe: {  	[smem:$0x3FAC] =	sst s6  }
0xf: {  	[smem:$0x3FAD] =	sst s7  }
0x10: {  	[smem:$0x3FAE] =	sst s8  }
0x11: {  	[smem:$0x3FAF] =	sst s9;
	s0 =	simm.s32 @!p0 $0x0  }
0x12: {  	s1 =	sld [smem:$0x3F95];
	s0 =	simm.s32 @p0 $0x1  }
0x13: {  	[smem:$0x3FB0] =	sst s0;
	s0 =	simm.s32 @!p1 $0x0  }
0x14: {  	s2 =	sld [smem:$0x3F94];
	s0 =	simm.s32 @p1 $0x1  }
0x15: {  	[smem:$0x3FB1] =	sst s0;
	s0 =	simm.s32 @!p2 $0x0  }
0x16: {  	s3 =	sld [smem:$0x3FDB];
	s0 =	simm.s32 @p2 $0x1  }
0x17: {  	s4 =	simm.s32 $0x1BF5;
	[smem:$0x3FB3] =	sst s0  }
0x18: {  	s0 =	sld [smem:$0x3F96];
	_ =	swait.ge [sflag:s4], $0x0  }
0x19: {  	s7 =	sld [smem:$0x3F97]  }
0x1a: {  	s8 =	sadd.s32 $0xFFFFE003, lr  }
0x1b: {  	s9 =	sadd.s32 $0xFFFFFEF7, lr;
	s5 =	simm.s32 $0xFFFFFFFF;
	p2 =	slt.u32 s8, $0xFFFFF086  }
0x1c: {  	p1 =	slt.u32 s9, $0xF7A;
	s5 =	simm.s32 @!p2 $0x0  }
0x1d: {  	s5 =	simm.s32 @p1 $0x1;
	p0 =	seq.s32 s7, s2  }
0x1e: {  	s7 =	smul.u32 @!p0 $0xF7A, s2;
	p2 =	seq.s32 @!p0 s5, $0x0  }
0x1f: {  	s9 =	smul.u32 $0xF7A, s1;
	s8 =	simm.s32 @!p0 $0x1BF5;
	p2 =	por !p2, p0  }
0x20: {  	[sflag:s8] =	ssyncset.s32 @!p0 $0xFFFFF086;
	s6 =	sadd.s32 @!p0 s3, s7;
	s7 =	simm.s32 @!p0 $0x108  }
0x21: {  	s3 =	sadd.s32 s3, s9;
	s6 =	sadd.s32 @!p0 $0x88, s6;
	s7 =	simm.s32 @p2 $0x1082  }
0x22: {  	[simem:s7], [sflag:s8] =	dma.local @!p0 [hbm:s6], $0xF7A  }
0x23: {  	s9 =	sor.u32 $0xD0000000, s2;
	s6 =	simm.s32 $0x108;
	_ =	swait.ge @!p0 [sflag:s8], $0x0  }
0x24: {  	s3 =	sadd.s32 $0x88, s3;
	s6 =	simm.s32 @!p1 $0x1082;
	[sflag:s4] =	ssyncset.s32 $0xFFFFF086  }
0x25: {  	[simem:s6], [sflag:s4] =	dma.local [hbm:s3], $0xF7A  }
0x26: {  	[smem:$0x3F97] =	sst s1;
	(tag) =	ssettag s2;
	_ =	strace s9  }
0x27: {  	s1 =	sld [smem:$0x3FA7]  }
0x28: {  	s2 =	sld [smem:$0x3FA8]  }
0x29: {  	s4 =	sld [smem:$0x3FAA]  }
0x2a: {  	p0 =	seq.s32 s5, $0x0;
	s5 =	sld [smem:$0x3FAB]  }
0x2b: {  	s6 =	sld [smem:$0x3FAC]  }
0x2c: {  	s7 =	sld [smem:$0x3FAD]  }
0x2d: {  	s3 =	simm.s32 $0x108;
	s8 =	sld [smem:$0x3FAE]  }
0x2e: {  	s3 =	simm.s32 @!p0 $0x1082;
	s9 =	sld [smem:$0x3FAF]  }
0x2f: {  	lr =	sadd.s32 s0, s3;
	s0 =	sld [smem:$0x3FA6]  }
0x30: {  	s3 =	sld [smem:$0x3FA9]  }
0x31: {  	[smem:$0x3FB2] =	sst s10  }
0x32: {  	s10 =	sld [smem:$0x3FB0];
	_ =	sdelay $0x3  }
0x33: {  	p0 =	seq.s32 s10, $0x1;
	s10 =	sld [smem:$0x3FB2];
	_ =	sdelay $0x3  }
0x34: {  	[smem:$0x3FB2] =	sst s10  }
0x35: {  	s10 =	sld [smem:$0x3FB1];
	_ =	sdelay $0x3  }
0x36: {  	p1 =	seq.s32 s10, $0x1;
	s10 =	sld [smem:$0x3FB2];
	_ =	sdelay $0x3  }
0x37: {  	[smem:$0x3FB2] =	sst s10  }
0x38: {  	s10 =	sld [smem:$0x3FB3]  }
0x39: {  	_ = 	snop;
	(pc) =	sbr.ind lr, $3  }
0x3a: {  	_ = 	snop  }
0x3b: {  	_ = 	snop  }
0x3c: {  	p2 =	seq.s32 s10, $0x1;
	s10 =	sld [smem:$0x3FB2]  }
0x3d: {  	_ =	shalt  }
0x3e: {  	_ =	shalt  }
0x3f: {  	_ =	shalt  }
0x40: {  	_ =	shalt  }
0x41: {  	_ =	shalt  }
0x42: {  	_ =	shalt  }
0x43: {  	_ =	shalt  }
0x44: {  	_ =	shalt  }
0x45: {  	_ =	shalt  }
0x46: {  	_ =	shalt  }
0x47: {  	_ =	shalt  }
0x48: {  	_ =	shalt  }
0x49: {  	_ =	shalt  }
0x4a: {  	_ =	shalt  }
0x4b: {  	_ =	shalt  }
0x4c: {  	_ =	shalt  }
0x4d: {  	_ =	shalt  }
0x4e: {  	_ =	shalt  }
0x4f: {  	_ =	shalt  }
0x50: {  	_ =	shalt  }
0x51: {  	_ =	shalt  }
0x52: {  	_ =	shalt  }
0x53: {  	_ =	shalt  }
0x54: {  	_ =	shalt  }
0x55: {  	_ =	shalt  }
0x56: {  	_ =	shalt  }
0x57: {  	_ =	shalt  }
0x58: {  	_ =	shalt  }
0x59: {  	_ =	shalt  }
0x5a: {  	_ =	shalt  }
0x5b: {  	_ =	shalt  }
0x5c: {  	_ =	shalt  }
0x5d: {  	_ =	shalt  }
0x5e: {  	_ =	shalt  }
0x5f: {  	_ =	shalt  }
0x60: {  	_ =	shalt  }
0x61: {  	_ =	shalt  }
0x62: {  	_ =	shalt  }
0x63: {  	_ =	shalt  }
0x64: {  	_ =	shalt  }
0x65: {  	_ =	shalt  }
0x66: {  	_ =	shalt  }
0x67: {  	_ =	shalt  }
0x68: {  	_ =	shalt  }
0x69: {  	_ =	shalt  }
0x6a: {  	_ =	shalt  }
0x6b: {  	_ =	shalt  }
0x6c: {  	_ =	shalt  }
0x6d: {  	_ =	shalt  }
0x6e: {  	_ =	shalt  }
0x6f: {  	_ =	shalt  }
0x70: {  	_ =	shalt  }
0x71: {  	_ =	shalt  }
0x72: {  	_ =	shalt  }
0x73: {  	_ =	shalt  }
0x74: {  	_ =	shalt  }
0x75: {  	_ =	shalt  }
0x76: {  	_ =	shalt  }
0x77: {  	_ =	shalt  }
0x78: {  	_ =	shalt  }
0x79: {  	_ =	shalt  }
0x7a: {  	_ =	shalt  }
0x7b: {  	_ =	shalt  }
0x7c: {  	_ =	shalt  }
0x7d: {  	_ =	shalt  }
0x7e: {  	_ =	shalt  }
0x7f: {  	_ =	shalt  }
0x80: {  	_ =	shalt  }
0x81: {  	_ =	shalt  }
0x82: {  	_ =	shalt  }
0x83: {  	_ =	shalt  }
0x84: {  	_ =	shalt  }
0x85: {  	_ =	shalt  }
0x86: {  	_ =	shalt  }
0x87: {  	_ =	shalt  }
.Lfunc_end0:
.L_simem_size_0:
called_computation.2_lowered:
.L_overlay_start_0:
0x88: {  	s2 =	sld [smem:$0x3FD9]  }
0x89: {  	s3 =	sld [smem:$0x3FFE];
	_ =	sdelay $0x1  }
0x8a: {  	s1 =	srdreg.scid  }
0x8b: {  	s0 =	sand.u32 $0x1, s1  }
0x8c: {  	s16 =	sshll.u32 s0, $0xA;
	s2 =	sadd.s32 s3, s2  }
0x8d: {  	s2 =	sadd.s32 s2, s16  }
0x8e: {  	[smem:$0x3FBE] =	sst s2  }
0x8f: {  	_ = 	snop  }
0x90: {  	(tm) =	ssettm $0x1  }
0x91: {  	s17 =	sld [smem:$0x3FFB];
	_ =	sdelay $0x3  }
0x92: {  	_ =	strace s17  }
0x93: {  	s2 =	sld [smem:$0x3FFC];
	_ =	sdelay $0x3  }
0x94: {  	_ =	strace s2  }
0x95: {  	s2 =	sld [smem:$0x3FFD];
	_ =	sdelay $0x3  }
0x96: {  	_ =	strace s2  }
0x97: {  	_ =	strace $0x8FFFFFFF  }
0x98: {  	s18 =	sld [smem:$0x3FDB];
	_ =	sdelay $0x1  }
0x99: {  	s19 =	simm.s32 $_scs_section_size  }
0x9a: {  	s4 =	simm.s32 $_size__tile_overlayer_lowered;
	s5 =	simm.s32 $_tile_overlayer_lowered  }
0x9b: {  	s22 =	simm.s32 $0x1BFF;
	s21 =	sshll.u32 s5, $0x1;
	s2 =	sadd.s32 s19, s18  }
0x9c: {  	s6 =	simm.s32 $0x0;
	s20 =	sshll.u32 s4, $0x1;
	s4 =	sadd.s32 s21, s2  }
0x9d: {  	[timem:s6], [sflag:s22] =	dma.local [hbm:s4], s20  }
0x9e: {  	_ =	swait.ge [sflag:s22], s20  }
0x9f: {  	s3 =	ssub.s32 $0x0, s20;
	[sflag:s22] =	ssyncset.done $0x0  }
0xa0: {  	[sflag:s22] =	ssyncadd.s32 s3;
	_ =	sdelay $0x1  }
0xa1: {  	s23 =	simm.s32 $0x1B8B  }
0xa2: {  	_ =	swait.ge [sflag:s23], $0x1  }
0xa3: {  	[sflag:s23] =	ssyncset.done $0x0  }
0xa4: {  	s25 =	simm.s32 $0x1B8E;
	s24 =	sld [smem:$0x3FFE];
	[sflag:s23] =	ssyncadd.s32 $0xFFFFFFFF  }
0xa5: {  	s26 =	simm.s32 $execute0_lowered;
	[smem:$0x3FD2] =	sst s25  }
0xa6: {  	s4 =	sshll.u32 s26, $0x1;
	_ =	strace $0x8000004C;
	[dreg:$0x1] =	wrdreg $0xFFFFFFFF  }
0xa7: {  	s28 =	simm.s32 $_size_execute0_lowered;
	s2 =	sadd.s32 s2, s4;
	[dreg:$0x0] =	wrdreg $0x0  }
0xa8: {  	s4 =	sshll.u32 s28, $0x1;
	[dreg:$0x2] =	wrdreg s2  }
0xa9: {  	[dreg:$0x3] =	wrdreg s4  }
0xaa: {  	[dreg:$0x4] =	wrdreg $0xC0  }
0xab: {  	_ =	task [dreg:s6], $0x5FFFF  }
0xac: {  	[dreg:$0x1] =	wrdreg $0xFFFFFFFF  }
0xad: {  	[dreg:$0x0] =	wrdreg $0x60  }
0xae: {  	[dreg:$0x2] =	wrdreg s24  }
0xaf: {  	[dreg:$0x3] =	wrdreg $0x9  }
0xb0: {  	_ =	task.clear_ibuf [dreg:s6], $0x4FFFF;
	_ =	strace $0x9000004C  }
0xb1: {  	s29 =	simm.s32 $0x9;
	_ =	strace $0x8000004E  }
0xb2: {  	_ =	swait.ge [sflag:s29], $0x1  }
0xb3: {  	[sflag:s29] =	ssyncadd.s32 $0xFFFFFFFF  }
0xb4: {  	_ =	strace $0x9000004E  }
0xb5: {  	_ =	sfence  }
0xb6: {  	s30 =	sld [smem:$0x0];
	_ =	sdelay $0x2  }
0xb7: {  	s31 =	sshll.u32 s1, $0xD;
	s1 =	sshrl.u32 s1, $0x2  }
0xb8: {  	s3 =	sand.u32 $0x4000, s31;
	s1 =	sadd.s32 s1, s30  }
0xb9: {  	s0 =	sor.u32 s3, s0;
	s1 =	sshll.u32 s1, $0x11  }
0xba: {  	s0 =	sor.u32 s1, s0  }
0xbb: {  	s0 =	sadd.s32 $0x8F2B, s0  }
0xbc: {  	[sflag:s0] =	ssyncadd.remote.s32 $0x1  }
0xbd: {  	_ =	sfence.sel $0xFFFF  }
0xbe: {  	[dreg:$0x0] =	wrdreg $0xFFFFFFFF;
	(pc) =	sbr.abs _section_cstart, $3  }
0xbf: {  	[dreg:$0x1] =	wrdreg $0xFFFFFFFF  }
0xc0: {  	_ =	task.clear_ibuf [dreg:s6], $0x2FFFF;
	_ =	strace $0x9FFFFFFF  }
0xc1: {  	(tm) =	ssettm $0x7FFFFFFF  }
tec
execute0_lowered:
.L_overlay_start_1:
0x0: {  	(tag) =	ssettag $0x1  }
0x1: {  	s0 =	rddreg [dreg:$0x0];
	s1 =	srdreg.scid  }
0x2: {  	s2 =	simm.s32 $0x0;
	s3 =	stileid.u32;
	s18 =	simm.s32 $0x1  }
0x3: {  	s20 =	simm.s32 $0x880;
	s21 =	simm.s32 $0x1080;
	s22 =	simm.s32 $0x1880  }
0x4: {  	s28 =	simm.s32 $0x4080;
	s29 =	simm.s32 $0x4880;
	s30 =	simm.s32 $0x5080  }
0x5: {  	s31 =	simm.s32 $0x5880;
	s10 =	simm.s32 $0x7080;
	s11 =	simm.s32 $0x7880  }
0x6: {  	s12 =	simm.s32 $0x8080;
	s13 =	simm.s32 $0x8880;
	s14 =	simm.s32 $0x9080  }
0x7: {  	s15 =	simm.s32 $0x9880;
	s16 =	simm.s32 $0xA080;
	s17 =	simm.s32 $0xA880  }
0x8: {  	s9 =	simm.s32 $0xB080;
	s1 =	sand.u32 $0x1, s1;
	[smem:$0x7FF] =	sst s2  }
0x9: {  	s3 =	sshll.u32 s3, $0x7;
	s4 =	sshll.u32 s1, $0x6;
	_ =	strace $0x8000004D  }
0xa: {  	s1 =	ssub.s32 $0x2, s1;
	s4 =	sor.u32 s4, s3;
	s3 =	sadd.s32 $0xFB400, s0  }
0xb: {  	s23 =	sshrl.u32 s1, $0x1;
	s5 =	sshrl.u32 s4, $0x3;
	s4 =	sshll.u32 s4, $0x7  }
0xc: {  	s1 =	ssub.s32 s1, s23;
	s23 =	simm.s32 $0x2080;
	s6 =	sadd.s32 s5, s0  }
0xd: {  	s7 =	sadd.s32 s4, s0;
	s4 =	sadd.s32 $0xFB500, s0;
	s24 =	sadd.s32 $0xB000, s6  }
0xe: {  	s5 =	sadd.s32 $0xFB600, s0;
	s8 =	sadd.s32 $0xB400, s7;
	[dreg:$0x2] =	wrdreg s24  }
0xf: {  	s25 =	sadd.s32 $0xB200, s6;
	s6 =	sadd.s32 $0xFB700, s0;
	[dreg:$0x3] =	wrdreg s8  }
0x10: {  	v2 =	vlaneseq.u32;
	s26 =	sadd.s32 $0x4B400, s7;
	s7 =	smax.u32 s1, $0x1;
	[dreg:$0x4] =	wrdreg s25  }
0x11: {  	vm0 =	vmmov $0xffff;
	v1 =	vshrl.u32 v2, $0x3;
	s0 =	simm.s32 $0x80;
	[dreg:$0x5] =	wrdreg s26;
	s8 =	simm.s32 $0x2  }
0x12: {  	v0 =	vand.u32 $0x7, v2;
	v2 =	vor.u32 $0x8, v2;
	v1 =	vmul.u32 $0x8, v1;
	s24 =	simm.s32 $0x2880;
	s25 =	simm.s32 $0x3080;
	s26 =	simm.s32 $0x3880  }
.LBB2_1:
0x13: {  	s19 =	rddreg [dreg:$0x2]  }
0x14: {  	[tilespmem:s2], [sflag:$0x2] =	stream.linear.gather [hbm4b:s19+s2], $0x40, $0x38;
	[tilespmem:$0x10080] =	vst v63  }
0x15: {  	_ =	swait.ge [sflag:s8], $0x40  }
0x16: {  	[sflag:s8] =	ssyncset.done $0x0  }
0x17: {  	[sflag:s8] =	ssyncadd.s32 $0xFFFFFFC0  }
0x18: {  	v3 =	vld [tilespmem:$0x0];
	_ =	sdelay $0x4  }
0x19: {  	v4 =	vshll.u32 v3, $0x3  }
0x1a: {  	v3 =	vand.u32 $0x7, v3;
	v4 =	vand.u32 $0xFFFFFFC0, v4  }
0x1b: {  	v3 =	vor.u32 v3, v4  }
0x1c: {  	v4 =	vperm.xlane v3, v0;
	_ =	sdelay $0x1  }
0x1d: {  	v4 =	vadd.s32 v1, v4;
	_ =	sdelay $0x4  }
0x1e: {  	[tilespmem:s0], [sflag:$0x1] =	stream.indirect_vreg.gather [hbm4b:s3+s2], $0x80, v4, vm0, $0xb8;
	[tilespmem:$0x10080] =	vst v63  }
0x1f: {  	v3 =	vperm.xlane v3, v2  }
0x20: {  	[tilespmem:s20], [sflag:$0x1] =	stream.indirect_vreg.gather [hbm4b:s4+s2], $0x80, v4, vm0, $0xb8;
	[tilespmem:$0x10080] =	vst v63  }
0x21: {  	v3 =	vadd.s32 v1, v3  }
0x22: {  	[tilespmem:s21], [sflag:$0x1] =	stream.indirect_vreg.gather [hbm4b:s5+s2], $0x80, v4, vm0, $0xb8;
	[tilespmem:$0x10080] =	vst v63  }
0x23: {  	_ = 	snop  }
0x24: {  	[tilespmem:s22], [sflag:$0x1] =	stream.indirect_vreg.gather [hbm4b:s6+s2], $0x80, v4, vm0, $0xb8;
	[tilespmem:$0x10080] =	vst v63  }
0x25: {  	_ = 	snop  }
0x26: {  	[tilespmem:s23], [sflag:$0x1] =	stream.indirect_vreg.gather [hbm4b:s3+s2], $0x80, v3, vm0, $0xb8;
	[tilespmem:$0x10080] =	vst v63  }
0x27: {  	_ = 	snop  }
0x28: {  	[tilespmem:s24], [sflag:$0x1] =	stream.indirect_vreg.gather [hbm4b:s4+s2], $0x80, v3, vm0, $0xb8;
	[tilespmem:$0x10080] =	vst v63  }
0x29: {  	_ = 	snop  }
0x2a: {  	[tilespmem:s25], [sflag:$0x1] =	stream.indirect_vreg.gather [hbm4b:s5+s2], $0x80, v3, vm0, $0xb8;
	[tilespmem:$0x10080] =	vst v63  }
0x2b: {  	_ = 	snop  }
0x2c: {  	[tilespmem:s26], [sflag:$0x1] =	stream.indirect_vreg.gather [hbm4b:s6+s2], $0x80, v3, vm0, $0xb8;
	[tilespmem:$0x10080] =	vst v63  }
0x2d: {  	v3 =	vld [tilespmem:$0x10];
	_ =	sdelay $0x4  }
0x2e: {  	v57 =	vshll.u32 v3, $0x3  }
0x2f: {  	v3 =	vand.u32 $0x7, v3;
	v4 =	vand.u32 $0xFFFFFFC0, v57  }
0x30: {  	v3 =	vor.u32 v3, v4  }
0x31: {  	v4 =	vperm.xlane v3, v0;
	_ =	sdelay $0x1  }
0x32: {  	v4 =	vadd.s32 v1, v4;
	_ =	sdelay $0x4  }
0x33: {  	[tilespmem:s28], [sflag:$0x1] =	stream.indirect_vreg.gather [hbm4b:s3+s2], $0x80, v4, vm0, $0xb8;
	[tilespmem:$0x10080] =	vst v63  }
0x34: {  	v3 =	vperm.xlane v3, v2  }
0x35: {  	[tilespmem:s29], [sflag:$0x1] =	stream.indirect_vreg.gather [hbm4b:s4+s2], $0x80, v4, vm0, $0xb8;
	[tilespmem:$0x10080] =	vst v63  }
0x36: {  	v3 =	vadd.s32 v1, v3  }
0x37: {  	[tilespmem:s30], [sflag:$0x1] =	stream.indirect_vreg.gather [hbm4b:s5+s2], $0x80, v4, vm0, $0xb8;
	[tilespmem:$0x10080] =	vst v63  }
0x38: {  	_ = 	snop  }
0x39: {  	[tilespmem:s31], [sflag:$0x1] =	stream.indirect_vreg.gather [hbm4b:s6+s2], $0x80, v4, vm0, $0xb8;
	[tilespmem:$0x10080] =	vst v63  }
0x3a: {  	s1 =	simm.s32 $0x6080  }
0x3b: {  	[tilespmem:s1], [sflag:$0x1] =	stream.indirect_vreg.gather [hbm4b:s3+s2], $0x80, v3, vm0, $0xb8;
	[tilespmem:$0x10080] =	vst v63  }
0x3c: {  	s1 =	simm.s32 $0x6880  }
0x3d: {  	[tilespmem:s1], [sflag:$0x1] =	stream.indirect_vreg.gather [hbm4b:s4+s2], $0x80, v3, vm0, $0xb8;
	[tilespmem:$0x10080] =	vst v63  }
0x3e: {  	_ = 	snop  }
0x3f: {  	[tilespmem:s10], [sflag:$0x1] =	stream.indirect_vreg.gather [hbm4b:s5+s2], $0x80, v3, vm0, $0xb8;
	[tilespmem:$0x10080] =	vst v63  }
0x40: {  	_ = 	snop  }
0x41: {  	[tilespmem:s11], [sflag:$0x1] =	stream.indirect_vreg.gather [hbm4b:s6+s2], $0x80, v3, vm0, $0xb8;
	[tilespmem:$0x10080] =	vst v63  }
0x42: {  	v3 =	vld [tilespmem:$0x20];
	_ =	sdelay $0x4  }
0x43: {  	v58 =	vshll.u32 v3, $0x3  }
0x44: {  	v3 =	vand.u32 $0x7, v3;
	v4 =	vand.u32 $0xFFFFFFC0, v58  }
0x45: {  	v3 =	vor.u32 v3, v4  }
0x46: {  	v4 =	vperm.xlane v3, v0;
	_ =	sdelay $0x1  }
0x47: {  	v4 =	vadd.s32 v1, v4;
	_ =	sdelay $0x4  }
0x48: {  	[tilespmem:s12], [sflag:$0x1] =	stream.indirect_vreg.gather [hbm4b:s3+s2], $0x80, v4, vm0, $0xb8;
	[tilespmem:$0x10080] =	vst v63  }
0x49: {  	v3 =	vperm.xlane v3, v2  }
0x4a: {  	[tilespmem:s13], [sflag:$0x1] =	stream.indirect_vreg.gather [hbm4b:s4+s2], $0x80, v4, vm0, $0xb8;
	[tilespmem:$0x10080] =	vst v63  }
0x4b: {  	v3 =	vadd.s32 v1, v3  }
0x4c: {  	[tilespmem:s14], [sflag:$0x1] =	stream.indirect_vreg.gather [hbm4b:s5+s2], $0x80, v4, vm0, $0xb8;
	[tilespmem:$0x10080] =	vst v63  }
0x4d: {  	_ = 	snop  }
0x4e: {  	[tilespmem:s15], [sflag:$0x1] =	stream.indirect_vreg.gather [hbm4b:s6+s2], $0x80, v4, vm0, $0xb8;
	[tilespmem:$0x10080] =	vst v63  }
0x4f: {  	_ = 	snop  }
0x50: {  	[tilespmem:s16], [sflag:$0x1] =	stream.indirect_vreg.gather [hbm4b:s3+s2], $0x80, v3, vm0, $0xb8;
	[tilespmem:$0x10080] =	vst v63  }
0x51: {  	_ = 	snop  }
0x52: {  	[tilespmem:s17], [sflag:$0x1] =	stream.indirect_vreg.gather [hbm4b:s4+s2], $0x80, v3, vm0, $0xb8;
	[tilespmem:$0x10080] =	vst v63  }
0x53: {  	_ = 	snop  }
0x54: {  	[tilespmem:s9], [sflag:$0x1] =	stream.indirect_vreg.gather [hbm4b:s5+s2], $0x80, v3, vm0, $0xb8;
	[tilespmem:$0x10080] =	vst v63  }
0x55: {  	s19 =	simm.s32 $0xB880  }
0x56: {  	[tilespmem:s19], [sflag:$0x1] =	stream.indirect_vreg.gather [hbm4b:s6+s2], $0x80, v3, vm0, $0xb8;
	[tilespmem:$0x10080] =	vst v63  }
0x57: {  	v3 =	vld [tilespmem:$0x30];
	_ =	sdelay $0x4  }
0x58: {  	v59 =	vshll.u32 v3, $0x3  }
0x59: {  	v3 =	vand.u32 $0x7, v3;
	v4 =	vand.u32 $0xFFFFFFC0, v59  }
0x5a: {  	v3 =	vor.u32 v3, v4  }
0x5b: {  	v4 =	vperm.xlane v3, v0;
	_ =	sdelay $0x1  }
0x5c: {  	v4 =	vadd.s32 v1, v4;
	_ =	sdelay $0x3  }
0x5d: {  	s19 =	simm.s32 $0xC080  }
0x5e: {  	[tilespmem:s19], [sflag:$0x1] =	stream.indirect_vreg.gather [hbm4b:s3+s2], $0x80, v4, vm0, $0xb8;
	[tilespmem:$0x10080] =	vst v63  }
0x5f: {  	v3 =	vperm.xlane v3, v2;
	s19 =	simm.s32 $0xC880  }
0x60: {  	[tilespmem:s19], [sflag:$0x1] =	stream.indirect_vreg.gather [hbm4b:s4+s2], $0x80, v4, vm0, $0xb8;
	[tilespmem:$0x10080] =	vst v63  }
0x61: {  	v3 =	vadd.s32 v1, v3;
	s19 =	simm.s32 $0xD080  }
0x62: {  	[tilespmem:s19], [sflag:$0x1] =	stream.indirect_vreg.gather [hbm4b:s5+s2], $0x80, v4, vm0, $0xb8;
	[tilespmem:$0x10080] =	vst v63  }
0x63: {  	s19 =	simm.s32 $0xD880  }
0x64: {  	[tilespmem:s19], [sflag:$0x1] =	stream.indirect_vreg.gather [hbm4b:s6+s2], $0x80, v4, vm0, $0xb8;
	[tilespmem:$0x10080] =	vst v63  }
0x65: {  	s19 =	simm.s32 $0xE080  }
0x66: {  	[tilespmem:s19], [sflag:$0x1] =	stream.indirect_vreg.gather [hbm4b:s3+s2], $0x80, v3, vm0, $0xb8;
	[tilespmem:$0x10080] =	vst v63  }
0x67: {  	s19 =	simm.s32 $0xE880  }
0x68: {  	[tilespmem:s19], [sflag:$0x1] =	stream.indirect_vreg.gather [hbm4b:s4+s2], $0x80, v3, vm0, $0xb8;
	[tilespmem:$0x10080] =	vst v63  }
0x69: {  	s19 =	simm.s32 $0xF080  }
0x6a: {  	[tilespmem:s19], [sflag:$0x1] =	stream.indirect_vreg.gather [hbm4b:s5+s2], $0x80, v3, vm0, $0xb8;
	[tilespmem:$0x10080] =	vst v63  }
0x6b: {  	s19 =	simm.s32 $0xF880  }
0x6c: {  	[tilespmem:s19], [sflag:$0x1] =	stream.indirect_vreg.gather [hbm4b:s6+s2], $0x80, v3, vm0, $0xb8;
	[tilespmem:$0x10080] =	vst v63  }
0x6d: {  	_ =	swait.ge [sflag:s18], $0x10000  }
0x6e: {  	[sflag:s18] =	ssyncset.done $0x0  }
0x6f: {  	s19 =	rddreg [dreg:$0x3];
	[sflag:s18] =	ssyncadd.s32 $0xFFFF0000  }
0x70: {  	[hbm4b:s19+s2] =	stream.linear.scatter [tilespmem:s0], [sflag:$0x2], $0x10000, $0x38;
	[tilespmem:$0x10080] =	vst v63  }
0x71: {  	_ =	swait.ge [sflag:s8], $0x10000  }
0x72: {  	[sflag:s8] =	ssyncset.done $0x0  }
0x73: {  	s19 =	rddreg [dreg:$0x4];
	[sflag:s8] =	ssyncadd.s32 $0xFFFF0000  }
0x74: {  	[tilespmem:s2], [sflag:$0x2] =	stream.linear.gather [hbm4b:s19+s2], $0x40, $0x38;
	[tilespmem:$0x10080] =	vst v63  }
0x75: {  	_ =	swait.ge [sflag:s8], $0x40  }
0x76: {  	[sflag:s8] =	ssyncset.done $0x0  }
0x77: {  	[sflag:s8] =	ssyncadd.s32 $0xFFFFFFC0  }
0x78: {  	v3 =	vld [tilespmem:$0x0];
	_ =	sdelay $0x4  }
0x79: {  	v60 =	vshll.u32 v3, $0x3  }
0x7a: {  	v3 =	vand.u32 $0x7, v3;
	v4 =	vand.u32 $0xFFFFFFC0, v60  }
0x7b: {  	v3 =	vor.u32 v3, v4  }
0x7c: {  	v4 =	vperm.xlane v3, v0;
	_ =	sdelay $0x1  }
0x7d: {  	v4 =	vadd.s32 v1, v4;
	_ =	sdelay $0x4  }
0x7e: {  	[tilespmem:s0], [sflag:$0x1] =	stream.indirect_vreg.gather [hbm4b:s3+s2], $0x80, v4, vm0, $0xb8;
	[tilespmem:$0x10080] =	vst v63  }
0x7f: {  	v3 =	vperm.xlane v3, v2  }
0x80: {  	[tilespmem:s20], [sflag:$0x1] =	stream.indirect_vreg.gather [hbm4b:s4+s2], $0x80, v4, vm0, $0xb8;
	[tilespmem:$0x10080] =	vst v63  }
0x81: {  	v3 =	vadd.s32 v1, v3  }
0x82: {  	[tilespmem:s21], [sflag:$0x1] =	stream.indirect_vreg.gather [hbm4b:s5+s2], $0x80, v4, vm0, $0xb8;
	[tilespmem:$0x10080] =	vst v63  }
0x83: {  	_ = 	snop  }
0x84: {  	[tilespmem:s22], [sflag:$0x1] =	stream.indirect_vreg.gather [hbm4b:s6+s2], $0x80, v4, vm0, $0xb8;
	[tilespmem:$0x10080] =	vst v63  }
0x85: {  	_ = 	snop  }
0x86: {  	[tilespmem:s23], [sflag:$0x1] =	stream.indirect_vreg.gather [hbm4b:s3+s2], $0x80, v3, vm0, $0xb8;
	[tilespmem:$0x10080] =	vst v63  }
0x87: {  	_ = 	snop  }
0x88: {  	[tilespmem:s24], [sflag:$0x1] =	stream.indirect_vreg.gather [hbm4b:s4+s2], $0x80, v3, vm0, $0xb8;
	[tilespmem:$0x10080] =	vst v63  }
0x89: {  	_ = 	snop  }
0x8a: {  	[tilespmem:s25], [sflag:$0x1] =	stream.indirect_vreg.gather [hbm4b:s5+s2], $0x80, v3, vm0, $0xb8;
	[tilespmem:$0x10080] =	vst v63  }
0x8b: {  	_ = 	snop  }
0x8c: {  	[tilespmem:s26], [sflag:$0x1] =	stream.indirect_vreg.gather [hbm4b:s6+s2], $0x80, v3, vm0, $0xb8;
	[tilespmem:$0x10080] =	vst v63  }
0x8d: {  	v3 =	vld [tilespmem:$0x10];
	_ =	sdelay $0x4  }
0x8e: {  	v61 =	vshll.u32 v3, $0x3  }
0x8f: {  	v3 =	vand.u32 $0x7, v3;
	v4 =	vand.u32 $0xFFFFFFC0, v61  }
0x90: {  	v3 =	vor.u32 v3, v4  }
0x91: {  	v4 =	vperm.xlane v3, v0;
	_ =	sdelay $0x1  }
0x92: {  	v4 =	vadd.s32 v1, v4;
	_ =	sdelay $0x4  }
0x93: {  	[tilespmem:s28], [sflag:$0x1] =	stream.indirect_vreg.gather [hbm4b:s3+s2], $0x80, v4, vm0, $0xb8;
	[tilespmem:$0x10080] =	vst v63  }
0x94: {  	v3 =	vperm.xlane v3, v2  }
0x95: {  	[tilespmem:s29], [sflag:$0x1] =	stream.indirect_vreg.gather [hbm4b:s4+s2], $0x80, v4, vm0, $0xb8;
	[tilespmem:$0x10080] =	vst v63  }
0x96: {  	v3 =	vadd.s32 v1, v3  }
0x97: {  	[tilespmem:s30], [sflag:$0x1] =	stream.indirect_vreg.gather [hbm4b:s5+s2], $0x80, v4, vm0, $0xb8;
	[tilespmem:$0x10080] =	vst v63  }
0x98: {  	_ = 	snop  }
0x99: {  	[tilespmem:s31], [sflag:$0x1] =	stream.indirect_vreg.gather [hbm4b:s6+s2], $0x80, v4, vm0, $0xb8;
	[tilespmem:$0x10080] =	vst v63  }
0x9a: {  	s19 =	simm.s32 $0x6080  }
0x9b: {  	[tilespmem:s19], [sflag:$0x1] =	stream.indirect_vreg.gather [hbm4b:s3+s2], $0x80, v3, vm0, $0xb8;
	[tilespmem:$0x10080] =	vst v63  }
0x9c: {  	_ = 	snop  }
0x9d: {  	[tilespmem:s1], [sflag:$0x1] =	stream.indirect_vreg.gather [hbm4b:s4+s2], $0x80, v3, vm0, $0xb8;
	[tilespmem:$0x10080] =	vst v63  }
0x9e: {  	_ = 	snop  }
0x9f: {  	[tilespmem:s10], [sflag:$0x1] =	stream.indirect_vreg.gather [hbm4b:s5+s2], $0x80, v3, vm0, $0xb8;
	[tilespmem:$0x10080] =	vst v63  }
0xa0: {  	_ = 	snop  }
0xa1: {  	[tilespmem:s11], [sflag:$0x1] =	stream.indirect_vreg.gather [hbm4b:s6+s2], $0x80, v3, vm0, $0xb8;
	[tilespmem:$0x10080] =	vst v63  }
0xa2: {  	v3 =	vld [tilespmem:$0x20];
	_ =	sdelay $0x4  }
0xa3: {  	v62 =	vshll.u32 v3, $0x3  }
0xa4: {  	v3 =	vand.u32 $0x7, v3;
	v4 =	vand.u32 $0xFFFFFFC0, v62  }
0xa5: {  	v3 =	vor.u32 v3, v4  }
0xa6: {  	v4 =	vperm.xlane v3, v0;
	_ =	sdelay $0x1  }
0xa7: {  	v4 =	vadd.s32 v1, v4;
	_ =	sdelay $0x4  }
0xa8: {  	[tilespmem:s12], [sflag:$0x1] =	stream.indirect_vreg.gather [hbm4b:s3+s2], $0x80, v4, vm0, $0xb8;
	[tilespmem:$0x10080] =	vst v63  }
0xa9: {  	v3 =	vperm.xlane v3, v2  }
0xaa: {  	[tilespmem:s13], [sflag:$0x1] =	stream.indirect_vreg.gather [hbm4b:s4+s2], $0x80, v4, vm0, $0xb8;
	[tilespmem:$0x10080] =	vst v63  }
0xab: {  	v3 =	vadd.s32 v1, v3  }
0xac: {  	[tilespmem:s14], [sflag:$0x1] =	stream.indirect_vreg.gather [hbm4b:s5+s2], $0x80, v4, vm0, $0xb8;
	[tilespmem:$0x10080] =	vst v63  }
0xad: {  	_ = 	snop  }
0xae: {  	[tilespmem:s15], [sflag:$0x1] =	stream.indirect_vreg.gather [hbm4b:s6+s2], $0x80, v4, vm0, $0xb8;
	[tilespmem:$0x10080] =	vst v63  }
0xaf: {  	_ = 	snop  }
0xb0: {  	[tilespmem:s16], [sflag:$0x1] =	stream.indirect_vreg.gather [hbm4b:s3+s2], $0x80, v3, vm0, $0xb8;
	[tilespmem:$0x10080] =	vst v63  }
0xb1: {  	_ = 	snop  }
0xb2: {  	[tilespmem:s17], [sflag:$0x1] =	stream.indirect_vreg.gather [hbm4b:s4+s2], $0x80, v3, vm0, $0xb8;
	[tilespmem:$0x10080] =	vst v63  }
0xb3: {  	_ = 	snop  }
0xb4: {  	[tilespmem:s9], [sflag:$0x1] =	stream.indirect_vreg.gather [hbm4b:s5+s2], $0x80, v3, vm0, $0xb8;
	[tilespmem:$0x10080] =	vst v63  }
0xb5: {  	s19 =	simm.s32 $0xB880  }
0xb6: {  	[tilespmem:s19], [sflag:$0x1] =	stream.indirect_vreg.gather [hbm4b:s6+s2], $0x80, v3, vm0, $0xb8;
	[tilespmem:$0x10080] =	vst v63  }
0xb7: {  	v3 =	vld [tilespmem:$0x30];
	_ =	sdelay $0x4  }
0xb8: {  	v63 =	vshll.u32 v3, $0x3  }
0xb9: {  	v3 =	vand.u32 $0x7, v3;
	v4 =	vand.u32 $0xFFFFFFC0, v63  }
0xba: {  	v3 =	vor.u32 v3, v4  }
0xbb: {  	v4 =	vperm.xlane v3, v0;
	_ =	sdelay $0x1  }
0xbc: {  	v4 =	vadd.s32 v1, v4;
	_ =	sdelay $0x3  }
0xbd: {  	s19 =	simm.s32 $0xC080  }
0xbe: {  	[tilespmem:s19], [sflag:$0x1] =	stream.indirect_vreg.gather [hbm4b:s3+s2], $0x80, v4, vm0, $0xb8;
	[tilespmem:$0x10080] =	vst v63  }
0xbf: {  	v3 =	vperm.xlane v3, v2;
	s19 =	simm.s32 $0xC880  }
0xc0: {  	[tilespmem:s19], [sflag:$0x1] =	stream.indirect_vreg.gather [hbm4b:s4+s2], $0x80, v4, vm0, $0xb8;
	[tilespmem:$0x10080] =	vst v63  }
0xc1: {  	v3 =	vadd.s32 v1, v3;
	s19 =	simm.s32 $0xD080  }
0xc2: {  	[tilespmem:s19], [sflag:$0x1] =	stream.indirect_vreg.gather [hbm4b:s5+s2], $0x80, v4, vm0, $0xb8;
	[tilespmem:$0x10080] =	vst v63  }
0xc3: {  	s19 =	simm.s32 $0xD880  }
0xc4: {  	[tilespmem:s19], [sflag:$0x1] =	stream.indirect_vreg.gather [hbm4b:s6+s2], $0x80, v4, vm0, $0xb8;
	[tilespmem:$0x10080] =	vst v63  }
0xc5: {  	s19 =	simm.s32 $0xE080  }
0xc6: {  	[tilespmem:s19], [sflag:$0x1] =	stream.indirect_vreg.gather [hbm4b:s3+s2], $0x80, v3, vm0, $0xb8;
	[tilespmem:$0x10080] =	vst v63  }
0xc7: {  	s19 =	simm.s32 $0xE880  }
0xc8: {  	[tilespmem:s19], [sflag:$0x1] =	stream.indirect_vreg.gather [hbm4b:s4+s2], $0x80, v3, vm0, $0xb8;
	[tilespmem:$0x10080] =	vst v63  }
0xc9: {  	s19 =	simm.s32 $0xF080  }
0xca: {  	[tilespmem:s19], [sflag:$0x1] =	stream.indirect_vreg.gather [hbm4b:s5+s2], $0x80, v3, vm0, $0xb8;
	[tilespmem:$0x10080] =	vst v63  }
0xcb: {  	s19 =	simm.s32 $0xF880  }
0xcc: {  	[tilespmem:s19], [sflag:$0x1] =	stream.indirect_vreg.gather [hbm4b:s6+s2], $0x80, v3, vm0, $0xb8;
	[tilespmem:$0x10080] =	vst v63  }
0xcd: {  	_ =	swait.ge [sflag:s18], $0x10000  }
0xce: {  	p0 =	sne.s32 s7, $0x1;
	[sflag:s18] =	ssyncset.done $0x0  }
.Ltmp0:
0xcf: {  	s1 =	rddreg [dreg:$0x5];
	[sflag:s18] =	ssyncadd.s32 $0xFFFF0000;
	(pc) =	sbr.rel @p0 .LBB2_1-.Ltmp0, $4  }
0xd0: {  	[hbm4b:s1+s2] =	stream.linear.scatter [tilespmem:s0], [sflag:$0x2], $0x10000, $0x38;
	[tilespmem:$0x10080] =	vst v63  }
0xd1: {  	_ =	swait.ge [sflag:s8], $0x10000  }
0xd2: {  	[sflag:s8] =	ssyncset.done $0x0  }
0xd3: {  	s7 =	sadd.s32 $0xFFFFFFFF, s7;
	[sflag:s8] =	ssyncadd.s32 $0xFFFF0000  }
0xd4: {  	_ =	sfence.sel $0x180000  }
0xd5: {  	[bflag:$0x0] =	sbarrier.arrive $0xFFFF  }
0xd6: {  	_ =	strace $0x9000004D  }
0xd7: {  	s0 =	stileid.u32;
	[bflag:$0x2] =	sbarrier.arrive $0xFFFF  }
0xd8: {  	p0 =	sne.s32 s0, $0x0;
	s0 =	rddreg [dreg:$0x1]  }
0xd9: {  	s0 =	sadd.s32 @!p0 $0x100000, s0  }
0xda: {  	[sflag:s0] =	ssyncadd.tile.s32 @!p0 $0x1;
	_ =	shalt  }
.Lfunc_end2:
_tile_overlayer_lowered:
.L_overlay_start_2:
0xdb: {  	(tag) =	ssettag $0x2  }
0xdc: {  	s0 =	rddreg [dreg:$0x0];
	s2 =	stileid.u32  }
0xdd: {  	s1 =	rddreg [dreg:$0x1];
	p0 =	sne.s32 s2, $0x0  }
0xde: {  	s3 =	rddreg [dreg:$0x2];
	[bflag:$0x3] =	sbarrier.arrive $0xFFFF;
	s2 =	simm.s32 @!p0 $0x1C02  }
0xdf: {  	[timem:s3], [sflag:s2] =	dma.local @!p0 [hbm:s0], s1  }
0xe0: {  	s0 =	simm.s32 @!p0 $0x2  }
0xe1: {  	_ =	swait.ge @!p0 [sflag:s0], s1  }
0xe2: {  	s1 =	ssub.s32 @!p0 $0x0, s1;
	[sflag:s0] =	ssyncset.done @!p0 $0x0  }
0xe3: {  	[sflag:s0] =	ssyncadd.s32 @!p0 s1  }
0xe4: {  	[bflag:$0x3] =	sbarrier.arrive $0xFFFF  }
0xe5: {  	_ =	shalt  }

// kernel: kernel.24.cloned.1.call-start
scs
__scs_entry_jumppad:
0x0: {  	(pc) =	sbr.rel $0x88, $3  }
0x1: {  	(tag) =	ssettag $0x0;
	lr =	simm.s32 $0x1  }
0x2: {  	[smem:$0x3F97] =	sst lr;
	_ =	strace $0xD0000000  }
0x3: {  	_ = 	snop  }
0x4: {  	_ = 	snop  }
0x5: {  	_ = 	snop  }
0x6: {  	_ = 	snop  }
0x7: {  	_ = 	snop  }
__scs_overlays_trampoline_lowered:
0x8: {  	[smem:$0x3FA6] =	sst s0  }
0x9: {  	[smem:$0x3FA7] =	sst s1  }
0xa: {  	[smem:$0x3FA8] =	sst s2  }
0xb: {  	[smem:$0x3FA9] =	sst s3  }
0xc: {  	[smem:$0x3FAA] =	sst s4  }
0xd: {  	[smem:$0x3FAB] =	sst s5  }
0xe: {  	[smem:$0x3FAC] =	sst s6  }
0xf: {  	[smem:$0x3FAD] =	sst s7  }
0x10: {  	[smem:$0x3FAE] =	sst s8  }
0x11: {  	[smem:$0x3FAF] =	sst s9;
	s0 =	simm.s32 @!p0 $0x0  }
0x12: {  	s1 =	sld [smem:$0x3F95];
	s0 =	simm.s32 @p0 $0x1  }
0x13: {  	[smem:$0x3FB0] =	sst s0;
	s0 =	simm.s32 @!p1 $0x0  }
0x14: {  	s2 =	sld [smem:$0x3F94];
	s0 =	simm.s32 @p1 $0x1  }
0x15: {  	[smem:$0x3FB1] =	sst s0;
	s0 =	simm.s32 @!p2 $0x0  }
0x16: {  	s3 =	sld [smem:$0x3FDB];
	s0 =	simm.s32 @p2 $0x1  }
0x17: {  	s4 =	simm.s32 $0x1BF5;
	[smem:$0x3FB3] =	sst s0  }
0x18: {  	s0 =	sld [smem:$0x3F96];
	_ =	swait.ge [sflag:s4], $0x0  }
0x19: {  	s7 =	sld [smem:$0x3F97]  }
0x1a: {  	s8 =	sadd.s32 $0xFFFFE003, lr  }
0x1b: {  	s9 =	sadd.s32 $0xFFFFFEF7, lr;
	s5 =	simm.s32 $0xFFFFFFFF;
	p2 =	slt.u32 s8, $0xFFFFF086  }
0x1c: {  	p1 =	slt.u32 s9, $0xF7A;
	s5 =	simm.s32 @!p2 $0x0  }
0x1d: {  	s5 =	simm.s32 @p1 $0x1;
	p0 =	seq.s32 s7, s2  }
0x1e: {  	s7 =	smul.u32 @!p0 $0xF7A, s2;
	p2 =	seq.s32 @!p0 s5, $0x0  }
0x1f: {  	s9 =	smul.u32 $0xF7A, s1;
	s8 =	simm.s32 @!p0 $0x1BF5;
	p2 =	por !p2, p0  }
0x20: {  	[sflag:s8] =	ssyncset.s32 @!p0 $0xFFFFF086;
	s6 =	sadd.s32 @!p0 s3, s7;
	s7 =	simm.s32 @!p0 $0x108  }
0x21: {  	s3 =	sadd.s32 s3, s9;
	s6 =	sadd.s32 @!p0 $0x88, s6;
	s7 =	simm.s32 @p2 $0x1082  }
0x22: {  	[simem:s7], [sflag:s8] =	dma.local @!p0 [hbm:s6], $0xF7A  }
0x23: {  	s9 =	sor.u32 $0xD0000000, s2;
	s6 =	simm.s32 $0x108;
	_ =	swait.ge @!p0 [sflag:s8], $0x0  }
0x24: {  	s3 =	sadd.s32 $0x88, s3;
	s6 =	simm.s32 @!p1 $0x1082;
	[sflag:s4] =	ssyncset.s32 $0xFFFFF086  }
0x25: {  	[simem:s6], [sflag:s4] =	dma.local [hbm:s3], $0xF7A  }
0x26: {  	[smem:$0x3F97] =	sst s1;
	(tag) =	ssettag s2;
	_ =	strace s9  }
0x27: {  	s1 =	sld [smem:$0x3FA7]  }
0x28: {  	s2 =	sld [smem:$0x3FA8]  }
0x29: {  	s4 =	sld [smem:$0x3FAA]  }
0x2a: {  	p0 =	seq.s32 s5, $0x0;
	s5 =	sld [smem:$0x3FAB]  }
0x2b: {  	s6 =	sld [smem:$0x3FAC]  }
0x2c: {  	s7 =	sld [smem:$0x3FAD]  }
0x2d: {  	s3 =	simm.s32 $0x108;
	s8 =	sld [smem:$0x3FAE]  }
0x2e: {  	s3 =	simm.s32 @!p0 $0x1082;
	s9 =	sld [smem:$0x3FAF]  }
0x2f: {  	lr =	sadd.s32 s0, s3;
	s0 =	sld [smem:$0x3FA6]  }
0x30: {  	s3 =	sld [smem:$0x3FA9]  }
0x31: {  	[smem:$0x3FB2] =	sst s10  }
0x32: {  	s10 =	sld [smem:$0x3FB0];
	_ =	sdelay $0x3  }
0x33: {  	p0 =	seq.s32 s10, $0x1;
	s10 =	sld [smem:$0x3FB2];
	_ =	sdelay $0x3  }
0x34: {  	[smem:$0x3FB2] =	sst s10  }
0x35: {  	s10 =	sld [smem:$0x3FB1];
	_ =	sdelay $0x3  }
0x36: {  	p1 =	seq.s32 s10, $0x1;
	s10 =	sld [smem:$0x3FB2];
	_ =	sdelay $0x3  }
0x37: {  	[smem:$0x3FB2] =	sst s10  }
0x38: {  	s10 =	sld [smem:$0x3FB3]  }
0x39: {  	_ = 	snop;
	(pc) =	sbr.ind lr, $3  }
0x3a: {  	_ = 	snop  }
0x3b: {  	_ = 	snop  }
0x3c: {  	p2 =	seq.s32 s10, $0x1;
	s10 =	sld [smem:$0x3FB2]  }
0x3d: {  	_ =	shalt  }
0x3e: {  	_ =	shalt  }
0x3f: {  	_ =	shalt  }
0x40: {  	_ =	shalt  }
0x41: {  	_ =	shalt  }
0x42: {  	_ =	shalt  }
0x43: {  	_ =	shalt  }
0x44: {  	_ =	shalt  }
0x45: {  	_ =	shalt  }
0x46: {  	_ =	shalt  }
0x47: {  	_ =	shalt  }
0x48: {  	_ =	shalt  }
0x49: {  	_ =	shalt  }
0x4a: {  	_ =	shalt  }
0x4b: {  	_ =	shalt  }
0x4c: {  	_ =	shalt  }
0x4d: {  	_ =	shalt  }
0x4e: {  	_ =	shalt  }
0x4f: {  	_ =	shalt  }
0x50: {  	_ =	shalt  }
0x51: {  	_ =	shalt  }
0x52: {  	_ =	shalt  }
0x53: {  	_ =	shalt  }
0x54: {  	_ =	shalt  }
0x55: {  	_ =	shalt  }
0x56: {  	_ =	shalt  }
0x57: {  	_ =	shalt  }
0x58: {  	_ =	shalt  }
0x59: {  	_ =	shalt  }
0x5a: {  	_ =	shalt  }
0x5b: {  	_ =	shalt  }
0x5c: {  	_ =	shalt  }
0x5d: {  	_ =	shalt  }
0x5e: {  	_ =	shalt  }
0x5f: {  	_ =	shalt  }
0x60: {  	_ =	shalt  }
0x61: {  	_ =	shalt  }
0x62: {  	_ =	shalt  }
0x63: {  	_ =	shalt  }
0x64: {  	_ =	shalt  }
0x65: {  	_ =	shalt  }
0x66: {  	_ =	shalt  }
0x67: {  	_ =	shalt  }
0x68: {  	_ =	shalt  }
0x69: {  	_ =	shalt  }
0x6a: {  	_ =	shalt  }
0x6b: {  	_ =	shalt  }
0x6c: {  	_ =	shalt  }
0x6d: {  	_ =	shalt  }
0x6e: {  	_ =	shalt  }
0x6f: {  	_ =	shalt  }
0x70: {  	_ =	shalt  }
0x71: {  	_ =	shalt  }
0x72: {  	_ =	shalt  }
0x73: {  	_ =	shalt  }
0x74: {  	_ =	shalt  }
0x75: {  	_ =	shalt  }
0x76: {  	_ =	shalt  }
0x77: {  	_ =	shalt  }
0x78: {  	_ =	shalt  }
0x79: {  	_ =	shalt  }
0x7a: {  	_ =	shalt  }
0x7b: {  	_ =	shalt  }
0x7c: {  	_ =	shalt  }
0x7d: {  	_ =	shalt  }
0x7e: {  	_ =	shalt  }
0x7f: {  	_ =	shalt  }
0x80: {  	_ =	shalt  }
0x81: {  	_ =	shalt  }
0x82: {  	_ =	shalt  }
0x83: {  	_ =	shalt  }
0x84: {  	_ =	shalt  }
0x85: {  	_ =	shalt  }
0x86: {  	_ =	shalt  }
0x87: {  	_ =	shalt  }
.Lfunc_end0:
.L_simem_size_0:
called_computation.3_lowered:
.L_overlay_start_0:
0x88: {  	s2 =	sld [smem:$0x3FD9]  }
0x89: {  	s3 =	sld [smem:$0x3FFE];
	_ =	sdelay $0x1  }
0x8a: {  	s1 =	srdreg.scid  }
0x8b: {  	s0 =	sand.u32 $0x1, s1  }
0x8c: {  	s17 =	sshll.u32 s0, $0xA;
	s2 =	sadd.s32 s3, s2  }
0x8d: {  	s2 =	sadd.s32 s2, s17  }
0x8e: {  	[smem:$0x3FBE] =	sst s2  }
0x8f: {  	_ = 	snop  }
0x90: {  	s2 =	sld [smem:$0x3FD0];
	(tm) =	ssettm $0x1  }
0x91: {  	s18 =	sld [smem:$0x3FFB];
	_ =	sdelay $0x3  }
0x92: {  	_ =	strace s18  }
0x93: {  	s3 =	sld [smem:$0x3FFC];
	_ =	sdelay $0x3  }
0x94: {  	_ =	strace s3  }
0x95: {  	s3 =	sld [smem:$0x3FFD];
	_ =	sdelay $0x3  }
0x96: {  	_ =	strace s3  }
0x97: {  	_ =	strace $0x8FFFFFFF  }
0x98: {  	s19 =	sld [smem:$0x3FDB];
	_ =	sdelay $0x1  }
0x99: {  	s4 =	simm.s32 $_scs_section_size  }
0x9a: {  	s5 =	simm.s32 $_size__tile_overlayer_lowered;
	s6 =	simm.s32 $_tile_overlayer_lowered  }
0x9b: {  	s22 =	simm.s32 $0x1BFF;
	s21 =	sshll.u32 s6, $0x1;
	s3 =	sadd.s32 s4, s19  }
0x9c: {  	s7 =	simm.s32 $0x0;
	s20 =	sshll.u32 s5, $0x1;
	s5 =	sadd.s32 s21, s3  }
0x9d: {  	[timem:s7], [sflag:s22] =	dma.local [hbm:s5], s20  }
0x9e: {  	_ =	swait.ge [sflag:s22], s20  }
0x9f: {  	s4 =	ssub.s32 $0x0, s20;
	[sflag:s22] =	ssyncset.done $0x0  }
0xa0: {  	[sflag:s22] =	ssyncadd.s32 s4;
	_ =	sdelay $0x1  }
0xa1: {  	s23 =	simm.s32 $0x1B8B  }
0xa2: {  	_ =	swait.ge [sflag:s23], $0x1  }
0xa3: {  	[sflag:s23] =	ssyncset.done $0x0  }
0xa4: {  	s25 =	simm.s32 $0x1B8E;
	s24 =	sld [smem:$0x3FFE];
	[sflag:s23] =	ssyncadd.s32 $0xFFFFFFFF  }
0xa5: {  	s26 =	simm.s32 $execute0_lowered;
	[smem:$0x3FD2] =	sst s25  }
0xa6: {  	s5 =	sshll.u32 s26, $0x1;
	_ =	strace $0x8000004F;
	[dreg:$0x1] =	wrdreg $0xFFFFFFFF  }
0xa7: {  	s28 =	simm.s32 $_size_execute0_lowered;
	s3 =	sadd.s32 s3, s5;
	[dreg:$0x0] =	wrdreg $0x0  }
0xa8: {  	s5 =	sshll.u32 s28, $0x1;
	[dreg:$0x2] =	wrdreg s3  }
0xa9: {  	[dreg:$0x3] =	wrdreg s5  }
0xaa: {  	[dreg:$0x4] =	wrdreg $0xC0  }
0xab: {  	_ =	task [dreg:s7], $0x5FFFF  }
0xac: {  	[dreg:$0x1] =	wrdreg $0xFFFFFFFF  }
0xad: {  	[dreg:$0x0] =	wrdreg $0x60  }
0xae: {  	[dreg:$0x2] =	wrdreg s2  }
0xaf: {  	[dreg:$0x3] =	wrdreg s24  }
0xb0: {  	[dreg:$0x4] =	wrdreg $0x9  }
0xb1: {  	_ =	task.clear_ibuf [dreg:s7], $0x5FFFF;
	_ =	strace $0x9000004F  }
0xb2: {  	s29 =	simm.s32 $0x9;
	_ =	strace $0x80000051  }
0xb3: {  	_ =	swait.ge [sflag:s29], $0x1  }
0xb4: {  	[sflag:s29] =	ssyncadd.s32 $0xFFFFFFFF  }
0xb5: {  	_ =	strace $0x90000051  }
0xb6: {  	_ =	sfence  }
0xb7: {  	s30 =	sld [smem:$0x0];
	_ =	sdelay $0x2  }
0xb8: {  	s31 =	sshll.u32 s1, $0xD;
	s1 =	sshrl.u32 s1, $0x2  }
0xb9: {  	s3 =	sand.u32 $0x4000, s31;
	s1 =	sadd.s32 s1, s30  }
0xba: {  	s0 =	sor.u32 s3, s0;
	s1 =	sshll.u32 s1, $0x11  }
0xbb: {  	s0 =	sor.u32 s1, s0  }
0xbc: {  	s0 =	sadd.s32 $0x8F2B, s0  }
0xbd: {  	[sflag:s0] =	ssyncadd.remote.s32 $0x1  }
0xbe: {  	_ =	sfence.sel $0xFFFF  }
0xbf: {  	[dreg:$0x0] =	wrdreg $0xFFFFFFFF;
	(pc) =	sbr.abs _section_cstart, $3  }
0xc0: {  	[dreg:$0x1] =	wrdreg $0xFFFFFFFF  }
0xc1: {  	_ =	task.clear_ibuf [dreg:s7], $0x2FFFF;
	_ =	strace $0x9FFFFFFF  }
0xc2: {  	(tm) =	ssettm $0x7FFFFFFF  }
0xc3: {  	_ =	shalt  }
tec
execute0_lowered:
.L_overlay_start_1:
0x0: {  	(tag) =	ssettag $0x1  }
0x1: {  	s0 =	srdreg.scid  }
0x2: {  	s1 =	rddreg [dreg:$0x0];
	s2 =	stileid.u32  }
0x3: {  	s6 =	rddreg [dreg:$0x1];
	s26 =	simm.s32 $0x80;
	s8 =	simm.s32 $0x2  }
0x4: {  	s18 =	simm.s32 $0x100;
	s21 =	simm.s32 $0x1900;
	s22 =	simm.s32 $0x2100  }
0x5: {  	s23 =	simm.s32 $0x2900;
	s24 =	simm.s32 $0x3100;
	s28 =	simm.s32 $0x4900  }
0x6: {  	s29 =	simm.s32 $0x5100;
	s30 =	simm.s32 $0x5900;
	s31 =	simm.s32 $0x6100  }
0x7: {  	s10 =	simm.s32 $0x7900;
	s11 =	simm.s32 $0x8100;
	s12 =	simm.s32 $0x8900  }
0x8: {  	s13 =	simm.s32 $0x9100;
	s14 =	simm.s32 $0x9900;
	s15 =	simm.s32 $0xA100  }
0x9: {  	s16 =	simm.s32 $0xA900;
	s17 =	simm.s32 $0xB100;
	s9 =	simm.s32 $0xB900  }
0xa: {  	s0 =	sand.u32 $0x1, s0;
	s3 =	sshll.u32 s2, $0x7;
	s2 =	simm.s32 $0x0  }
0xb: {  	s4 =	sshll.u32 s0, $0x6;
	[smem:$0x7FF] =	sst s2;
	s0 =	ssub.s32 $0x2, s0  }
0xc: {  	s4 =	sor.u32 s4, s3;
	_ =	strace $0x80000050;
	s25 =	sshrl.u32 s0, $0x1  }
0xd: {  	[dreg:$0x6] =	wrdreg s26;
	s3 =	sshrl.u32 s4, $0x3;
	s4 =	sshll.u32 s4, $0x7  }
0xe: {  	s26 =	simm.s32 $0x4100;
	s5 =	sadd.s32 s3, s6;
	s1 =	sadd.s32 s1, s4  }
0xf: {  	s0 =	ssub.s32 s0, s25;
	s7 =	sadd.s32 $0x3000, s5;
	[dreg:$0x5] =	wrdreg s1  }
0x10: {  	v2 =	vlaneseq.u32;
	s25 =	simm.s32 $0x3900;
	s5 =	sadd.s32 $0x3200, s5;
	[dreg:$0x3] =	wrdreg s7  }
0x11: {  	vm0 =	vmmov $0xffff;
	v1 =	vshrl.u32 v2, $0x3;
	s3 =	sadd.s32 $0x3400, s6;
	s4 =	sadd.s32 $0x3500, s6;
	[dreg:$0x4] =	wrdreg s5  }
0x12: {  	v0 =	vand.u32 $0x7, v2;
	v2 =	vor.u32 $0x8, v2;
	v1 =	vmul.u32 $0x8, v1;
	s5 =	sadd.s32 $0x3600, s6;
	s6 =	sadd.s32 $0x3700, s6;
	s7 =	smax.u32 s0, $0x1  }
.LBB2_1:
0x13: {  	s19 =	rddreg [dreg:$0x3]  }
0x14: {  	[tilespmem:s2], [sflag:$0x2] =	stream.linear.gather [hbm4b:s19+s2], $0x40, $0x38;
	[tilespmem:$0x10100] =	vst v63  }
0x15: {  	_ =	swait.ge [sflag:s8], $0x40  }
0x16: {  	s0 =	rddreg [dreg:$0x4];
	[sflag:s8] =	ssyncset.done $0x0  }
0x17: {  	s20 =	rddreg [dreg:$0x6];
	[sflag:s8] =	ssyncadd.s32 $0xFFFFFFC0  }
0x18: {  	[tilespmem:s20], [sflag:$0x2] =	stream.linear.gather [hbm4b:s0+s2], $0x40, $0x38;
	[tilespmem:$0x10100] =	vst v63  }
0x19: {  	_ =	swait.ge [sflag:s8], $0x40  }
0x1a: {  	[sflag:s8] =	ssyncset.done $0x0  }
0x1b: {  	s1 =	rddreg [dreg:$0x5];
	[sflag:s8] =	ssyncadd.s32 $0xFFFFFFC0  }
0x1c: {  	[tilespmem:s18], [sflag:$0x2] =	stream.linear.gather [hbm4b:s1+s2], $0x10000, $0x38;
	[tilespmem:$0x10100] =	vst v63  }
0x1d: {  	_ =	swait.ge [sflag:s8], $0x10000  }
0x1e: {  	[sflag:s8] =	ssyncset.done $0x0  }
0x1f: {  	[sflag:s8] =	ssyncadd.s32 $0xFFFF0000  }
0x20: {  	v3 =	vld [tilespmem:$0x0];
	_ =	sdelay $0x4  }
0x21: {  	v4 =	vshll.u32 v3, $0x3  }
0x22: {  	v3 =	vand.u32 $0x7, v3;
	v4 =	vand.u32 $0xFFFFFFC0, v4  }
0x23: {  	v3 =	vor.u32 v3, v4  }
0x24: {  	v4 =	vperm.xlane v3, v0;
	_ =	sdelay $0x1  }
0x25: {  	v4 =	vadd.s32 v1, v4;
	_ =	sdelay $0x4  }
0x26: {  	[hbm4b:s3+s2] =	stream.indirect_vreg.scatter [tilespmem:s18], [sflag:$0x1], $0x80, v4, vm0, $0xb8;
	[tilespmem:$0x10100] =	vst v63  }
0x27: {  	s19 =	simm.s32 $0x900;
	v3 =	vperm.xlane v3, v2  }
0x28: {  	[hbm4b:s4+s2] =	stream.indirect_vreg.scatter [tilespmem:s19], [sflag:$0x1], $0x80, v4, vm0, $0xb8;
	[tilespmem:$0x10100] =	vst v63  }
0x29: {  	s20 =	simm.s32 $0x1100;
	v3 =	vadd.s32 v1, v3  }
0x2a: {  	[hbm4b:s5+s2] =	stream.indirect_vreg.scatter [tilespmem:s20], [sflag:$0x1], $0x80, v4, vm0, $0xb8;
	[tilespmem:$0x10100] =	vst v63  }
0x2b: {  	_ = 	snop  }
0x2c: {  	[hbm4b:s6+s2] =	stream.indirect_vreg.scatter [tilespmem:s21], [sflag:$0x1], $0x80, v4, vm0, $0xb8;
	[tilespmem:$0x10100] =	vst v63  }
0x2d: {  	_ = 	snop  }
0x2e: {  	[hbm4b:s3+s2] =	stream.indirect_vreg.scatter [tilespmem:s22], [sflag:$0x1], $0x80, v3, vm0, $0xb8;
	[tilespmem:$0x10100] =	vst v63  }
0x2f: {  	_ = 	snop  }
0x30: {  	[hbm4b:s4+s2] =	stream.indirect_vreg.scatter [tilespmem:s23], [sflag:$0x1], $0x80, v3, vm0, $0xb8;
	[tilespmem:$0x10100] =	vst v63  }
0x31: {  	_ = 	snop  }
0x32: {  	[hbm4b:s5+s2] =	stream.indirect_vreg.scatter [tilespmem:s24], [sflag:$0x1], $0x80, v3, vm0, $0xb8;
	[tilespmem:$0x10100] =	vst v63  }
0x33: {  	_ = 	snop  }
0x34: {  	[hbm4b:s6+s2] =	stream.indirect_vreg.scatter [tilespmem:s25], [sflag:$0x1], $0x80, v3, vm0, $0xb8;
	[tilespmem:$0x10100] =	vst v63  }
0x35: {  	v3 =	vld [tilespmem:$0x10];
	_ =	sdelay $0x4  }
0x36: {  	v57 =	vshll.u32 v3, $0x3  }
0x37: {  	v3 =	vand.u32 $0x7, v3;
	v4 =	vand.u32 $0xFFFFFFC0, v57  }
0x38: {  	v3 =	vor.u32 v3, v4  }
0x39: {  	v4 =	vperm.xlane v3, v0;
	_ =	sdelay $0x1  }
0x3a: {  	v4 =	vadd.s32 v1, v4;
	_ =	sdelay $0x4  }
0x3b: {  	[hbm4b:s3+s2] =	stream.indirect_vreg.scatter [tilespmem:s26], [sflag:$0x1], $0x80, v4, vm0, $0xb8;
	[tilespmem:$0x10100] =	vst v63  }
0x3c: {  	v3 =	vperm.xlane v3, v2  }
0x3d: {  	[hbm4b:s4+s2] =	stream.indirect_vreg.scatter [tilespmem:s28], [sflag:$0x1], $0x80, v4, vm0, $0xb8;
	[tilespmem:$0x10100] =	vst v63  }
0x3e: {  	v3 =	vadd.s32 v1, v3  }
0x3f: {  	[hbm4b:s5+s2] =	stream.indirect_vreg.scatter [tilespmem:s29], [sflag:$0x1], $0x80, v4, vm0, $0xb8;
	[tilespmem:$0x10100] =	vst v63  }
0x40: {  	_ = 	snop  }
0x41: {  	[hbm4b:s6+s2] =	stream.indirect_vreg.scatter [tilespmem:s30], [sflag:$0x1], $0x80, v4, vm0, $0xb8;
	[tilespmem:$0x10100] =	vst v63  }
0x42: {  	_ = 	snop  }
0x43: {  	[hbm4b:s3+s2] =	stream.indirect_vreg.scatter [tilespmem:s31], [sflag:$0x1], $0x80, v3, vm0, $0xb8;
	[tilespmem:$0x10100] =	vst v63  }
0x44: {  	s1 =	simm.s32 $0x6900  }
0x45: {  	[hbm4b:s4+s2] =	stream.indirect_vreg.scatter [tilespmem:s1], [sflag:$0x1], $0x80, v3, vm0, $0xb8;
	[tilespmem:$0x10100] =	vst v63  }
0x46: {  	s0 =	simm.s32 $0x7100  }
0x47: {  	[hbm4b:s5+s2] =	stream.indirect_vreg.scatter [tilespmem:s0], [sflag:$0x1], $0x80, v3, vm0, $0xb8;
	[tilespmem:$0x10100] =	vst v63  }
0x48: {  	_ = 	snop  }
0x49: {  	[hbm4b:s6+s2] =	stream.indirect_vreg.scatter [tilespmem:s10], [sflag:$0x1], $0x80, v3, vm0, $0xb8;
	[tilespmem:$0x10100] =	vst v63  }
0x4a: {  	v3 =	vld [tilespmem:$0x20];
	_ =	sdelay $0x4  }
0x4b: {  	v58 =	vshll.u32 v3, $0x3  }
0x4c: {  	v3 =	vand.u32 $0x7, v3;
	v4 =	vand.u32 $0xFFFFFFC0, v58  }
0x4d: {  	v3 =	vor.u32 v3, v4  }
0x4e: {  	v4 =	vperm.xlane v3, v0;
	_ =	sdelay $0x1  }
0x4f: {  	v4 =	vadd.s32 v1, v4;
	_ =	sdelay $0x4  }
0x50: {  	[hbm4b:s3+s2] =	stream.indirect_vreg.scatter [tilespmem:s11], [sflag:$0x1], $0x80, v4, vm0, $0xb8;
	[tilespmem:$0x10100] =	vst v63  }
0x51: {  	v3 =	vperm.xlane v3, v2  }
0x52: {  	[hbm4b:s4+s2] =	stream.indirect_vreg.scatter [tilespmem:s12], [sflag:$0x1], $0x80, v4, vm0, $0xb8;
	[tilespmem:$0x10100] =	vst v63  }
0x53: {  	v3 =	vadd.s32 v1, v3  }
0x54: {  	[hbm4b:s5+s2] =	stream.indirect_vreg.scatter [tilespmem:s13], [sflag:$0x1], $0x80, v4, vm0, $0xb8;
	[tilespmem:$0x10100] =	vst v63  }
0x55: {  	_ = 	snop  }
0x56: {  	[hbm4b:s6+s2] =	stream.indirect_vreg.scatter [tilespmem:s14], [sflag:$0x1], $0x80, v4, vm0, $0xb8;
	[tilespmem:$0x10100] =	vst v63  }
0x57: {  	_ = 	snop  }
0x58: {  	[hbm4b:s3+s2] =	stream.indirect_vreg.scatter [tilespmem:s15], [sflag:$0x1], $0x80, v3, vm0, $0xb8;
	[tilespmem:$0x10100] =	vst v63  }
0x59: {  	_ = 	snop  }
0x5a: {  	[hbm4b:s4+s2] =	stream.indirect_vreg.scatter [tilespmem:s16], [sflag:$0x1], $0x80, v3, vm0, $0xb8;
	[tilespmem:$0x10100] =	vst v63  }
0x5b: {  	_ = 	snop  }
0x5c: {  	[hbm4b:s5+s2] =	stream.indirect_vreg.scatter [tilespmem:s17], [sflag:$0x1], $0x80, v3, vm0, $0xb8;
	[tilespmem:$0x10100] =	vst v63  }
0x5d: {  	_ = 	snop  }
0x5e: {  	[hbm4b:s6+s2] =	stream.indirect_vreg.scatter [tilespmem:s9], [sflag:$0x1], $0x80, v3, vm0, $0xb8;
	[tilespmem:$0x10100] =	vst v63  }
0x5f: {  	v3 =	vld [tilespmem:$0x30];
	_ =	sdelay $0x4  }
0x60: {  	v59 =	vshll.u32 v3, $0x3  }
0x61: {  	v3 =	vand.u32 $0x7, v3;
	v4 =	vand.u32 $0xFFFFFFC0, v59  }
0x62: {  	v3 =	vor.u32 v3, v4  }
0x63: {  	v4 =	vperm.xlane v3, v0;
	_ =	sdelay $0x1  }
0x64: {  	v4 =	vadd.s32 v1, v4;
	_ =	sdelay $0x3  }
0x65: {  	s0 =	simm.s32 $0xC100  }
0x66: {  	[hbm4b:s3+s2] =	stream.indirect_vreg.scatter [tilespmem:s0], [sflag:$0x1], $0x80, v4, vm0, $0xb8;
	[tilespmem:$0x10100] =	vst v63  }
0x67: {  	v3 =	vperm.xlane v3, v2;
	s0 =	simm.s32 $0xC900  }
0x68: {  	[hbm4b:s4+s2] =	stream.indirect_vreg.scatter [tilespmem:s0], [sflag:$0x1], $0x80, v4, vm0, $0xb8;
	[tilespmem:$0x10100] =	vst v63  }
0x69: {  	v3 =	vadd.s32 v1, v3;
	s0 =	simm.s32 $0xD100  }
0x6a: {  	[hbm4b:s5+s2] =	stream.indirect_vreg.scatter [tilespmem:s0], [sflag:$0x1], $0x80, v4, vm0, $0xb8;
	[tilespmem:$0x10100] =	vst v63  }
0x6b: {  	s0 =	simm.s32 $0xD900  }
0x6c: {  	[hbm4b:s6+s2] =	stream.indirect_vreg.scatter [tilespmem:s0], [sflag:$0x1], $0x80, v4, vm0, $0xb8;
	[tilespmem:$0x10100] =	vst v63  }
0x6d: {  	s0 =	simm.s32 $0xE100  }
0x6e: {  	[hbm4b:s3+s2] =	stream.indirect_vreg.scatter [tilespmem:s0], [sflag:$0x1], $0x80, v3, vm0, $0xb8;
	[tilespmem:$0x10100] =	vst v63  }
0x6f: {  	s0 =	simm.s32 $0xE900  }
0x70: {  	[hbm4b:s4+s2] =	stream.indirect_vreg.scatter [tilespmem:s0], [sflag:$0x1], $0x80, v3, vm0, $0xb8;
	[tilespmem:$0x10100] =	vst v63  }
0x71: {  	s0 =	simm.s32 $0xF100  }
0x72: {  	[hbm4b:s5+s2] =	stream.indirect_vreg.scatter [tilespmem:s0], [sflag:$0x1], $0x80, v3, vm0, $0xb8;
	[tilespmem:$0x10100] =	vst v63  }
0x73: {  	s0 =	simm.s32 $0xF900  }
0x74: {  	[hbm4b:s6+s2] =	stream.indirect_vreg.scatter [tilespmem:s0], [sflag:$0x1], $0x80, v3, vm0, $0xb8;
	[tilespmem:$0x10100] =	vst v63  }
0x75: {  	v3 =	vld [tilespmem:$0x80];
	_ =	sdelay $0x4  }
0x76: {  	v60 =	vshll.u32 v3, $0x3  }
0x77: {  	v3 =	vand.u32 $0x7, v3;
	v4 =	vand.u32 $0xFFFFFFC0, v60  }
0x78: {  	v3 =	vor.u32 v3, v4  }
0x79: {  	v4 =	vperm.xlane v3, v0;
	_ =	sdelay $0x1  }
0x7a: {  	v4 =	vadd.s32 v1, v4;
	_ =	sdelay $0x4  }
0x7b: {  	[hbm4b:s3+s2] =	stream.indirect_vreg.scatter [tilespmem:s18], [sflag:$0x1], $0x80, v4, vm0, $0xb8;
	[tilespmem:$0x10100] =	vst v63  }
0x7c: {  	v3 =	vperm.xlane v3, v2  }
0x7d: {  	[hbm4b:s4+s2] =	stream.indirect_vreg.scatter [tilespmem:s19], [sflag:$0x1], $0x80, v4, vm0, $0xb8;
	[tilespmem:$0x10100] =	vst v63  }
0x7e: {  	v3 =	vadd.s32 v1, v3  }
0x7f: {  	[hbm4b:s5+s2] =	stream.indirect_vreg.scatter [tilespmem:s20], [sflag:$0x1], $0x80, v4, vm0, $0xb8;
	[tilespmem:$0x10100] =	vst v63  }
0x80: {  	_ = 	snop  }
0x81: {  	[hbm4b:s6+s2] =	stream.indirect_vreg.scatter [tilespmem:s21], [sflag:$0x1], $0x80, v4, vm0, $0xb8;
	[tilespmem:$0x10100] =	vst v63  }
0x82: {  	_ = 	snop  }
0x83: {  	[hbm4b:s3+s2] =	stream.indirect_vreg.scatter [tilespmem:s22], [sflag:$0x1], $0x80, v3, vm0, $0xb8;
	[tilespmem:$0x10100] =	vst v63  }
0x84: {  	_ = 	snop  }
0x85: {  	[hbm4b:s4+s2] =	stream.indirect_vreg.scatter [tilespmem:s23], [sflag:$0x1], $0x80, v3, vm0, $0xb8;
	[tilespmem:$0x10100] =	vst v63  }
0x86: {  	_ = 	snop  }
0x87: {  	[hbm4b:s5+s2] =	stream.indirect_vreg.scatter [tilespmem:s24], [sflag:$0x1], $0x80, v3, vm0, $0xb8;
	[tilespmem:$0x10100] =	vst v63  }
0x88: {  	_ = 	snop  }
0x89: {  	[hbm4b:s6+s2] =	stream.indirect_vreg.scatter [tilespmem:s25], [sflag:$0x1], $0x80, v3, vm0, $0xb8;
	[tilespmem:$0x10100] =	vst v63  }
0x8a: {  	v3 =	vld [tilespmem:$0x90];
	_ =	sdelay $0x4  }
0x8b: {  	v61 =	vshll.u32 v3, $0x3  }
0x8c: {  	v3 =	vand.u32 $0x7, v3;
	v4 =	vand.u32 $0xFFFFFFC0, v61  }
0x8d: {  	v3 =	vor.u32 v3, v4  }
0x8e: {  	v4 =	vperm.xlane v3, v0;
	_ =	sdelay $0x1  }
0x8f: {  	v4 =	vadd.s32 v1, v4;
	_ =	sdelay $0x4  }
0x90: {  	[hbm4b:s3+s2] =	stream.indirect_vreg.scatter [tilespmem:s26], [sflag:$0x1], $0x80, v4, vm0, $0xb8;
	[tilespmem:$0x10100] =	vst v63  }
0x91: {  	v3 =	vperm.xlane v3, v2  }
0x92: {  	[hbm4b:s4+s2] =	stream.indirect_vreg.scatter [tilespmem:s28], [sflag:$0x1], $0x80, v4, vm0, $0xb8;
	[tilespmem:$0x10100] =	vst v63  }
0x93: {  	v3 =	vadd.s32 v1, v3  }
0x94: {  	[hbm4b:s5+s2] =	stream.indirect_vreg.scatter [tilespmem:s29], [sflag:$0x1], $0x80, v4, vm0, $0xb8;
	[tilespmem:$0x10100] =	vst v63  }
0x95: {  	_ = 	snop  }
0x96: {  	[hbm4b:s6+s2] =	stream.indirect_vreg.scatter [tilespmem:s30], [sflag:$0x1], $0x80, v4, vm0, $0xb8;
	[tilespmem:$0x10100] =	vst v63  }
0x97: {  	_ = 	snop  }
0x98: {  	[hbm4b:s3+s2] =	stream.indirect_vreg.scatter [tilespmem:s31], [sflag:$0x1], $0x80, v3, vm0, $0xb8;
	[tilespmem:$0x10100] =	vst v63  }
0x99: {  	_ = 	snop  }
0x9a: {  	[hbm4b:s4+s2] =	stream.indirect_vreg.scatter [tilespmem:s1], [sflag:$0x1], $0x80, v3, vm0, $0xb8;
	[tilespmem:$0x10100] =	vst v63  }
0x9b: {  	s20 =	simm.s32 $0x7100  }
0x9c: {  	[hbm4b:s5+s2] =	stream.indirect_vreg.scatter [tilespmem:s20], [sflag:$0x1], $0x80, v3, vm0, $0xb8;
	[tilespmem:$0x10100] =	vst v63  }
0x9d: {  	_ = 	snop  }
0x9e: {  	[hbm4b:s6+s2] =	stream.indirect_vreg.scatter [tilespmem:s10], [sflag:$0x1], $0x80, v3, vm0, $0xb8;
	[tilespmem:$0x10100] =	vst v63  }
0x9f: {  	v3 =	vld [tilespmem:$0xA0];
	_ =	sdelay $0x4  }
0xa0: {  	v62 =	vshll.u32 v3, $0x3  }
0xa1: {  	v3 =	vand.u32 $0x7, v3;
	v4 =	vand.u32 $0xFFFFFFC0, v62  }
0xa2: {  	v3 =	vor.u32 v3, v4  }
0xa3: {  	v4 =	vperm.xlane v3, v0;
	_ =	sdelay $0x1  }
0xa4: {  	v4 =	vadd.s32 v1, v4;
	_ =	sdelay $0x4  }
0xa5: {  	[hbm4b:s3+s2] =	stream.indirect_vreg.scatter [tilespmem:s11], [sflag:$0x1], $0x80, v4, vm0, $0xb8;
	[tilespmem:$0x10100] =	vst v63  }
0xa6: {  	v3 =	vperm.xlane v3, v2  }
0xa7: {  	[hbm4b:s4+s2] =	stream.indirect_vreg.scatter [tilespmem:s12], [sflag:$0x1], $0x80, v4, vm0, $0xb8;
	[tilespmem:$0x10100] =	vst v63  }
0xa8: {  	v3 =	vadd.s32 v1, v3  }
0xa9: {  	[hbm4b:s5+s2] =	stream.indirect_vreg.scatter [tilespmem:s13], [sflag:$0x1], $0x80, v4, vm0, $0xb8;
	[tilespmem:$0x10100] =	vst v63  }
0xaa: {  	_ = 	snop  }
0xab: {  	[hbm4b:s6+s2] =	stream.indirect_vreg.scatter [tilespmem:s14], [sflag:$0x1], $0x80, v4, vm0, $0xb8;
	[tilespmem:$0x10100] =	vst v63  }
0xac: {  	_ = 	snop  }
0xad: {  	[hbm4b:s3+s2] =	stream.indirect_vreg.scatter [tilespmem:s15], [sflag:$0x1], $0x80, v3, vm0, $0xb8;
	[tilespmem:$0x10100] =	vst v63  }
0xae: {  	_ = 	snop  }
0xaf: {  	[hbm4b:s4+s2] =	stream.indirect_vreg.scatter [tilespmem:s16], [sflag:$0x1], $0x80, v3, vm0, $0xb8;
	[tilespmem:$0x10100] =	vst v63  }
0xb0: {  	_ = 	snop  }
0xb1: {  	[hbm4b:s5+s2] =	stream.indirect_vreg.scatter [tilespmem:s17], [sflag:$0x1], $0x80, v3, vm0, $0xb8;
	[tilespmem:$0x10100] =	vst v63  }
0xb2: {  	_ = 	snop  }
0xb3: {  	[hbm4b:s6+s2] =	stream.indirect_vreg.scatter [tilespmem:s9], [sflag:$0x1], $0x80, v3, vm0, $0xb8;
	[tilespmem:$0x10100] =	vst v63  }
0xb4: {  	v3 =	vld [tilespmem:$0xB0];
	_ =	sdelay $0x4  }
0xb5: {  	v63 =	vshll.u32 v3, $0x3  }
0xb6: {  	v3 =	vand.u32 $0x7, v3;
	v4 =	vand.u32 $0xFFFFFFC0, v63  }
0xb7: {  	v3 =	vor.u32 v3, v4  }
0xb8: {  	v4 =	vperm.xlane v3, v0;
	_ =	sdelay $0x1  }
0xb9: {  	v4 =	vadd.s32 v1, v4;
	_ =	sdelay $0x3  }
0xba: {  	s19 =	simm.s32 $0xC100  }
0xbb: {  	[hbm4b:s3+s2] =	stream.indirect_vreg.scatter [tilespmem:s19], [sflag:$0x1], $0x80, v4, vm0, $0xb8;
	[tilespmem:$0x10100] =	vst v63  }
0xbc: {  	s20 =	simm.s32 $0xC900;
	v3 =	vperm.xlane v3, v2  }
0xbd: {  	[hbm4b:s4+s2] =	stream.indirect_vreg.scatter [tilespmem:s20], [sflag:$0x1], $0x80, v4, vm0, $0xb8;
	[tilespmem:$0x10100] =	vst v63  }
0xbe: {  	v3 =	vadd.s32 v1, v3;
	s19 =	simm.s32 $0xD100  }
0xbf: {  	[hbm4b:s5+s2] =	stream.indirect_vreg.scatter [tilespmem:s19], [sflag:$0x1], $0x80, v4, vm0, $0xb8;
	[tilespmem:$0x10100] =	vst v63  }
0xc0: {  	s20 =	simm.s32 $0xD900  }
0xc1: {  	[hbm4b:s6+s2] =	stream.indirect_vreg.scatter [tilespmem:s20], [sflag:$0x1], $0x80, v4, vm0, $0xb8;
	[tilespmem:$0x10100] =	vst v63  }
0xc2: {  	s19 =	simm.s32 $0xE100  }
0xc3: {  	[hbm4b:s3+s2] =	stream.indirect_vreg.scatter [tilespmem:s19], [sflag:$0x1], $0x80, v3, vm0, $0xb8;
	[tilespmem:$0x10100] =	vst v63  }
0xc4: {  	s20 =	simm.s32 $0xE900  }
0xc5: {  	[hbm4b:s4+s2] =	stream.indirect_vreg.scatter [tilespmem:s20], [sflag:$0x1], $0x80, v3, vm0, $0xb8;
	[tilespmem:$0x10100] =	vst v63  }
0xc6: {  	s19 =	simm.s32 $0xF100  }
0xc7: {  	[hbm4b:s5+s2] =	stream.indirect_vreg.scatter [tilespmem:s19], [sflag:$0x1], $0x80, v3, vm0, $0xb8;
	[tilespmem:$0x10100] =	vst v63  }
0xc8: {  	s20 =	simm.s32 $0x1  }
0xc9: {  	[hbm4b:s6+s2] =	stream.indirect_vreg.scatter [tilespmem:s0], [sflag:$0x1], $0x80, v3, vm0, $0xb8;
	[tilespmem:$0x10100] =	vst v63  }
0xca: {  	p0 =	sne.s32 s7, $0x1;
	_ =	swait.ge [sflag:s20], $0x10000  }
.Ltmp0:
0xcb: {  	[sflag:s20] =	ssyncset.done $0x0;
	(pc) =	sbr.rel @p0 .LBB2_1-.Ltmp0, $4  }
0xcc: {  	[sflag:s20] =	ssyncadd.s32 $0xFFFF0000  }
0xcd: {  	_ =	swait.ge [sflag:s20], $0x10000  }
0xce: {  	[sflag:s20] =	ssyncset.done $0x0  }
0xcf: {  	s7 =	sadd.s32 $0xFFFFFFFF, s7;
	[sflag:s20] =	ssyncadd.s32 $0xFFFF0000  }
0xd0: {  	_ =	sfence.sel $0x180000  }
0xd1: {  	[bflag:$0x0] =	sbarrier.arrive $0xFFFF  }
0xd2: {  	_ =	strace $0x90000050  }
0xd3: {  	s0 =	stileid.u32;
	[bflag:$0x2] =	sbarrier.arrive $0xFFFF  }
0xd4: {  	p0 =	sne.s32 s0, $0x0;
	s0 =	rddreg [dreg:$0x2]  }
0xd5: {  	s0 =	sadd.s32 @!p0 $0x100000, s0  }
0xd6: {  	[sflag:s0] =	ssyncadd.tile.s32 @!p0 $0x1;
	_ =	shalt  }
.Lfunc_end2:
_tile_overlayer_lowered:
.L_overlay_start_2:
0xd7: {  	(tag) =	ssettag $0x2  }
0xd8: {  	s0 =	rddreg [dreg:$0x0];
	s2 =	stileid.u32  }
0xd9: {  	s1 =	rddreg [dreg:$0x1];
	p0 =	sne.s32 s2, $0x0  }
0xda: {  	s3 =	rddreg [dreg:$0x2];
	[bflag:$0x3] =	sbarrier.arrive $0xFFFF;
	s2 =	simm.s32 @!p0 $0x1C02  }
0xdb: {  	[timem:s3], [sflag:s2] =	dma.local @!p0 [hbm:s0], s1  }
0xdc: {  	s0 =	simm.s32 @!p0 $0x2  }
0xdd: {  	_ =	swait.ge @!p0 [sflag:s0], s1  }
0xde: {  	s1 =	ssub.s32 @!p0 $0x0, s1;
	[sflag:s0] =	ssyncset.done @!p0 $0x0  }
0xdf: {  	[sflag:s0] =	ssyncadd.s32 @!p0 s1  }
0xe0: {  	[bflag:$0x3] =	sbarrier.arrive $0xFFFF  }
0xe1: {  	_ =	shalt  }

// kernel: kernel.27.cloned.1.call-start
scs
__scs_entry_jumppad:
0x0: {  	(pc) =	sbr.rel $0x88, $3  }
0x1: {  	(tag) =	ssettag $0x0;
	lr =	simm.s32 $0x1  }
0x2: {  	[smem:$0x3F97] =	sst lr;
	_ =	strace $0xD0000000  }
0x3: {  	_ = 	snop  }
0x4: {  	_ = 	snop  }
0x5: {  	_ = 	snop  }
0x6: {  	_ = 	snop  }
0x7: {  	_ = 	snop  }
__scs_overlays_trampoline_lowered:
0x8: {  	[smem:$0x3FA6] =	sst s0  }
0x9: {  	[smem:$0x3FA7] =	sst s1  }
0xa: {  	[smem:$0x3FA8] =	sst s2  }
0xb: {  	[smem:$0x3FA9] =	sst s3  }
0xc: {  	[smem:$0x3FAA] =	sst s4  }
0xd: {  	[smem:$0x3FAB] =	sst s5  }
0xe: {  	[smem:$0x3FAC] =	sst s6  }
0xf: {  	[smem:$0x3FAD] =	sst s7  }
0x10: {  	[smem:$0x3FAE] =	sst s8  }
0x11: {  	[smem:$0x3FAF] =	sst s9;
	s0 =	simm.s32 @!p0 $0x0  }
0x12: {  	s1 =	sld [smem:$0x3F95];
	s0 =	simm.s32 @p0 $0x1  }
0x13: {  	[smem:$0x3FB0] =	sst s0;
	s0 =	simm.s32 @!p1 $0x0  }
0x14: {  	s2 =	sld [smem:$0x3F94];
	s0 =	simm.s32 @p1 $0x1  }
0x15: {  	[smem:$0x3FB1] =	sst s0;
	s0 =	simm.s32 @!p2 $0x0  }
0x16: {  	s3 =	sld [smem:$0x3FDB];
	s0 =	simm.s32 @p2 $0x1  }
0x17: {  	s4 =	simm.s32 $0x1BF5;
	[smem:$0x3FB3] =	sst s0  }
0x18: {  	s0 =	sld [smem:$0x3F96];
	_ =	swait.ge [sflag:s4], $0x0  }
0x19: {  	s7 =	sld [smem:$0x3F97]  }
0x1a: {  	s8 =	sadd.s32 $0xFFFFE003, lr  }
0x1b: {  	s9 =	sadd.s32 $0xFFFFFEF7, lr;
	s5 =	simm.s32 $0xFFFFFFFF;
	p2 =	slt.u32 s8, $0xFFFFF086  }
0x1c: {  	p1 =	slt.u32 s9, $0xF7A;
	s5 =	simm.s32 @!p2 $0x0  }
0x1d: {  	s5 =	simm.s32 @p1 $0x1;
	p0 =	seq.s32 s7, s2  }
0x1e: {  	s7 =	smul.u32 @!p0 $0xF7A, s2;
	p2 =	seq.s32 @!p0 s5, $0x0  }
0x1f: {  	s9 =	smul.u32 $0xF7A, s1;
	s8 =	simm.s32 @!p0 $0x1BF5;
	p2 =	por !p2, p0  }
0x20: {  	[sflag:s8] =	ssyncset.s32 @!p0 $0xFFFFF086;
	s6 =	sadd.s32 @!p0 s3, s7;
	s7 =	simm.s32 @!p0 $0x108  }
0x21: {  	s3 =	sadd.s32 s3, s9;
	s6 =	sadd.s32 @!p0 $0x88, s6;
	s7 =	simm.s32 @p2 $0x1082  }
0x22: {  	[simem:s7], [sflag:s8] =	dma.local @!p0 [hbm:s6], $0xF7A  }
0x23: {  	s9 =	sor.u32 $0xD0000000, s2;
	s6 =	simm.s32 $0x108;
	_ =	swait.ge @!p0 [sflag:s8], $0x0  }
0x24: {  	s3 =	sadd.s32 $0x88, s3;
	s6 =	simm.s32 @!p1 $0x1082;
	[sflag:s4] =	ssyncset.s32 $0xFFFFF086  }
0x25: {  	[simem:s6], [sflag:s4] =	dma.local [hbm:s3], $0xF7A  }
0x26: {  	[smem:$0x3F97] =	sst s1;
	(tag) =	ssettag s2;
	_ =	strace s9  }
0x27: {  	s1 =	sld [smem:$0x3FA7]  }
0x28: {  	s2 =	sld [smem:$0x3FA8]  }
0x29: {  	s4 =	sld [smem:$0x3FAA]  }
0x2a: {  	p0 =	seq.s32 s5, $0x0;
	s5 =	sld [smem:$0x3FAB]  }
0x2b: {  	s6 =	sld [smem:$0x3FAC]  }
0x2c: {  	s7 =	sld [smem:$0x3FAD]  }
0x2d: {  	s3 =	simm.s32 $0x108;
	s8 =	sld [smem:$0x3FAE]  }
0x2e: {  	s3 =	simm.s32 @!p0 $0x1082;
	s9 =	sld [smem:$0x3FAF]  }
0x2f: {  	lr =	sadd.s32 s0, s3;
	s0 =	sld [smem:$0x3FA6]  }
0x30: {  	s3 =	sld [smem:$0x3FA9]  }
0x31: {  	[smem:$0x3FB2] =	sst s10  }
0x32: {  	s10 =	sld [smem:$0x3FB0];
	_ =	sdelay $0x3  }
0x33: {  	p0 =	seq.s32 s10, $0x1;
	s10 =	sld [smem:$0x3FB2];
	_ =	sdelay $0x3  }
0x34: {  	[smem:$0x3FB2] =	sst s10  }
0x35: {  	s10 =	sld [smem:$0x3FB1];
	_ =	sdelay $0x3  }
0x36: {  	p1 =	seq.s32 s10, $0x1;
	s10 =	sld [smem:$0x3FB2];
	_ =	sdelay $0x3  }
0x37: {  	[smem:$0x3FB2] =	sst s10  }
0x38: {  	s10 =	sld [smem:$0x3FB3]  }
0x39: {  	_ = 	snop;
	(pc) =	sbr.ind lr, $3  }
0x3a: {  	_ = 	snop  }
0x3b: {  	_ = 	snop  }
0x3c: {  	p2 =	seq.s32 s10, $0x1;
	s10 =	sld [smem:$0x3FB2]  }
0x3d: {  	_ =	shalt  }
0x3e: {  	_ =	shalt  }
0x3f: {  	_ =	shalt  }
0x40: {  	_ =	shalt  }
0x41: {  	_ =	shalt  }
0x42: {  	_ =	shalt  }
0x43: {  	_ =	shalt  }
0x44: {  	_ =	shalt  }
0x45: {  	_ =	shalt  }
0x46: {  	_ =	shalt  }
0x47: {  	_ =	shalt  }
0x48: {  	_ =	shalt  }
0x49: {  	_ =	shalt  }
0x4a: {  	_ =	shalt  }
0x4b: {  	_ =	shalt  }
0x4c: {  	_ =	shalt  }
0x4d: {  	_ =	shalt  }
0x4e: {  	_ =	shalt  }
0x4f: {  	_ =	shalt  }
0x50: {  	_ =	shalt  }
0x51: {  	_ =	shalt  }
0x52: {  	_ =	shalt  }
0x53: {  	_ =	shalt  }
0x54: {  	_ =	shalt  }
0x55: {  	_ =	shalt  }
0x56: {  	_ =	shalt  }
0x57: {  	_ =	shalt  }
0x58: {  	_ =	shalt  }
0x59: {  	_ =	shalt  }
0x5a: {  	_ =	shalt  }
0x5b: {  	_ =	shalt  }
0x5c: {  	_ =	shalt  }
0x5d: {  	_ =	shalt  }
0x5e: {  	_ =	shalt  }
0x5f: {  	_ =	shalt  }
0x60: {  	_ =	shalt  }
0x61: {  	_ =	shalt  }
0x62: {  	_ =	shalt  }
0x63: {  	_ =	shalt  }
0x64: {  	_ =	shalt  }
0x65: {  	_ =	shalt  }
0x66: {  	_ =	shalt  }
0x67: {  	_ =	shalt  }
0x68: {  	_ =	shalt  }
0x69: {  	_ =	shalt  }
0x6a: {  	_ =	shalt  }
0x6b: {  	_ =	shalt  }
0x6c: {  	_ =	shalt  }
0x6d: {  	_ =	shalt  }
0x6e: {  	_ =	shalt  }
0x6f: {  	_ =	shalt  }
0x70: {  	_ =	shalt  }
0x71: {  	_ =	shalt  }
0x72: {  	_ =	shalt  }
0x73: {  	_ =	shalt  }
0x74: {  	_ =	shalt  }
0x75: {  	_ =	shalt  }
0x76: {  	_ =	shalt  }
0x77: {  	_ =	shalt  }
0x78: {  	_ =	shalt  }
0x79: {  	_ =	shalt  }
0x7a: {  	_ =	shalt  }
0x7b: {  	_ =	shalt  }
0x7c: {  	_ =	shalt  }
0x7d: {  	_ =	shalt  }
0x7e: {  	_ =	shalt  }
0x7f: {  	_ =	shalt  }
0x80: {  	_ =	shalt  }
0x81: {  	_ =	shalt  }
0x82: {  	_ =	shalt  }
0x83: {  	_ =	shalt  }
0x84: {  	_ =	shalt  }
0x85: {  	_ =	shalt  }
0x86: {  	_ =	shalt  }
0x87: {  	_ =	shalt  }
.Lfunc_end0:
.L_simem_size_0:
called_computation.4_lowered:
.L_overlay_start_0:
0x88: {  	s2 =	sld [smem:$0x3FD9]  }
0x89: {  	s3 =	sld [smem:$0x3FFE];
	_ =	sdelay $0x1  }
0x8a: {  	s1 =	srdreg.scid  }
0x8b: {  	s0 =	sand.u32 $0x1, s1  }
0x8c: {  	s16 =	sshll.u32 s0, $0xA;
	s2 =	sadd.s32 s3, s2  }
0x8d: {  	s2 =	sadd.s32 s2, s16  }
0x8e: {  	[smem:$0x3FBE] =	sst s2  }
0x8f: {  	_ = 	snop  }
0x90: {  	(tm) =	ssettm $0x1  }
0x91: {  	s17 =	sld [smem:$0x3FFB];
	_ =	sdelay $0x3  }
0x92: {  	_ =	strace s17  }
0x93: {  	s2 =	sld [smem:$0x3FFC];
	_ =	sdelay $0x3  }
0x94: {  	_ =	strace s2  }
0x95: {  	s2 =	sld [smem:$0x3FFD];
	_ =	sdelay $0x3  }
0x96: {  	_ =	strace s2  }
0x97: {  	_ =	strace $0x8FFFFFFF  }
0x98: {  	s18 =	sld [smem:$0x3FDB];
	_ =	sdelay $0x1  }
0x99: {  	s19 =	simm.s32 $_scs_section_size  }
0x9a: {  	s4 =	simm.s32 $_size__tile_overlayer_lowered;
	s5 =	simm.s32 $_tile_overlayer_lowered  }
0x9b: {  	s22 =	simm.s32 $0x1BFF;
	s21 =	sshll.u32 s5, $0x1;
	s2 =	sadd.s32 s19, s18  }
0x9c: {  	s6 =	simm.s32 $0x0;
	s20 =	sshll.u32 s4, $0x1;
	s4 =	sadd.s32 s21, s2  }
0x9d: {  	[timem:s6], [sflag:s22] =	dma.local [hbm:s4], s20  }
0x9e: {  	_ =	swait.ge [sflag:s22], s20  }
0x9f: {  	s3 =	ssub.s32 $0x0, s20;
	[sflag:s22] =	ssyncset.done $0x0  }
0xa0: {  	[sflag:s22] =	ssyncadd.s32 s3;
	_ =	sdelay $0x1  }
0xa1: {  	s23 =	simm.s32 $0x1B8B  }
0xa2: {  	_ =	swait.ge [sflag:s23], $0x1  }
0xa3: {  	[sflag:s23] =	ssyncset.done $0x0  }
0xa4: {  	s25 =	simm.s32 $0x1B8E;
	s24 =	sld [smem:$0x3FFE];
	[sflag:s23] =	ssyncadd.s32 $0xFFFFFFFF  }
0xa5: {  	s26 =	simm.s32 $execute0_lowered;
	[smem:$0x3FD2] =	sst s25  }
0xa6: {  	s4 =	sshll.u32 s26, $0x1;
	_ =	strace $0x80000052;
	[dreg:$0x1] =	wrdreg $0xFFFFFFFF  }
0xa7: {  	s28 =	simm.s32 $_size_execute0_lowered;
	s2 =	sadd.s32 s2, s4;
	[dreg:$0x0] =	wrdreg $0x0  }
0xa8: {  	s4 =	sshll.u32 s28, $0x1;
	[dreg:$0x2] =	wrdreg s2  }
0xa9: {  	[dreg:$0x3] =	wrdreg s4  }
0xaa: {  	[dreg:$0x4] =	wrdreg $0xC0  }
0xab: {  	_ =	task [dreg:s6], $0x5FFFF  }
0xac: {  	[dreg:$0x1] =	wrdreg $0xFFFFFFFF  }
0xad: {  	[dreg:$0x0] =	wrdreg $0x60  }
0xae: {  	[dreg:$0x2] =	wrdreg s24  }
0xaf: {  	[dreg:$0x3] =	wrdreg $0x9  }
0xb0: {  	_ =	task.clear_ibuf [dreg:s6], $0x4FFFF;
	_ =	strace $0x90000052  }
0xb1: {  	s29 =	simm.s32 $0x9;
	_ =	strace $0x80000054  }
0xb2: {  	_ =	swait.ge [sflag:s29], $0x1  }
0xb3: {  	[sflag:s29] =	ssyncadd.s32 $0xFFFFFFFF  }
0xb4: {  	_ =	strace $0x90000054  }
0xb5: {  	_ =	sfence  }
0xb6: {  	s30 =	sld [smem:$0x0];
	_ =	sdelay $0x2  }
0xb7: {  	s31 =	sshll.u32 s1, $0xD;
	s1 =	sshrl.u32 s1, $0x2  }
0xb8: {  	s3 =	sand.u32 $0x4000, s31;
	s1 =	sadd.s32 s1, s30  }
0xb9: {  	s0 =	sor.u32 s3, s0;
	s1 =	sshll.u32 s1, $0x11  }
0xba: {  	s0 =	sor.u32 s1, s0  }
0xbb: {  	s0 =	sadd.s32 $0x8F2B, s0  }
0xbc: {  	[sflag:s0] =	ssyncadd.remote.s32 $0x1  }
0xbd: {  	_ =	sfence.sel $0xFFFF  }
0xbe: {  	[dreg:$0x0] =	wrdreg $0xFFFFFFFF;
	(pc) =	sbr.abs _section_cstart, $3  }
0xbf: {  	[dreg:$0x1] =	wrdreg $0xFFFFFFFF  }
0xc0: {  	_ =	task.clear_ibuf [dreg:s6], $0x2FFFF;
	_ =	strace $0x9FFFFFFF  }
0xc1: {  	(tm) =	ssettm $0x7FFFFFFF  }
tec
execute0_lowered:
.L_overlay_start_1:
0x0: {  	(tag) =	ssettag $0x1  }
0x1: {  	s0 =	rddreg [dreg:$0x0];
	s1 =	srdreg.scid  }
0x2: {  	s2 =	simm.s32 $0x0;
	s3 =	stileid.u32;
	s18 =	simm.s32 $0x1  }
0x3: {  	s20 =	simm.s32 $0x880;
	s21 =	simm.s32 $0x1080;
	s22 =	simm.s32 $0x1880  }
0x4: {  	s28 =	simm.s32 $0x4080;
	s29 =	simm.s32 $0x4880;
	s30 =	simm.s32 $0x5080  }
0x5: {  	s31 =	simm.s32 $0x5880;
	s10 =	simm.s32 $0x7080;
	s11 =	simm.s32 $0x7880  }
0x6: {  	s12 =	simm.s32 $0x8080;
	s13 =	simm.s32 $0x8880;
	s14 =	simm.s32 $0x9080  }
0x7: {  	s15 =	simm.s32 $0x9880;
	s16 =	simm.s32 $0xA080;
	s17 =	simm.s32 $0xA880  }
0x8: {  	s9 =	simm.s32 $0xB080;
	s1 =	sand.u32 $0x1, s1;
	[smem:$0x7FF] =	sst s2  }
0x9: {  	s3 =	sshll.u32 s3, $0x7;
	s4 =	sshll.u32 s1, $0x6;
	_ =	strace $0x80000053  }
0xa: {  	s1 =	ssub.s32 $0x2, s1;
	s4 =	sor.u32 s4, s3;
	s3 =	sadd.s32 $0xF3400, s0  }
0xb: {  	s23 =	sshrl.u32 s1, $0x1;
	s5 =	sshrl.u32 s4, $0x3;
	s4 =	sshll.u32 s4, $0x7  }
0xc: {  	s1 =	ssub.s32 s1, s23;
	s23 =	simm.s32 $0x2080;
	s6 =	sadd.s32 s5, s0  }
0xd: {  	s7 =	sadd.s32 s4, s0;
	s4 =	sadd.s32 $0xF3500, s0;
	s24 =	sadd.s32 $0x3000, s6  }
0xe: {  	s5 =	sadd.s32 $0xF3600, s0;
	s8 =	sadd.s32 $0x3400, s7;
	[dreg:$0x2] =	wrdreg s24  }
0xf: {  	s25 =	sadd.s32 $0x3200, s6;
	s6 =	sadd.s32 $0xF3700, s0;
	[dreg:$0x3] =	wrdreg s8  }
0x10: {  	v2 =	vlaneseq.u32;
	s26 =	sadd.s32 $0x43400, s7;
	s7 =	smax.u32 s1, $0x1;
	[dreg:$0x4] =	wrdreg s25  }
0x11: {  	vm0 =	vmmov $0xffff;
	v1 =	vshrl.u32 v2, $0x3;
	s0 =	simm.s32 $0x80;
	[dreg:$0x5] =	wrdreg s26;
	s8 =	simm.s32 $0x2  }
0x12: {  	v0 =	vand.u32 $0x7, v2;
	v2 =	vor.u32 $0x8, v2;
	v1 =	vmul.u32 $0x8, v1;
	s24 =	simm.s32 $0x2880;
	s25 =	simm.s32 $0x3080;
	s26 =	simm.s32 $0x3880  }
.LBB2_1:
0x13: {  	s19 =	rddreg [dreg:$0x2]  }
0x14: {  	[tilespmem:s2], [sflag:$0x2] =	stream.linear.gather [hbm4b:s19+s2], $0x40, $0x38;
	[tilespmem:$0x10080] =	vst v63  }
0x15: {  	_ =	swait.ge [sflag:s8], $0x40  }
0x16: {  	[sflag:s8] =	ssyncset.done $0x0  }
0x17: {  	[sflag:s8] =	ssyncadd.s32 $0xFFFFFFC0  }
0x18: {  	v3 =	vld [tilespmem:$0x0];
	_ =	sdelay $0x4  }
0x19: {  	v4 =	vshll.u32 v3, $0x3  }
0x1a: {  	v3 =	vand.u32 $0x7, v3;
	v4 =	vand.u32 $0xFFFFFFC0, v4  }
0x1b: {  	v3 =	vor.u32 v3, v4  }
0x1c: {  	v4 =	vperm.xlane v3, v0;
	_ =	sdelay $0x1  }
0x1d: {  	v4 =	vadd.s32 v1, v4;
	_ =	sdelay $0x4  }
0x1e: {  	[tilespmem:s0], [sflag:$0x1] =	stream.indirect_vreg.gather [hbm4b:s3+s2], $0x80, v4, vm0, $0xb8;
	[tilespmem:$0x10080] =	vst v63  }
0x1f: {  	v3 =	vperm.xlane v3, v2  }
0x20: {  	[tilespmem:s20], [sflag:$0x1] =	stream.indirect_vreg.gather [hbm4b:s4+s2], $0x80, v4, vm0, $0xb8;
	[tilespmem:$0x10080] =	vst v63  }
0x21: {  	v3 =	vadd.s32 v1, v3  }
0x22: {  	[tilespmem:s21], [sflag:$0x1] =	stream.indirect_vreg.gather [hbm4b:s5+s2], $0x80, v4, vm0, $0xb8;
	[tilespmem:$0x10080] =	vst v63  }
0x23: {  	_ = 	snop  }
0x24: {  	[tilespmem:s22], [sflag:$0x1] =	stream.indirect_vreg.gather [hbm4b:s6+s2], $0x80, v4, vm0, $0xb8;
	[tilespmem:$0x10080] =	vst v63  }
0x25: {  	_ = 	snop  }
0x26: {  	[tilespmem:s23], [sflag:$0x1] =	stream.indirect_vreg.gather [hbm4b:s3+s2], $0x80, v3, vm0, $0xb8;
	[tilespmem:$0x10080] =	vst v63  }
0x27: {  	_ = 	snop  }
0x28: {  	[tilespmem:s24], [sflag:$0x1] =	stream.indirect_vreg.gather [hbm4b:s4+s2], $0x80, v3, vm0, $0xb8;
	[tilespmem:$0x10080] =	vst v63  }
0x29: {  	_ = 	snop  }
0x2a: {  	[tilespmem:s25], [sflag:$0x1] =	stream.indirect_vreg.gather [hbm4b:s5+s2], $0x80, v3, vm0, $0xb8;
	[tilespmem:$0x10080] =	vst v63  }
0x2b: {  	_ = 	snop  }
0x2c: {  	[tilespmem:s26], [sflag:$0x1] =	stream.indirect_vreg.gather [hbm4b:s6+s2], $0x80, v3, vm0, $0xb8;
	[tilespmem:$0x10080] =	vst v63  }
0x2d: {  	v3 =	vld [tilespmem:$0x10];
	_ =	sdelay $0x4  }
0x2e: {  	v57 =	vshll.u32 v3, $0x3  }
0x2f: {  	v3 =	vand.u32 $0x7, v3;
	v4 =	vand.u32 $0xFFFFFFC0, v57  }
0x30: {  	v3 =	vor.u32 v3, v4  }
0x31: {  	v4 =	vperm.xlane v3, v0;
	_ =	sdelay $0x1  }
0x32: {  	v4 =	vadd.s32 v1, v4;
	_ =	sdelay $0x4  }
0x33: {  	[tilespmem:s28], [sflag:$0x1] =	stream.indirect_vreg.gather [hbm4b:s3+s2], $0x80, v4, vm0, $0xb8;
	[tilespmem:$0x10080] =	vst v63  }
0x34: {  	v3 =	vperm.xlane v3, v2  }
0x35: {  	[tilespmem:s29], [sflag:$0x1] =	stream.indirect_vreg.gather [hbm4b:s4+s2], $0x80, v4, vm0, $0xb8;
	[tilespmem:$0x10080] =	vst v63  }
0x36: {  	v3 =	vadd.s32 v1, v3  }
0x37: {  	[tilespmem:s30], [sflag:$0x1] =	stream.indirect_vreg.gather [hbm4b:s5+s2], $0x80, v4, vm0, $0xb8;
	[tilespmem:$0x10080] =	vst v63  }
0x38: {  	_ = 	snop  }
0x39: {  	[tilespmem:s31], [sflag:$0x1] =	stream.indirect_vreg.gather [hbm4b:s6+s2], $0x80, v4, vm0, $0xb8;
	[tilespmem:$0x10080] =	vst v63  }
0x3a: {  	s1 =	simm.s32 $0x6080  }
0x3b: {  	[tilespmem:s1], [sflag:$0x1] =	stream.indirect_vreg.gather [hbm4b:s3+s2], $0x80, v3, vm0, $0xb8;
	[tilespmem:$0x10080] =	vst v63  }
0x3c: {  	s1 =	simm.s32 $0x6880  }
0x3d: {  	[tilespmem:s1], [sflag:$0x1] =	stream.indirect_vreg.gather [hbm4b:s4+s2], $0x80, v3, vm0, $0xb8;
	[tilespmem:$0x10080] =	vst v63  }
0x3e: {  	_ = 	snop  }
0x3f: {  	[tilespmem:s10], [sflag:$0x1] =	stream.indirect_vreg.gather [hbm4b:s5+s2], $0x80, v3, vm0, $0xb8;
	[tilespmem:$0x10080] =	vst v63  }
0x40: {  	_ = 	snop  }
0x41: {  	[tilespmem:s11], [sflag:$0x1] =	stream.indirect_vreg.gather [hbm4b:s6+s2], $0x80, v3, vm0, $0xb8;
	[tilespmem:$0x10080] =	vst v63  }
0x42: {  	v3 =	vld [tilespmem:$0x20];
	_ =	sdelay $0x4  }
0x43: {  	v58 =	vshll.u32 v3, $0x3  }
0x44: {  	v3 =	vand.u32 $0x7, v3;
	v4 =	vand.u32 $0xFFFFFFC0, v58  }
0x45: {  	v3 =	vor.u32 v3, v4  }
0x46: {  	v4 =	vperm.xlane v3, v0;
	_ =	sdelay $0x1  }
0x47: {  	v4 =	vadd.s32 v1, v4;
	_ =	sdelay $0x4  }
0x48: {  	[tilespmem:s12], [sflag:$0x1] =	stream.indirect_vreg.gather [hbm4b:s3+s2], $0x80, v4, vm0, $0xb8;
	[tilespmem:$0x10080] =	vst v63  }
0x49: {  	v3 =	vperm.xlane v3, v2  }
0x4a: {  	[tilespmem:s13], [sflag:$0x1] =	stream.indirect_vreg.gather [hbm4b:s4+s2], $0x80, v4, vm0, $0xb8;
	[tilespmem:$0x10080] =	vst v63  }
0x4b: {  	v3 =	vadd.s32 v1, v3  }
0x4c: {  	[tilespmem:s14], [sflag:$0x1] =	stream.indirect_vreg.gather [hbm4b:s5+s2], $0x80, v4, vm0, $0xb8;
	[tilespmem:$0x10080] =	vst v63  }
0x4d: {  	_ = 	snop  }
0x4e: {  	[tilespmem:s15], [sflag:$0x1] =	stream.indirect_vreg.gather [hbm4b:s6+s2], $0x80, v4, vm0, $0xb8;
	[tilespmem:$0x10080] =	vst v63  }
0x4f: {  	_ = 	snop  }
0x50: {  	[tilespmem:s16], [sflag:$0x1] =	stream.indirect_vreg.gather [hbm4b:s3+s2], $0x80, v3, vm0, $0xb8;
	[tilespmem:$0x10080] =	vst v63  }
0x51: {  	_ = 	snop  }
0x52: {  	[tilespmem:s17], [sflag:$0x1] =	stream.indirect_vreg.gather [hbm4b:s4+s2], $0x80, v3, vm0, $0xb8;
	[tilespmem:$0x10080] =	vst v63  }
0x53: {  	_ = 	snop  }
0x54: {  	[tilespmem:s9], [sflag:$0x1] =	stream.indirect_vreg.gather [hbm4b:s5+s2], $0x80, v3, vm0, $0xb8;
	[tilespmem:$0x10080] =	vst v63  }
0x55: {  	s19 =	simm.s32 $0xB880  }
0x56: {  	[tilespmem:s19], [sflag:$0x1] =	stream.indirect_vreg.gather [hbm4b:s6+s2], $0x80, v3, vm0, $0xb8;
	[tilespmem:$0x10080] =	vst v63  }
0x57: {  	v3 =	vld [tilespmem:$0x30];
	_ =	sdelay $0x4  }
0x58: {  	v59 =	vshll.u32 v3, $0x3  }
0x59: {  	v3 =	vand.u32 $0x7, v3;
	v4 =	vand.u32 $0xFFFFFFC0, v59  }
0x5a: {  	v3 =	vor.u32 v3, v4  }
0x5b: {  	v4 =	vperm.xlane v3, v0;
	_ =	sdelay $0x1  }
0x5c: {  	v4 =	vadd.s32 v1, v4;
	_ =	sdelay $0x3  }
0x5d: {  	s19 =	simm.s32 $0xC080  }
0x5e: {  	[tilespmem:s19], [sflag:$0x1] =	stream.indirect_vreg.gather [hbm4b:s3+s2], $0x80, v4, vm0, $0xb8;
	[tilespmem:$0x10080] =	vst v63  }
0x5f: {  	v3 =	vperm.xlane v3, v2;
	s19 =	simm.s32 $0xC880  }
0x60: {  	[tilespmem:s19], [sflag:$0x1] =	stream.indirect_vreg.gather [hbm4b:s4+s2], $0x80, v4, vm0, $0xb8;
	[tilespmem:$0x10080] =	vst v63  }
0x61: {  	v3 =	vadd.s32 v1, v3;
	s19 =	simm.s32 $0xD080  }
0x62: {  	[tilespmem:s19], [sflag:$0x1] =	stream.indirect_vreg.gather [hbm4b:s5+s2], $0x80, v4, vm0, $0xb8;
	[tilespmem:$0x10080] =	vst v63  }
0x63: {  	s19 =	simm.s32 $0xD880  }
0x64: {  	[tilespmem:s19], [sflag:$0x1] =	stream.indirect_vreg.gather [hbm4b:s6+s2], $0x80, v4, vm0, $0xb8;
	[tilespmem:$0x10080] =	vst v63  }
0x65: {  	s19 =	simm.s32 $0xE080  }
0x66: {  	[tilespmem:s19], [sflag:$0x1] =	stream.indirect_vreg.gather [hbm4b:s3+s2], $0x80, v3, vm0, $0xb8;
	[tilespmem:$0x10080] =	vst v63  }
0x67: {  	s19 =	simm.s32 $0xE880  }
0x68: {  	[tilespmem:s19], [sflag:$0x1] =	stream.indirect_vreg.gather [hbm4b:s4+s2], $0x80, v3, vm0, $0xb8;
	[tilespmem:$0x10080] =	vst v63  }
0x69: {  	s19 =	simm.s32 $0xF080  }
0x6a: {  	[tilespmem:s19], [sflag:$0x1] =	stream.indirect_vreg.gather [hbm4b:s5+s2], $0x80, v3, vm0, $0xb8;
	[tilespmem:$0x10080] =	vst v63  }
0x6b: {  	s19 =	simm.s32 $0xF880  }
0x6c: {  	[tilespmem:s19], [sflag:$0x1] =	stream.indirect_vreg.gather [hbm4b:s6+s2], $0x80, v3, vm0, $0xb8;
	[tilespmem:$0x10080] =	vst v63  }
0x6d: {  	_ =	swait.ge [sflag:s18], $0x10000  }
0x6e: {  	[sflag:s18] =	ssyncset.done $0x0  }
0x6f: {  	s19 =	rddreg [dreg:$0x3];
	[sflag:s18] =	ssyncadd.s32 $0xFFFF0000  }
0x70: {  	[hbm4b:s19+s2] =	stream.linear.scatter [tilespmem:s0], [sflag:$0x2], $0x10000, $0x38;
	[tilespmem:$0x10080] =	vst v63  }
0x71: {  	_ =	swait.ge [sflag:s8], $0x10000  }
0x72: {  	[sflag:s8] =	ssyncset.done $0x0  }
0x73: {  	s19 =	rddreg [dreg:$0x4];
	[sflag:s8] =	ssyncadd.s32 $0xFFFF0000  }
0x74: {  	[tilespmem:s2], [sflag:$0x2] =	stream.linear.gather [hbm4b:s19+s2], $0x40, $0x38;
	[tilespmem:$0x10080] =	vst v63  }
0x75: {  	_ =	swait.ge [sflag:s8], $0x40  }
0x76: {  	[sflag:s8] =	ssyncset.done $0x0  }
0x77: {  	[sflag:s8] =	ssyncadd.s32 $0xFFFFFFC0  }
0x78: {  	v3 =	vld [tilespmem:$0x0];
	_ =	sdelay $0x4  }
0x79: {  	v60 =	vshll.u32 v3, $0x3  }
0x7a: {  	v3 =	vand.u32 $0x7, v3;
	v4 =	vand.u32 $0xFFFFFFC0, v60  }
0x7b: {  	v3 =	vor.u32 v3, v4  }
0x7c: {  	v4 =	vperm.xlane v3, v0;
	_ =	sdelay $0x1  }
0x7d: {  	v4 =	vadd.s32 v1, v4;
	_ =	sdelay $0x4  }
0x7e: {  	[tilespmem:s0], [sflag:$0x1] =	stream.indirect_vreg.gather [hbm4b:s3+s2], $0x80, v4, vm0, $0xb8;
	[tilespmem:$0x10080] =	vst v63  }
0x7f: {  	v3 =	vperm.xlane v3, v2  }
0x80: {  	[tilespmem:s20], [sflag:$0x1] =	stream.indirect_vreg.gather [hbm4b:s4+s2], $0x80, v4, vm0, $0xb8;
	[tilespmem:$0x10080] =	vst v63  }
0x81: {  	v3 =	vadd.s32 v1, v3  }
0x82: {  	[tilespmem:s21], [sflag:$0x1] =	stream.indirect_vreg.gather [hbm4b:s5+s2], $0x80, v4, vm0, $0xb8;
	[tilespmem:$0x10080] =	vst v63  }
0x83: {  	_ = 	snop  }
0x84: {  	[tilespmem:s22], [sflag:$0x1] =	stream.indirect_vreg.gather [hbm4b:s6+s2], $0x80, v4, vm0, $0xb8;
	[tilespmem:$0x10080] =	vst v63  }
0x85: {  	_ = 	snop  }
0x86: {  	[tilespmem:s23], [sflag:$0x1] =	stream.indirect_vreg.gather [hbm4b:s3+s2], $0x80, v3, vm0, $0xb8;
	[tilespmem:$0x10080] =	vst v63  }
0x87: {  	_ = 	snop  }
0x88: {  	[tilespmem:s24], [sflag:$0x1] =	stream.indirect_vreg.gather [hbm4b:s4+s2], $0x80, v3, vm0, $0xb8;
	[tilespmem:$0x10080] =	vst v63  }
0x89: {  	_ = 	snop  }
0x8a: {  	[tilespmem:s25], [sflag:$0x1] =	stream.indirect_vreg.gather [hbm4b:s5+s2], $0x80, v3, vm0, $0xb8;
	[tilespmem:$0x10080] =	vst v63  }
0x8b: {  	_ = 	snop  }
0x8c: {  	[tilespmem:s26], [sflag:$0x1] =	stream.indirect_vreg.gather [hbm4b:s6+s2], $0x80, v3, vm0, $0xb8;
	[tilespmem:$0x10080] =	vst v63  }
0x8d: {  	v3 =	vld [tilespmem:$0x10];
	_ =	sdelay $0x4  }
0x8e: {  	v61 =	vshll.u32 v3, $0x3  }
0x8f: {  	v3 =	vand.u32 $0x7, v3;
	v4 =	vand.u32 $0xFFFFFFC0, v61  }
0x90: {  	v3 =	vor.u32 v3, v4  }
0x91: {  	v4 =	vperm.xlane v3, v0;
	_ =	sdelay $0x1  }
0x92: {  	v4 =	vadd.s32 v1, v4;
	_ =	sdelay $0x4  }
0x93: {  	[tilespmem:s28], [sflag:$0x1] =	stream.indirect_vreg.gather [hbm4b:s3+s2], $0x80, v4, vm0, $0xb8;
	[tilespmem:$0x10080] =	vst v63  }
0x94: {  	v3 =	vperm.xlane v3, v2  }
0x95: {  	[tilespmem:s29], [sflag:$0x1] =	stream.indirect_vreg.gather [hbm4b:s4+s2], $0x80, v4, vm0, $0xb8;
	[tilespmem:$0x10080] =	vst v63  }
0x96: {  	v3 =	vadd.s32 v1, v3  }
0x97: {  	[tilespmem:s30], [sflag:$0x1] =	stream.indirect_vreg.gather [hbm4b:s5+s2], $0x80, v4, vm0, $0xb8;
	[tilespmem:$0x10080] =	vst v63  }
0x98: {  	_ = 	snop  }
0x99: {  	[tilespmem:s31], [sflag:$0x1] =	stream.indirect_vreg.gather [hbm4b:s6+s2], $0x80, v4, vm0, $0xb8;
	[tilespmem:$0x10080] =	vst v63  }
0x9a: {  	s19 =	simm.s32 $0x6080  }
0x9b: {  	[tilespmem:s19], [sflag:$0x1] =	stream.indirect_vreg.gather [hbm4b:s3+s2], $0x80, v3, vm0, $0xb8;
	[tilespmem:$0x10080] =	vst v63  }
0x9c: {  	_ = 	snop  }
0x9d: {  	[tilespmem:s1], [sflag:$0x1] =	stream.indirect_vreg.gather [hbm4b:s4+s2], $0x80, v3, vm0, $0xb8;
	[tilespmem:$0x10080] =	vst v63  }
0x9e: {  	_ = 	snop  }
0x9f: {  	[tilespmem:s10], [sflag:$0x1] =	stream.indirect_vreg.gather [hbm4b:s5+s2], $0x80, v3, vm0, $0xb8;
	[tilespmem:$0x10080] =	vst v63  }
0xa0: {  	_ = 	snop  }
0xa1: {  	[tilespmem:s11], [sflag:$0x1] =	stream.indirect_vreg.gather [hbm4b:s6+s2], $0x80, v3, vm0, $0xb8;
	[tilespmem:$0x10080] =	vst v63  }
0xa2: {  	v3 =	vld [tilespmem:$0x20];
	_ =	sdelay $0x4  }
0xa3: {  	v62 =	vshll.u32 v3, $0x3  }
0xa4: {  	v3 =	vand.u32 $0x7, v3;
	v4 =	vand.u32 $0xFFFFFFC0, v62  }
0xa5: {  	v3 =	vor.u32 v3, v4  }
0xa6: {  	v4 =	vperm.xlane v3, v0;
	_ =	sdelay $0x1  }
0xa7: {  	v4 =	vadd.s32 v1, v4;
	_ =	sdelay $0x4  }
0xa8: {  	[tilespmem:s12], [sflag:$0x1] =	stream.indirect_vreg.gather [hbm4b:s3+s2], $0x80, v4, vm0, $0xb8;
	[tilespmem:$0x10080] =	vst v63  }
0xa9: {  	v3 =	vperm.xlane v3, v2  }
0xaa: {  	[tilespmem:s13], [sflag:$0x1] =	stream.indirect_vreg.gather [hbm4b:s4+s2], $0x80, v4, vm0, $0xb8;
	[tilespmem:$0x10080] =	vst v63  }
0xab: {  	v3 =	vadd.s32 v1, v3  }
0xac: {  	[tilespmem:s14], [sflag:$0x1] =	stream.indirect_vreg.gather [hbm4b:s5+s2], $0x80, v4, vm0, $0xb8;
	[tilespmem:$0x10080] =	vst v63  }
0xad: {  	_ = 	snop  }
0xae: {  	[tilespmem:s15], [sflag:$0x1] =	stream.indirect_vreg.gather [hbm4b:s6+s2], $0x80, v4, vm0, $0xb8;
	[tilespmem:$0x10080] =	vst v63  }
0xaf: {  	_ = 	snop  }
0xb0: {  	[tilespmem:s16], [sflag:$0x1] =	stream.indirect_vreg.gather [hbm4b:s3+s2], $0x80, v3, vm0, $0xb8;
	[tilespmem:$0x10080] =	vst v63  }
0xb1: {  	_ = 	snop  }
0xb2: {  	[tilespmem:s17], [sflag:$0x1] =	stream.indirect_vreg.gather [hbm4b:s4+s2], $0x80, v3, vm0, $0xb8;
	[tilespmem:$0x10080] =	vst v63  }
0xb3: {  	_ = 	snop  }
0xb4: {  	[tilespmem:s9], [sflag:$0x1] =	stream.indirect_vreg.gather [hbm4b:s5+s2], $0x80, v3, vm0, $0xb8;
	[tilespmem:$0x10080] =	vst v63  }
0xb5: {  	s19 =	simm.s32 $0xB880  }
0xb6: {  	[tilespmem:s19], [sflag:$0x1] =	stream.indirect_vreg.gather [hbm4b:s6+s2], $0x80, v3, vm0, $0xb8;
	[tilespmem:$0x10080] =	vst v63  }
0xb7: {  	v3 =	vld [tilespmem:$0x30];
	_ =	sdelay $0x4  }
0xb8: {  	v63 =	vshll.u32 v3, $0x3  }
0xb9: {  	v3 =	vand.u32 $0x7, v3;
	v4 =	vand.u32 $0xFFFFFFC0, v63  }
0xba: {  	v3 =	vor.u32 v3, v4  }
0xbb: {  	v4 =	vperm.xlane v3, v0;
	_ =	sdelay $0x1  }
0xbc: {  	v4 =	vadd.s32 v1, v4;
	_ =	sdelay $0x3  }
0xbd: {  	s19 =	simm.s32 $0xC080  }
0xbe: {  	[tilespmem:s19], [sflag:$0x1] =	stream.indirect_vreg.gather [hbm4b:s3+s2], $0x80, v4, vm0, $0xb8;
	[tilespmem:$0x10080] =	vst v63  }
0xbf: {  	v3 =	vperm.xlane v3, v2;
	s19 =	simm.s32 $0xC880  }
0xc0: {  	[tilespmem:s19], [sflag:$0x1] =	stream.indirect_vreg.gather [hbm4b:s4+s2], $0x80, v4, vm0, $0xb8;
	[tilespmem:$0x10080] =	vst v63  }
0xc1: {  	v3 =	vadd.s32 v1, v3;
	s19 =	simm.s32 $0xD080  }
0xc2: {  	[tilespmem:s19], [sflag:$0x1] =	stream.indirect_vreg.gather [hbm4b:s5+s2], $0x80, v4, vm0, $0xb8;
	[tilespmem:$0x10080] =	vst v63  }
0xc3: {  	s19 =	simm.s32 $0xD880  }
0xc4: {  	[tilespmem:s19], [sflag:$0x1] =	stream.indirect_vreg.gather [hbm4b:s6+s2], $0x80, v4, vm0, $0xb8;
	[tilespmem:$0x10080] =	vst v63  }
0xc5: {  	s19 =	simm.s32 $0xE080  }
0xc6: {  	[tilespmem:s19], [sflag:$0x1] =	stream.indirect_vreg.gather [hbm4b:s3+s2], $0x80, v3, vm0, $0xb8;
	[tilespmem:$0x10080] =	vst v63  }
0xc7: {  	s19 =	simm.s32 $0xE880  }
0xc8: {  	[tilespmem:s19], [sflag:$0x1] =	stream.indirect_vreg.gather [hbm4b:s4+s2], $0x80, v3, vm0, $0xb8;
	[tilespmem:$0x10080] =	vst v63  }
0xc9: {  	s19 =	simm.s32 $0xF080  }
0xca: {  	[tilespmem:s19], [sflag:$0x1] =	stream.indirect_vreg.gather [hbm4b:s5+s2], $0x80, v3, vm0, $0xb8;
	[tilespmem:$0x10080] =	vst v63  }
0xcb: {  	s19 =	simm.s32 $0xF880  }
0xcc: {  	[tilespmem:s19], [sflag:$0x1] =	stream.indirect_vreg.gather [hbm4b:s6+s2], $0x80, v3, vm0, $0xb8;
	[tilespmem:$0x10080] =	vst v63  }
0xcd: {  	_ =	swait.ge [sflag:s18], $0x10000  }
0xce: {  	p0 =	sne.s32 s7, $0x1;
	[sflag:s18] =	ssyncset.done $0x0  }
.Ltmp0:
0xcf: {  	s1 =	rddreg [dreg:$0x5];
	[sflag:s18] =	ssyncadd.s32 $0xFFFF0000;
	(pc) =	sbr.rel @p0 .LBB2_1-.Ltmp0, $4  }
0xd0: {  	[hbm4b:s1+s2] =	stream.linear.scatter [tilespmem:s0], [sflag:$0x2], $0x10000, $0x38;
	[tilespmem:$0x10080] =	vst v63  }
0xd1: {  	_ =	swait.ge [sflag:s8], $0x10000  }
0xd2: {  	[sflag:s8] =	ssyncset.done $0x0  }
0xd3: {  	s7 =	sadd.s32 $0xFFFFFFFF, s7;
	[sflag:s8] =	ssyncadd.s32 $0xFFFF0000  }
0xd4: {  	_ =	sfence.sel $0x180000  }
0xd5: {  	[bflag:$0x0] =	sbarrier.arrive $0xFFFF  }
0xd6: {  	_ =	strace $0x90000053  }
0xd7: {  	s0 =	stileid.u32;
	[bflag:$0x2] =	sbarrier.arrive $0xFFFF  }
0xd8: {  	p0 =	sne.s32 s0, $0x0;
	s0 =	rddreg [dreg:$0x1]  }
0xd9: {  	s0 =	sadd.s32 @!p0 $0x100000, s0  }
0xda: {  	[sflag:s0] =	ssyncadd.tile.s32 @!p0 $0x1;
	_ =	shalt  }
.Lfunc_end2:
_tile_overlayer_lowered:
.L_overlay_start_2:
0xdb: {  	(tag) =	ssettag $0x2  }
0xdc: {  	s0 =	rddreg [dreg:$0x0];
	s2 =	stileid.u32  }
0xdd: {  	s1 =	rddreg [dreg:$0x1];
	p0 =	sne.s32 s2, $0x0  }
0xde: {  	s3 =	rddreg [dreg:$0x2];
	[bflag:$0x3] =	sbarrier.arrive $0xFFFF;
	s2 =	simm.s32 @!p0 $0x1C02  }
0xdf: {  	[timem:s3], [sflag:s2] =	dma.local @!p0 [hbm:s0], s1  }
0xe0: {  	s0 =	simm.s32 @!p0 $0x2  }
0xe1: {  	_ =	swait.ge @!p0 [sflag:s0], s1  }
0xe2: {  	s1 =	ssub.s32 @!p0 $0x0, s1;
	[sflag:s0] =	ssyncset.done @!p0 $0x0  }
0xe3: {  	[sflag:s0] =	ssyncadd.s32 @!p0 s1  }
0xe4: {  	[bflag:$0x3] =	sbarrier.arrive $0xFFFF  }
0xe5: {  	_ =	shalt  }

</sc_bundles>
